<compile_context>
chip_gen: v7x
topology: tpu7x:2x2x1
jax: 0.10.2.dev20260603
libtpu: 0.0.44.dev20260713+nightly
codegen_flags: <defaults>
</compile_context>

<pallas_src>
import functools

import jax
import jax.numpy as jnp
from jax import lax
from jax.experimental import pallas as pl
from jax.experimental.pallas import tpu as pltpu
from jax.experimental.pallas import tpu_sc as plsc

_NC = 2
_NS = 16
_K = 40


@functools.lru_cache(maxsize=None)
def _make_sc_agg(N, C, E):
    NW = _NC * _NS
    EPW = E // NW
    assert E % NW == 0
    K = _K
    assert EPW % K == 0 and K % 8 == 0
    STEPS = EPW // K
    ROWS_PER = 640
    STRIDE = 632
    assert (_NS - 1) * STRIDE + ROWS_PER >= N and N % 8 == 0 and N % 16 == 0

    mesh = plsc.VectorSubcoreMesh(core_axis_name="c", subcore_axis_name="s")

    @functools.partial(
        pl.kernel,
        mesh=mesh,
        compiler_params=pltpu.CompilerParams(needs_layout_passes=False),
        out_type=[
            jax.ShapeDtypeStruct((_NC * N, C), jnp.float32),
            jax.ShapeDtypeStruct((_NC * N,), jnp.float32),
        ],
        scratch_types=[
            pltpu.VMEM((8, K), jnp.int32),
            pltpu.VMEM((8, K), jnp.int32),
            pltpu.VMEM((8, K), jnp.int32),
            pltpu.VMEM((8, K), jnp.int32),
            pltpu.VMEM((K,), jnp.int32),
            pltpu.VMEM((K,), jnp.int32),
            pltpu.VMEM((8 * K,), jnp.int32),
            pltpu.VMEM((8 * K,), jnp.int32),
            pltpu.VMEM((K, C), jnp.float32),
            pltpu.VMEM((K, C), jnp.float32),
            pltpu.VMEM((K, C), jnp.float32),
            pltpu.VMEM((K, C), jnp.float32),
            pltpu.VMEM((N,), jnp.float32),
            pltpu.VMEM((ROWS_PER,), jnp.float32),
            pltpu.VMEM((ROWS_PER,), jnp.float32),
            pltpu.VMEM_SHARED((N, C), jnp.float32),
            pltpu.VMEM_SHARED((_NS * N,), jnp.float32),
        ] + [pltpu.SemaphoreType.DMA] * 14,
    )
    def sc_agg(src_hbm, dst_hbm, srcf_hbm, dstf_hbm, x_hbm, z_hbm,
               agg_out, deg_out,
               dstbP, srcbP, dstbQ, srcbQ, dsti1, srci1, srclP, srclQ,
               rows0, rows1, rows2, rows3,
               cnt, acc, tmp, aggsh, cntsh,
               gsem0, gsem1, gsem2, gsem3, ssem0, ssem1, ssem2, ssem3,
               ip0, ip1, ip2, iq0, iq1, iq2):
        cid = lax.axis_index("c")
        sid = lax.axis_index("s")
        w = cid * _NS + sid

        pltpu.async_copy(dst_hbm.at[w, pl.ds(0, 8)], dstbP, ip0)
        pltpu.async_copy(src_hbm.at[w, pl.ds(0, 8)], srcbP, ip1)
        pltpu.async_copy(
            srcf_hbm.at[pl.ds(pl.multiple_of(w * EPW, 8), 8 * K)], srclP, ip2)

        ones16 = jnp.full((16,), 1.0, dtype=jnp.float32)
        z16 = jnp.zeros((16,), jnp.float32)

        def zero_cnt(i, carry):
            cnt[pl.ds(i * 16, 16)] = z16
            return carry

        lax.fori_loop(0, N // 16, zero_cnt, 0)

        r0 = pl.multiple_of(jnp.minimum(sid * STRIDE, N - ROWS_PER), 8)
        o0 = pl.multiple_of(cid * N + r0, 8)

        pltpu.sync_copy(z_hbm.at[pl.ds(r0, ROWS_PER)],
                        aggsh.at[pl.ds(r0, ROWS_PER)])
        plsc.subcore_barrier()

        rows = (rows0, rows1, rows2, rows3)
        gsems = (gsem0, gsem1, gsem2, gsem3)
        ssems = (ssem0, ssem1, ssem2, ssem3)

        lane = lax.iota(jnp.int32, 16)
        himask = lane >= 8

        def hist1d(ref1d, n):
            for j in range(n // 16):
                idxv = ref1d[pl.ds(16 * j, 16)]
                plsc.addupdate_scatter(cnt, [idxv], ones16)
            if n % 16:
                idxv = ref1d[pl.ds(n - 16, 16)]
                plsc.addupdate_scatter(cnt, [idxv], ones16, mask=himask)

        setP = (dstbP, srcbP, srclP, (ip0, ip1, ip2))
        setQ = (dstbQ, srcbQ, srclQ, (iq0, iq1, iq2))

        def idx_descs(bufs, t):
            dstb, srcb, srcl, isems = bufs
            c0 = pl.multiple_of(8 * t, 8)
            base = pl.multiple_of(w * EPW + c0 * K, 8)
            return (
                (dst_hbm.at[w, pl.ds(c0, 8)], dstb, isems[0]),
                (src_hbm.at[w, pl.ds(c0, 8)], srcb, isems[1]),
                (srcf_hbm.at[pl.ds(base, 8 * K)], srcl, isems[2]),
            )

        def issue_idx(bufs, t):
            for sdm in idx_descs(bufs, t):
                pltpu.async_copy(*sdm)

        def wait_idx(bufs, t):
            for sdm in idx_descs(bufs, t):
                pltpu.make_async_copy(*sdm).wait()

        def drain_tail(bufs):
            _, srcb, _, _ = bufs
            for i in range(4):
                pltpu.make_async_copy(rows[i], aggsh.at[srcb.at[4 + i]],
                                      ssems[i]).wait()

        def run_oct(bufs, t):
            dstb, srcb, srcl, _ = bufs
            gs = [pltpu.async_copy(x_hbm.at[dstb.at[i]], rows[i],
                                   gsems[i]) for i in range(4)]
            hist1d(srcl, 8 * K)
            ss = []
            for i in range(4):
                gs[i].wait()
                ss.append(pltpu.async_copy(rows[i], aggsh.at[srcb.at[i]],
                                           ssems[i], add=True))
            gs2 = []
            for i in range(4):
                ss[i].wait()
                gs2.append(pltpu.async_copy(x_hbm.at[dstb.at[4 + i]], rows[i],
                                            gsems[i]))
            for i in range(4):
                gs2[i].wait()
                pltpu.async_copy(rows[i], aggsh.at[srcb.at[4 + i]],
                                 ssems[i], add=True)

        OCTS = STEPS // 8
        assert OCTS % 2 == 1 and OCTS >= 3
        wait_idx(setP, 0)
        issue_idx(setQ, 1)
        run_oct(setP, 0)

        def doct(i, carry):
            tB = 2 * i + 1
            wait_idx(setQ, tB)
            drain_tail(setP)
            issue_idx(setP, tB + 1)
            run_oct(setQ, tB)
            wait_idx(setP, tB + 1)
            drain_tail(setQ)
            nxt = jnp.minimum(tB + 2, OCTS - 1)
            issue_idx(setQ, nxt)
            run_oct(setP, tB + 1)
            return carry

        lax.fori_loop(0, OCTS // 2, doct, 0)
        drain_tail(setP)
        wait_idx(setQ, OCTS - 1)
        for c in range(8 * OCTS, STEPS):
            base = pl.multiple_of(w * EPW + c * K, 8)
            pltpu.sync_copy(dstf_hbm.at[pl.ds(base, K)], dsti1)
            pltpu.sync_copy(srcf_hbm.at[pl.ds(base, K)], srci1)
            pltpu.async_copy(x_hbm.at[dsti1], rows0, gsem0).wait()
            hist1d(srci1, K)
            pltpu.sync_copy(rows0, aggsh.at[srci1], add=True)
        plsc.subcore_barrier()

        pltpu.sync_copy(aggsh.at[pl.ds(r0, ROWS_PER)],
                        agg_out.at[pl.ds(o0, ROWS_PER)])
        s0 = pl.multiple_of(sid * N, 8)
        pltpu.sync_copy(cnt, cntsh.at[pl.ds(s0, N)])
        plsc.subcore_barrier()

        def zero_acc(i, carry):
            acc[pl.ds(i * 16, 16)] = z16
            return carry

        lax.fori_loop(0, ROWS_PER // 16, zero_acc, 0)

        def combine(r, carry):
            pltpu.sync_copy(cntsh.at[pl.ds(pl.multiple_of(r * N, 8) + r0,
                                           ROWS_PER)], tmp)

            def addv(i, c2):
                acc[pl.ds(i * 16, 16)] = (acc[pl.ds(i * 16, 16)]
                                          + tmp[pl.ds(i * 16, 16)])
                return c2

            lax.fori_loop(0, ROWS_PER // 16, addv, 0)
            return carry

        lax.fori_loop(0, _NS, combine, 0)
        pltpu.sync_copy(acc, deg_out.at[pl.ds(o0, ROWS_PER)])

    return sc_agg


@functools.lru_cache(maxsize=None)
def _make_tc_dense(N, C, D):
    R = 1000
    assert N % R == 0
    G = N // R

    def body(x_ref, a_ref, d_ref, ws_ref, bs_ref, wn_ref, bn_ref, o_ref):
        x = x_ref[...]
        agg = a_ref[0] + a_ref[1]
        deg = d_ref[0] + d_ref[1] + 1.0
        y = (agg + x) * (1.0 / deg)
        h = (jnp.dot(x, ws_ref[...], preferred_element_type=jnp.float32)
             + bs_ref[...]
             + jnp.dot(y, wn_ref[...], preferred_element_type=jnp.float32)
             + bn_ref[...])
        o_ref[...] = 0.5 * h * (1.0 + lax.erf(h * 0.7071067811865476))

    return pl.pallas_call(
        body,
        grid=(G,),
        in_specs=[
            pl.BlockSpec((R, C), lambda i: (i, 0)),
            pl.BlockSpec((_NC, R, C), lambda i: (0, i, 0)),
            pl.BlockSpec((_NC, R, 1), lambda i: (0, i, 0)),
            pl.BlockSpec((C, D), lambda i: (0, 0)),
            pl.BlockSpec((1, D), lambda i: (0, 0)),
            pl.BlockSpec((C, D), lambda i: (0, 0)),
            pl.BlockSpec((1, D), lambda i: (0, 0)),
        ],
        out_specs=pl.BlockSpec((R, D), lambda i: (i, 0)),
        out_shape=jax.ShapeDtypeStruct((N, D), jnp.float32),
    )


def kernel(x, edge_index, W_self, b_self, W_neigh, b_neigh):
    B, N, C = x.shape
    D = W_self.shape[1]
    E = edge_index.shape[1]
    x2d = x.reshape(N, C)
    NW = _NC * _NS
    steps = E // NW // _K
    src = edge_index[0].reshape(NW, steps, _K)
    dst = edge_index[1].reshape(NW, steps, _K)
    z = jnp.zeros((N, C), jnp.float32)

    agg_p, deg_p = _make_sc_agg(N, C, E)(
        src, dst, edge_index[0], edge_index[1], x2d, z)
    out = _make_tc_dense(N, C, D)(
        x2d, agg_p.reshape(_NC, N, C), deg_p.reshape(_NC, N, 1),
        W_self, b_self.reshape(1, D), W_neigh, b_neigh.reshape(1, D))
    return out.reshape(B, N, D)

# --- scband reference (transcript-rebuilt; emitter-appended) ---
"""Pipeline reference for scband-spatial-encoder-45655502356617 (READ-ONLY COPY).

The authoritative reference and input builder live on the scoring server;
editing this copy changes nothing except your own understanding.
"""

import jax, jax.numpy as jnp
import numpy as np

N = 10000
E = 320000
C = 128
HEADS = 2
OUT = 64
D = OUT * HEADS  # 128
B = 1


def setup_inputs(seed: int = 0) -> dict:
    key = jax.random.key(seed)
    k1, k2, k3, k4, k5, k6 = jax.random.split(key, 6)
    x = jax.random.normal(k1, (B, N, C), dtype=jnp.float32)
    edge_index = jax.random.randint(k2, (2, E), 0, N, dtype=jnp.int32)
    # nn.Linear default init: U(-1/sqrt(fan_in), 1/sqrt(fan_in))
    bound = 1.0 / np.sqrt(C)
    W_self = jax.random.uniform(k3, (C, D), minval=-bound, maxval=bound, dtype=jnp.float32)
    b_self = jax.random.uniform(k4, (D,), minval=-bound, maxval=bound, dtype=jnp.float32)
    W_neigh = jax.random.uniform(k5, (C, D), minval=-bound, maxval=bound, dtype=jnp.float32)
    b_neigh = jax.random.uniform(k6, (D,), minval=-bound, maxval=bound, dtype=jnp.float32)
    return {"x": x, "edge_index": edge_index, "W_self": W_self, "b_self": b_self,
            "W_neigh": W_neigh, "b_neigh": b_neigh}


def _agg_with_adj(x, edge_index):
    # Equivalent math to the torch fallback: A_hat = D^{-1} (A + I), y = A_hat @ x.
    # Implemented with gather + scatter-add (segment_sum) instead of densifying A,
    # which is exactly the same arithmetic (sparse_coo_tensor coalesces duplicate
    # edges by summation, identical to scatter-add).
    src = edge_index[0]
    dst = edge_index[1]
    n = x.shape[1]
    ones = jnp.ones(src.shape[0], dtype=x.dtype)
    deg = jax.ops.segment_sum(ones, src, num_segments=n) + 1.0  # +1 for self-loop
    deg = jnp.clip(deg, 1.0, None)
    inv_deg = 1.0 / deg
    gathered = x[:, dst, :]                                      # [B, E, C]
    agg = jax.vmap(lambda g: jax.ops.segment_sum(g, src, num_segments=n))(gathered)
    y = (agg + x) * inv_deg[None, :, None]
    return y


def reference(x, edge_index, W_self, b_self, W_neigh, b_neigh):
    h_self = jnp.einsum('bnc,cd->bnd', x, W_self) + b_self
    h_nei_in = _agg_with_adj(x, edge_index)
    h_nei = jnp.einsum('bnc,cd->bnd', h_nei_in, W_neigh) + b_neigh
    return jax.nn.gelu(h_self + h_nei, approximate=False)

if __name__ == "__main__":
    import jax
    _d = setup_inputs()
    print(jax.jit(kernel)(*tuple(_d.values())))

</pallas_src>

<mosaic_0001>
#map = affine_map<(d0, d1) -> (0, 0, 0)>
#map1 = affine_map<(d0, d1) -> (0)>
#map2 = affine_map<(d0, d1) -> (0, 0)>
module attributes {stable_mosaic.version = 14 : i64} {
  func.func @sc_agg(%arg0: i32, %arg1: i32, %arg2: memref<32x250x40xi32, #tpu.memory_space<hbm>>, %arg3: memref<32x250x40xi32, #tpu.memory_space<hbm>>, %arg4: memref<320000xi32, #tpu.memory_space<hbm>>, %arg5: memref<320000xi32, #tpu.memory_space<hbm>>, %arg6: memref<10000x128xf32, #tpu.memory_space<hbm>>, %arg7: memref<10000x128xf32, #tpu.memory_space<hbm>>, %arg8: memref<20000x128xf32, #tpu.memory_space<hbm>>, %arg9: memref<20000xf32, #tpu.memory_space<hbm>>, %arg10: memref<8x40xi32, #tpu.memory_space<vmem>>, %arg11: memref<8x40xi32, #tpu.memory_space<vmem>>, %arg12: memref<8x40xi32, #tpu.memory_space<vmem>>, %arg13: memref<8x40xi32, #tpu.memory_space<vmem>>, %arg14: memref<40xi32, #tpu.memory_space<vmem>>, %arg15: memref<40xi32, #tpu.memory_space<vmem>>, %arg16: memref<320xi32, #tpu.memory_space<vmem>>, %arg17: memref<320xi32, #tpu.memory_space<vmem>>, %arg18: memref<40x128xf32, #tpu.memory_space<vmem>>, %arg19: memref<40x128xf32, #tpu.memory_space<vmem>>, %arg20: memref<40x128xf32, #tpu.memory_space<vmem>>, %arg21: memref<40x128xf32, #tpu.memory_space<vmem>>, %arg22: memref<10000xf32, #tpu.memory_space<vmem>>, %arg23: memref<640xf32, #tpu.memory_space<vmem>>, %arg24: memref<640xf32, #tpu.memory_space<vmem>>, %arg25: memref<10000x128xf32, #tpu.memory_space<vmem_shared>>, %arg26: memref<160000xf32, #tpu.memory_space<vmem_shared>>, %arg27: memref<!tpu.dma_semaphore, #tpu.memory_space<semaphore_mem>>, %arg28: memref<!tpu.dma_semaphore, #tpu.memory_space<semaphore_mem>>, %arg29: memref<!tpu.dma_semaphore, #tpu.memory_space<semaphore_mem>>, %arg30: memref<!tpu.dma_semaphore, #tpu.memory_space<semaphore_mem>>, %arg31: memref<!tpu.dma_semaphore, #tpu.memory_space<semaphore_mem>>, %arg32: memref<!tpu.dma_semaphore, #tpu.memory_space<semaphore_mem>>, %arg33: memref<!tpu.dma_semaphore, #tpu.memory_space<semaphore_mem>>, %arg34: memref<!tpu.dma_semaphore, #tpu.memory_space<semaphore_mem>>, %arg35: memref<!tpu.dma_semaphore, #tpu.memory_space<semaphore_mem>>, %arg36: memref<!tpu.dma_semaphore, #tpu.memory_space<semaphore_mem>>, %arg37: memref<!tpu.dma_semaphore, #tpu.memory_space<semaphore_mem>>, %arg38: memref<!tpu.dma_semaphore, #tpu.memory_space<semaphore_mem>>, %arg39: memref<!tpu.dma_semaphore, #tpu.memory_space<semaphore_mem>>, %arg40: memref<!tpu.dma_semaphore, #tpu.memory_space<semaphore_mem>>) attributes {dimension_semantics = [#tpu.dimension_semantics<core_parallel>, #tpu.dimension_semantics<subcore_parallel>], iteration_bounds = array<i64: 2, 16>, scalar_prefetch = 0 : i64, scratch_operands = 31 : i64, tpu.core_type = #tpu.core_type<sc_vector_subcore>, window_params = [{transform_indices = #map}, {transform_indices = #map}, {transform_indices = #map1}, {transform_indices = #map1}, {transform_indices = #map2}, {transform_indices = #map2}, {transform_indices = #map2}, {transform_indices = #map1}]} {
    %mul3A = arith.constant 16 : i32
    %mul3A_0 = arith.muli %arg0, %mul3A : i32
    %add3A = arith.addi %mul3A_0, %arg1 : i32
    %dma_start3A = arith.constant 0 : i32
    %dma_start3A_1 = arith.constant 0 : i32
    %dma_start3A_2 = tpu.memref_slice %arg3[%add3A, %dma_start3A, %dma_start3A_1] : memref<32x250x40xi32, #tpu.memory_space<hbm>> -> memref<1x8x40xi32, #tpu.memory_space<hbm>>
    %dma_start3A_3 = tpu.memref_squeeze %dma_start3A_2 : memref<1x8x40xi32, #tpu.memory_space<hbm>> -> memref<8x40xi32, #tpu.memory_space<hbm>>
    %dma_start3A_4 = arith.constant 0 : i32
    %dma_start3A_5 = arith.constant 0 : i32
    %dma_start3A_6 = tpu.memref_slice %arg3[%add3A, %dma_start3A_4, %dma_start3A_5] : memref<32x250x40xi32, #tpu.memory_space<hbm>> -> memref<1x8x40xi32, #tpu.memory_space<hbm>>
    %dma_start3A_7 = tpu.memref_squeeze %dma_start3A_6 : memref<1x8x40xi32, #tpu.memory_space<hbm>> -> memref<8x40xi32, #tpu.memory_space<hbm>>
    tpu.enqueue_dma source(%dma_start3A_7 : memref<8x40xi32, #tpu.memory_space<hbm>>) target(%arg10 : memref<8x40xi32, #tpu.memory_space<vmem>>) target_semaphore(%arg35 : memref<!tpu.dma_semaphore, #tpu.memory_space<semaphore_mem>>)
    %dma_start3A_8 = arith.constant 0 : i32
    %dma_start3A_9 = arith.constant 0 : i32
    %dma_start3A_10 = tpu.memref_slice %arg2[%add3A, %dma_start3A_8, %dma_start3A_9] : memref<32x250x40xi32, #tpu.memory_space<hbm>> -> memref<1x8x40xi32, #tpu.memory_space<hbm>>
    %dma_start3A_11 = tpu.memref_squeeze %dma_start3A_10 : memref<1x8x40xi32, #tpu.memory_space<hbm>> -> memref<8x40xi32, #tpu.memory_space<hbm>>
    %dma_start3A_12 = arith.constant 0 : i32
    %dma_start3A_13 = arith.constant 0 : i32
    %dma_start3A_14 = tpu.memref_slice %arg2[%add3A, %dma_start3A_12, %dma_start3A_13] : memref<32x250x40xi32, #tpu.memory_space<hbm>> -> memref<1x8x40xi32, #tpu.memory_space<hbm>>
    %dma_start3A_15 = tpu.memref_squeeze %dma_start3A_14 : memref<1x8x40xi32, #tpu.memory_space<hbm>> -> memref<8x40xi32, #tpu.memory_space<hbm>>
    tpu.enqueue_dma source(%dma_start3A_15 : memref<8x40xi32, #tpu.memory_space<hbm>>) target(%arg11 : memref<8x40xi32, #tpu.memory_space<vmem>>) target_semaphore(%arg36 : memref<!tpu.dma_semaphore, #tpu.memory_space<semaphore_mem>>)
    %mul3A_16 = arith.constant 10000 : i32
    %mul3A_17 = arith.muli %add3A, %mul3A_16 : i32
    %multiple_of3A = tpu.assume_multiple %mul3A_17, 8 : i32
    %dma_start3A_18 = tpu.memref_slice %arg4[%multiple_of3A] : memref<320000xi32, #tpu.memory_space<hbm>> -> memref<320xi32, #tpu.memory_space<hbm>>
    %dma_start3A_19 = tpu.memref_slice %arg4[%multiple_of3A] : memref<320000xi32, #tpu.memory_space<hbm>> -> memref<320xi32, #tpu.memory_space<hbm>>
    tpu.enqueue_dma source(%dma_start3A_19 : memref<320xi32, #tpu.memory_space<hbm>>) target(%arg16 : memref<320xi32, #tpu.memory_space<vmem>>) target_semaphore(%arg37 : memref<!tpu.dma_semaphore, #tpu.memory_space<semaphore_mem>>)
    %broadcast_in_dim3A = arith.constant 1.000000e+00 : f32
    %broadcast_in_dim3A_20 = vector.broadcast %broadcast_in_dim3A : f32 to vector<16xf32>
    %broadcast_in_dim3A_21 = arith.constant 0.000000e+00 : f32
    %broadcast_in_dim3A_22 = vector.broadcast %broadcast_in_dim3A_21 : f32 to vector<16xf32>
    %scan3A = arith.constant 0 : i32
    %scan3A_23 = arith.constant 0 : i32
    %scan3A_24 = arith.constant 625 : i32
    %scan3A_25 = arith.addi %scan3A_23, %scan3A_24 : i32
    %scan3A_26 = arith.constant 1 : i32
    scf.for %scan3A_423 = %scan3A_23 to %scan3A_25 step %scan3A_26  : i32 {
      %mul3A_424 = arith.constant 16 : i32
      %mul3A_425 = arith.muli %scan3A_423, %mul3A_424 : i32
      %swap3A = arith.index_cast %mul3A_425 : i32 to index
      %swap3A_426 = tpu.vector_load %arg22[%swap3A] {strides = array<i32>} : memref<10000xf32, #tpu.memory_space<vmem>>, vector<16xf32>,
      tpu.vector_store %arg22[%swap3A], %broadcast_in_dim3A_22 {strides = array<i32>} : memref<10000xf32, #tpu.memory_space<vmem>>, vector<16xf32>,
    }
    %scan3A_27 = arith.constant 625 : i32
    %mul3A_28 = arith.constant 632 : i32
    %mul3A_29 = arith.muli %arg1, %mul3A_28 : i32
    %min3A = arith.constant 9360 : i32
    %min3A_30 = arith.minsi %mul3A_29, %min3A : i32
    %multiple_of3A_31 = tpu.assume_multiple %min3A_30, 8 : i32
    %mul3A_32 = arith.constant 10000 : i32
    %mul3A_33 = arith.muli %arg0, %mul3A_32 : i32
    %add3A_34 = arith.addi %mul3A_33, %multiple_of3A_31 : i32
    %multiple_of3A_35 = tpu.assume_multiple %add3A_34, 8 : i32
    "tpu.region"() ({
      %run_scoped3A = tpu.sem_alloc : memref<!tpu.dma_semaphore, #tpu.memory_space<semaphore_mem>>
      %dma_start3A_423 = arith.constant 0 : i32
      %dma_start3A_424 = tpu.memref_slice %arg25[%multiple_of3A_31, %dma_start3A_423] : memref<10000x128xf32, #tpu.memory_space<vmem_shared>> -> memref<640x128xf32, #tpu.memory_space<vmem_shared>>
      %dma_start3A_425 = arith.constant 0 : i32
      %dma_start3A_426 = tpu.memref_slice %arg7[%multiple_of3A_31, %dma_start3A_425] : memref<10000x128xf32, #tpu.memory_space<hbm>> -> memref<640x128xf32, #tpu.memory_space<hbm>>
      tpu.enqueue_dma source(%dma_start3A_426 : memref<640x128xf32, #tpu.memory_space<hbm>>) target(%dma_start3A_424 : memref<640x128xf32, #tpu.memory_space<vmem_shared>>) target_semaphore(%run_scoped3A : memref<!tpu.dma_semaphore, #tpu.memory_space<semaphore_mem>>)
      %dma_wait3A_427 = arith.constant 0 : i32
      %dma_wait3A_428 = tpu.memref_slice %arg25[%multiple_of3A_31, %dma_wait3A_427] : memref<10000x128xf32, #tpu.memory_space<vmem_shared>> -> memref<640x128xf32, #tpu.memory_space<vmem_shared>>
      %dma_wait3A_429 = arith.constant 0 : i32
      %dma_wait3A_430 = tpu.memref_slice %arg7[%multiple_of3A_31, %dma_wait3A_429] : memref<10000x128xf32, #tpu.memory_space<hbm>> -> memref<640x128xf32, #tpu.memory_space<hbm>>
      tpu.wait_dma2 semaphore(%run_scoped3A : memref<!tpu.dma_semaphore, #tpu.memory_space<semaphore_mem>>) src(%dma_wait3A_430 : memref<640x128xf32, #tpu.memory_space<hbm>>) dst(%dma_wait3A_428 : memref<640x128xf32, #tpu.memory_space<vmem_shared>>)
      tpu.yield
    }) : () -> ()
    %barrier3A = arith.constant 0 : index
    tpu.barrier barrier_id(%barrier3A)
    %iota3A = tpu.iota {dimensions = array<i32: 0>} : vector<16xi32>
    %ge3A = arith.constant 8 : i32
    %ge3A_36 = vector.broadcast %ge3A : i32 to vector<16xi32>
    %ge3A_37 = arith.cmpi sge, %iota3A, %ge3A_36 : vector<16xi32>
    %multiple_of3A_38 = arith.constant 0 : i32
    %multiple_of3A_39 = tpu.assume_multiple %multiple_of3A_38, 8 : i32
    %mul3A_40 = arith.constant 10000 : i32
    %mul3A_41 = arith.muli %add3A, %mul3A_40 : i32
    %mul3A_42 = arith.constant 40 : i32
    %mul3A_43 = arith.muli %multiple_of3A_39, %mul3A_42 : i32
    %add3A_44 = arith.addi %mul3A_41, %mul3A_43 : i32
    %multiple_of3A_45 = tpu.assume_multiple %add3A_44, 8 : i32
    %dma_wait3A = arith.constant 0 : i32
    %dma_wait3A_46 = tpu.memref_slice %arg3[%add3A, %multiple_of3A_39, %dma_wait3A] : memref<32x250x40xi32, #tpu.memory_space<hbm>> -> memref<1x8x40xi32, #tpu.memory_space<hbm>>
    %dma_wait3A_47 = tpu.memref_squeeze %dma_wait3A_46 : memref<1x8x40xi32, #tpu.memory_space<hbm>> -> memref<8x40xi32, #tpu.memory_space<hbm>>
    %dma_wait3A_48 = arith.constant 0 : i32
    %dma_wait3A_49 = tpu.memref_slice %arg3[%add3A, %multiple_of3A_39, %dma_wait3A_48] : memref<32x250x40xi32, #tpu.memory_space<hbm>> -> memref<1x8x40xi32, #tpu.memory_space<hbm>>
    %dma_wait3A_50 = tpu.memref_squeeze %dma_wait3A_49 : memref<1x8x40xi32, #tpu.memory_space<hbm>> -> memref<8x40xi32, #tpu.memory_space<hbm>>
    tpu.wait_dma2 semaphore(%arg35 : memref<!tpu.dma_semaphore, #tpu.memory_space<semaphore_mem>>) src(%dma_wait3A_50 : memref<8x40xi32, #tpu.memory_space<hbm>>) dst(%arg10 : memref<8x40xi32, #tpu.memory_space<vmem>>)
    %dma_wait3A_51 = arith.constant 0 : i32
    %dma_wait3A_52 = tpu.memref_slice %arg2[%add3A, %multiple_of3A_39, %dma_wait3A_51] : memref<32x250x40xi32, #tpu.memory_space<hbm>> -> memref<1x8x40xi32, #tpu.memory_space<hbm>>
    %dma_wait3A_53 = tpu.memref_squeeze %dma_wait3A_52 : memref<1x8x40xi32, #tpu.memory_space<hbm>> -> memref<8x40xi32, #tpu.memory_space<hbm>>
    %dma_wait3A_54 = arith.constant 0 : i32
    %dma_wait3A_55 = tpu.memref_slice %arg2[%add3A, %multiple_of3A_39, %dma_wait3A_54] : memref<32x250x40xi32, #tpu.memory_space<hbm>> -> memref<1x8x40xi32, #tpu.memory_space<hbm>>
    %dma_wait3A_56 = tpu.memref_squeeze %dma_wait3A_55 : memref<1x8x40xi32, #tpu.memory_space<hbm>> -> memref<8x40xi32, #tpu.memory_space<hbm>>
    tpu.wait_dma2 semaphore(%arg36 : memref<!tpu.dma_semaphore, #tpu.memory_space<semaphore_mem>>) src(%dma_wait3A_56 : memref<8x40xi32, #tpu.memory_space<hbm>>) dst(%arg11 : memref<8x40xi32, #tpu.memory_space<vmem>>)
    %dma_wait3A_57 = tpu.memref_slice %arg4[%multiple_of3A_45] : memref<320000xi32, #tpu.memory_space<hbm>> -> memref<320xi32, #tpu.memory_space<hbm>>
    %dma_wait3A_58 = tpu.memref_slice %arg4[%multiple_of3A_45] : memref<320000xi32, #tpu.memory_space<hbm>> -> memref<320xi32, #tpu.memory_space<hbm>>
    tpu.wait_dma2 semaphore(%arg37 : memref<!tpu.dma_semaphore, #tpu.memory_space<semaphore_mem>>) src(%dma_wait3A_58 : memref<320xi32, #tpu.memory_space<hbm>>) dst(%arg16 : memref<320xi32, #tpu.memory_space<vmem>>)
    %multiple_of3A_59 = arith.constant 8 : i32
    %multiple_of3A_60 = tpu.assume_multiple %multiple_of3A_59, 8 : i32
    %mul3A_61 = arith.constant 10000 : i32
    %mul3A_62 = arith.muli %add3A, %mul3A_61 : i32
    %mul3A_63 = arith.constant 40 : i32
    %mul3A_64 = arith.muli %multiple_of3A_60, %mul3A_63 : i32
    %add3A_65 = arith.addi %mul3A_62, %mul3A_64 : i32
    %multiple_of3A_66 = tpu.assume_multiple %add3A_65, 8 : i32
    %dma_start3A_67 = arith.constant 0 : i32
    %dma_start3A_68 = tpu.memref_slice %arg3[%add3A, %multiple_of3A_60, %dma_start3A_67] : memref<32x250x40xi32, #tpu.memory_space<hbm>> -> memref<1x8x40xi32, #tpu.memory_space<hbm>>
    %dma_start3A_69 = tpu.memref_squeeze %dma_start3A_68 : memref<1x8x40xi32, #tpu.memory_space<hbm>> -> memref<8x40xi32, #tpu.memory_space<hbm>>
    %dma_start3A_70 = arith.constant 0 : i32
    %dma_start3A_71 = tpu.memref_slice %arg3[%add3A, %multiple_of3A_60, %dma_start3A_70] : memref<32x250x40xi32, #tpu.memory_space<hbm>> -> memref<1x8x40xi32, #tpu.memory_space<hbm>>
    %dma_start3A_72 = tpu.memref_squeeze %dma_start3A_71 : memref<1x8x40xi32, #tpu.memory_space<hbm>> -> memref<8x40xi32, #tpu.memory_space<hbm>>
    tpu.enqueue_dma source(%dma_start3A_72 : memref<8x40xi32, #tpu.memory_space<hbm>>) target(%arg12 : memref<8x40xi32, #tpu.memory_space<vmem>>) target_semaphore(%arg38 : memref<!tpu.dma_semaphore, #tpu.memory_space<semaphore_mem>>)
    %dma_start3A_73 = arith.constant 0 : i32
    %dma_start3A_74 = tpu.memref_slice %arg2[%add3A, %multiple_of3A_60, %dma_start3A_73] : memref<32x250x40xi32, #tpu.memory_space<hbm>> -> memref<1x8x40xi32, #tpu.memory_space<hbm>>
    %dma_start3A_75 = tpu.memref_squeeze %dma_start3A_74 : memref<1x8x40xi32, #tpu.memory_space<hbm>> -> memref<8x40xi32, #tpu.memory_space<hbm>>
    %dma_start3A_76 = arith.constant 0 : i32
    %dma_start3A_77 = tpu.memref_slice %arg2[%add3A, %multiple_of3A_60, %dma_start3A_76] : memref<32x250x40xi32, #tpu.memory_space<hbm>> -> memref<1x8x40xi32, #tpu.memory_space<hbm>>
    %dma_start3A_78 = tpu.memref_squeeze %dma_start3A_77 : memref<1x8x40xi32, #tpu.memory_space<hbm>> -> memref<8x40xi32, #tpu.memory_space<hbm>>
    tpu.enqueue_dma source(%dma_start3A_78 : memref<8x40xi32, #tpu.memory_space<hbm>>) target(%arg13 : memref<8x40xi32, #tpu.memory_space<vmem>>) target_semaphore(%arg39 : memref<!tpu.dma_semaphore, #tpu.memory_space<semaphore_mem>>)
    %dma_start3A_79 = tpu.memref_slice %arg4[%multiple_of3A_66] : memref<320000xi32, #tpu.memory_space<hbm>> -> memref<320xi32, #tpu.memory_space<hbm>>
    %dma_start3A_80 = tpu.memref_slice %arg4[%multiple_of3A_66] : memref<320000xi32, #tpu.memory_space<hbm>> -> memref<320xi32, #tpu.memory_space<hbm>>
    tpu.enqueue_dma source(%dma_start3A_80 : memref<320xi32, #tpu.memory_space<hbm>>) target(%arg17 : memref<320xi32, #tpu.memory_space<vmem>>) target_semaphore(%arg40 : memref<!tpu.dma_semaphore, #tpu.memory_space<semaphore_mem>>)
    %dma_start3A_81 = arith.constant 0 : i32
    %dma_start3A_82 = arith.constant 0 : i32
    %dma_start3A_83 = tpu.memref_slice %arg10[%dma_start3A_81, %dma_start3A_82] : memref<8x40xi32, #tpu.memory_space<vmem>> -> memref<1x40xi32, #tpu.memory_space<vmem>>
    %dma_start3A_84 = tpu.memref_squeeze %dma_start3A_83 : memref<1x40xi32, #tpu.memory_space<vmem>> -> memref<40xi32, #tpu.memory_space<vmem>>
    %dma_start3A_85 = arith.constant 0 : i32
    %dma_start3A_86 = arith.constant 0 : i32
    %dma_start3A_87 = tpu.memref_slice %arg6[%dma_start3A_85, %dma_start3A_86] : memref<10000x128xf32, #tpu.memory_space<hbm>> -> memref<10000x128xf32, #tpu.memory_space<hbm>>
    tpu.enqueue_indirect_dma source(%dma_start3A_87 : memref<10000x128xf32, #tpu.memory_space<hbm>>) target(%arg18 : memref<40x128xf32, #tpu.memory_space<vmem>>) offsets(%dma_start3A_84 : memref<40xi32, #tpu.memory_space<vmem>>) semaphore(%arg27 : memref<!tpu.dma_semaphore, #tpu.memory_space<semaphore_mem>>)
    %dma_start3A_88 = arith.constant 1 : i32
    %dma_start3A_89 = arith.constant 0 : i32
    %dma_start3A_90 = tpu.memref_slice %arg10[%dma_start3A_88, %dma_start3A_89] : memref<8x40xi32, #tpu.memory_space<vmem>> -> memref<1x40xi32, #tpu.memory_space<vmem>>
    %dma_start3A_91 = tpu.memref_squeeze %dma_start3A_90 : memref<1x40xi32, #tpu.memory_space<vmem>> -> memref<40xi32, #tpu.memory_space<vmem>>
    %dma_start3A_92 = arith.constant 0 : i32
    %dma_start3A_93 = arith.constant 0 : i32
    %dma_start3A_94 = tpu.memref_slice %arg6[%dma_start3A_92, %dma_start3A_93] : memref<10000x128xf32, #tpu.memory_space<hbm>> -> memref<10000x128xf32, #tpu.memory_space<hbm>>
    tpu.enqueue_indirect_dma source(%dma_start3A_94 : memref<10000x128xf32, #tpu.memory_space<hbm>>) target(%arg19 : memref<40x128xf32, #tpu.memory_space<vmem>>) offsets(%dma_start3A_91 : memref<40xi32, #tpu.memory_space<vmem>>) semaphore(%arg28 : memref<!tpu.dma_semaphore, #tpu.memory_space<semaphore_mem>>)
    %dma_start3A_95 = arith.constant 2 : i32
    %dma_start3A_96 = arith.constant 0 : i32
    %dma_start3A_97 = tpu.memref_slice %arg10[%dma_start3A_95, %dma_start3A_96] : memref<8x40xi32, #tpu.memory_space<vmem>> -> memref<1x40xi32, #tpu.memory_space<vmem>>
    %dma_start3A_98 = tpu.memref_squeeze %dma_start3A_97 : memref<1x40xi32, #tpu.memory_space<vmem>> -> memref<40xi32, #tpu.memory_space<vmem>>
    %dma_start3A_99 = arith.constant 0 : i32
    %dma_start3A_100 = arith.constant 0 : i32
    %dma_start3A_101 = tpu.memref_slice %arg6[%dma_start3A_99, %dma_start3A_100] : memref<10000x128xf32, #tpu.memory_space<hbm>> -> memref<10000x128xf32, #tpu.memory_space<hbm>>
    tpu.enqueue_indirect_dma source(%dma_start3A_101 : memref<10000x128xf32, #tpu.memory_space<hbm>>) target(%arg20 : memref<40x128xf32, #tpu.memory_space<vmem>>) offsets(%dma_start3A_98 : memref<40xi32, #tpu.memory_space<vmem>>) semaphore(%arg29 : memref<!tpu.dma_semaphore, #tpu.memory_space<semaphore_mem>>)
    %dma_start3A_102 = arith.constant 3 : i32
    %dma_start3A_103 = arith.constant 0 : i32
    %dma_start3A_104 = tpu.memref_slice %arg10[%dma_start3A_102, %dma_start3A_103] : memref<8x40xi32, #tpu.memory_space<vmem>> -> memref<1x40xi32, #tpu.memory_space<vmem>>
    %dma_start3A_105 = tpu.memref_squeeze %dma_start3A_104 : memref<1x40xi32, #tpu.memory_space<vmem>> -> memref<40xi32, #tpu.memory_space<vmem>>
    %dma_start3A_106 = arith.constant 0 : i32
    %dma_start3A_107 = arith.constant 0 : i32
    %dma_start3A_108 = tpu.memref_slice %arg6[%dma_start3A_106, %dma_start3A_107] : memref<10000x128xf32, #tpu.memory_space<hbm>> -> memref<10000x128xf32, #tpu.memory_space<hbm>>
    tpu.enqueue_indirect_dma source(%dma_start3A_108 : memref<10000x128xf32, #tpu.memory_space<hbm>>) target(%arg21 : memref<40x128xf32, #tpu.memory_space<vmem>>) offsets(%dma_start3A_105 : memref<40xi32, #tpu.memory_space<vmem>>) semaphore(%arg30 : memref<!tpu.dma_semaphore, #tpu.memory_space<semaphore_mem>>)
    %get3A = arith.constant 0 : index
    %get3A_109 = tpu.vector_load %arg16[%get3A] {strides = array<i32>} : memref<320xi32, #tpu.memory_space<vmem>>, vector<16xi32>,
    tpu.vector_store_idx %arg22[%get3A_109], %broadcast_in_dim3A_20 {add = true} : memref<10000xf32, #tpu.memory_space<vmem>>[vector<16xi32>], vector<16xf32>,
    %get3A_110 = arith.constant 16 : index
    %get3A_111 = tpu.vector_load %arg16[%get3A_110] {strides = array<i32>} : memref<320xi32, #tpu.memory_space<vmem>>, vector<16xi32>,
    tpu.vector_store_idx %arg22[%get3A_111], %broadcast_in_dim3A_20 {add = true} : memref<10000xf32, #tpu.memory_space<vmem>>[vector<16xi32>], vector<16xf32>,
    %get3A_112 = arith.constant 32 : index
    %get3A_113 = tpu.vector_load %arg16[%get3A_112] {strides = array<i32>} : memref<320xi32, #tpu.memory_space<vmem>>, vector<16xi32>,
    tpu.vector_store_idx %arg22[%get3A_113], %broadcast_in_dim3A_20 {add = true} : memref<10000xf32, #tpu.memory_space<vmem>>[vector<16xi32>], vector<16xf32>,
    %get3A_114 = arith.constant 48 : index
    %get3A_115 = tpu.vector_load %arg16[%get3A_114] {strides = array<i32>} : memref<320xi32, #tpu.memory_space<vmem>>, vector<16xi32>,
    tpu.vector_store_idx %arg22[%get3A_115], %broadcast_in_dim3A_20 {add = true} : memref<10000xf32, #tpu.memory_space<vmem>>[vector<16xi32>], vector<16xf32>,
    %get3A_116 = arith.constant 64 : index
    %get3A_117 = tpu.vector_load %arg16[%get3A_116] {strides = array<i32>} : memref<320xi32, #tpu.memory_space<vmem>>, vector<16xi32>,
    tpu.vector_store_idx %arg22[%get3A_117], %broadcast_in_dim3A_20 {add = true} : memref<10000xf32, #tpu.memory_space<vmem>>[vector<16xi32>], vector<16xf32>,
    %get3A_118 = arith.constant 80 : index
    %get3A_119 = tpu.vector_load %arg16[%get3A_118] {strides = array<i32>} : memref<320xi32, #tpu.memory_space<vmem>>, vector<16xi32>,
    tpu.vector_store_idx %arg22[%get3A_119], %broadcast_in_dim3A_20 {add = true} : memref<10000xf32, #tpu.memory_space<vmem>>[vector<16xi32>], vector<16xf32>,
    %get3A_120 = arith.constant 96 : index
    %get3A_121 = tpu.vector_load %arg16[%get3A_120] {strides = array<i32>} : memref<320xi32, #tpu.memory_space<vmem>>, vector<16xi32>,
    tpu.vector_store_idx %arg22[%get3A_121], %broadcast_in_dim3A_20 {add = true} : memref<10000xf32, #tpu.memory_space<vmem>>[vector<16xi32>], vector<16xf32>,
    %get3A_122 = arith.constant 112 : index
    %get3A_123 = tpu.vector_load %arg16[%get3A_122] {strides = array<i32>} : memref<320xi32, #tpu.memory_space<vmem>>, vector<16xi32>,
    tpu.vector_store_idx %arg22[%get3A_123], %broadcast_in_dim3A_20 {add = true} : memref<10000xf32, #tpu.memory_space<vmem>>[vector<16xi32>], vector<16xf32>,
    %get3A_124 = arith.constant 128 : index
    %get3A_125 = tpu.vector_load %arg16[%get3A_124] {strides = array<i32>} : memref<320xi32, #tpu.memory_space<vmem>>, vector<16xi32>,
    tpu.vector_store_idx %arg22[%get3A_125], %broadcast_in_dim3A_20 {add = true} : memref<10000xf32, #tpu.memory_space<vmem>>[vector<16xi32>], vector<16xf32>,
    %get3A_126 = arith.constant 144 : index
    %get3A_127 = tpu.vector_load %arg16[%get3A_126] {strides = array<i32>} : memref<320xi32, #tpu.memory_space<vmem>>, vector<16xi32>,
    tpu.vector_store_idx %arg22[%get3A_127], %broadcast_in_dim3A_20 {add = true} : memref<10000xf32, #tpu.memory_space<vmem>>[vector<16xi32>], vector<16xf32>,
    %get3A_128 = arith.constant 160 : index
    %get3A_129 = tpu.vector_load %arg16[%get3A_128] {strides = array<i32>} : memref<320xi32, #tpu.memory_space<vmem>>, vector<16xi32>,
    tpu.vector_store_idx %arg22[%get3A_129], %broadcast_in_dim3A_20 {add = true} : memref<10000xf32, #tpu.memory_space<vmem>>[vector<16xi32>], vector<16xf32>,
    %get3A_130 = arith.constant 176 : index
    %get3A_131 = tpu.vector_load %arg16[%get3A_130] {strides = array<i32>} : memref<320xi32, #tpu.memory_space<vmem>>, vector<16xi32>,
    tpu.vector_store_idx %arg22[%get3A_131], %broadcast_in_dim3A_20 {add = true} : memref<10000xf32, #tpu.memory_space<vmem>>[vector<16xi32>], vector<16xf32>,
    %get3A_132 = arith.constant 192 : index
    %get3A_133 = tpu.vector_load %arg16[%get3A_132] {strides = array<i32>} : memref<320xi32, #tpu.memory_space<vmem>>, vector<16xi32>,
    tpu.vector_store_idx %arg22[%get3A_133], %broadcast_in_dim3A_20 {add = true} : memref<10000xf32, #tpu.memory_space<vmem>>[vector<16xi32>], vector<16xf32>,
    %get3A_134 = arith.constant 208 : index
    %get3A_135 = tpu.vector_load %arg16[%get3A_134] {strides = array<i32>} : memref<320xi32, #tpu.memory_space<vmem>>, vector<16xi32>,
    tpu.vector_store_idx %arg22[%get3A_135], %broadcast_in_dim3A_20 {add = true} : memref<10000xf32, #tpu.memory_space<vmem>>[vector<16xi32>], vector<16xf32>,
    %get3A_136 = arith.constant 224 : index
    %get3A_137 = tpu.vector_load %arg16[%get3A_136] {strides = array<i32>} : memref<320xi32, #tpu.memory_space<vmem>>, vector<16xi32>,
    tpu.vector_store_idx %arg22[%get3A_137], %broadcast_in_dim3A_20 {add = true} : memref<10000xf32, #tpu.memory_space<vmem>>[vector<16xi32>], vector<16xf32>,
    %get3A_138 = arith.constant 240 : index
    %get3A_139 = tpu.vector_load %arg16[%get3A_138] {strides = array<i32>} : memref<320xi32, #tpu.memory_space<vmem>>, vector<16xi32>,
    tpu.vector_store_idx %arg22[%get3A_139], %broadcast_in_dim3A_20 {add = true} : memref<10000xf32, #tpu.memory_space<vmem>>[vector<16xi32>], vector<16xf32>,
    %get3A_140 = arith.constant 256 : index
    %get3A_141 = tpu.vector_load %arg16[%get3A_140] {strides = array<i32>} : memref<320xi32, #tpu.memory_space<vmem>>, vector<16xi32>,
    tpu.vector_store_idx %arg22[%get3A_141], %broadcast_in_dim3A_20 {add = true} : memref<10000xf32, #tpu.memory_space<vmem>>[vector<16xi32>], vector<16xf32>,
    %get3A_142 = arith.constant 272 : index
    %get3A_143 = tpu.vector_load %arg16[%get3A_142] {strides = array<i32>} : memref<320xi32, #tpu.memory_space<vmem>>, vector<16xi32>,
    tpu.vector_store_idx %arg22[%get3A_143], %broadcast_in_dim3A_20 {add = true} : memref<10000xf32, #tpu.memory_space<vmem>>[vector<16xi32>], vector<16xf32>,
    %get3A_144 = arith.constant 288 : index
    %get3A_145 = tpu.vector_load %arg16[%get3A_144] {strides = array<i32>} : memref<320xi32, #tpu.memory_space<vmem>>, vector<16xi32>,
    tpu.vector_store_idx %arg22[%get3A_145], %broadcast_in_dim3A_20 {add = true} : memref<10000xf32, #tpu.memory_space<vmem>>[vector<16xi32>], vector<16xf32>,
    %get3A_146 = arith.constant 304 : index
    %get3A_147 = tpu.vector_load %arg16[%get3A_146] {strides = array<i32>} : memref<320xi32, #tpu.memory_space<vmem>>, vector<16xi32>,
    tpu.vector_store_idx %arg22[%get3A_147], %broadcast_in_dim3A_20 {add = true} : memref<10000xf32, #tpu.memory_space<vmem>>[vector<16xi32>], vector<16xf32>,
    %dma_wait3A_148 = arith.constant 0 : i32
    %dma_wait3A_149 = arith.constant 0 : i32
    %dma_wait3A_150 = tpu.memref_slice %arg10[%dma_wait3A_148, %dma_wait3A_149] : memref<8x40xi32, #tpu.memory_space<vmem>> -> memref<1x40xi32, #tpu.memory_space<vmem>>
    %dma_wait3A_151 = tpu.memref_squeeze %dma_wait3A_150 : memref<1x40xi32, #tpu.memory_space<vmem>> -> memref<40xi32, #tpu.memory_space<vmem>>
    %dma_wait3A_152 = arith.constant 0 : i32
    %dma_wait3A_153 = arith.constant 0 : i32
    %dma_wait3A_154 = tpu.memref_slice %arg6[%dma_wait3A_152, %dma_wait3A_153] : memref<10000x128xf32, #tpu.memory_space<hbm>> -> memref<10000x128xf32, #tpu.memory_space<hbm>>
    tpu.wait_indirect_dma semaphore(%arg27 : memref<!tpu.dma_semaphore, #tpu.memory_space<semaphore_mem>>) src(%dma_wait3A_154 : memref<10000x128xf32, #tpu.memory_space<hbm>>) dst(%arg18 : memref<40x128xf32, #tpu.memory_space<vmem>>)
    %dma_start3A_155 = arith.constant 0 : i32
    %dma_start3A_156 = arith.constant 0 : i32
    %dma_start3A_157 = tpu.memref_slice %arg11[%dma_start3A_155, %dma_start3A_156] : memref<8x40xi32, #tpu.memory_space<vmem>> -> memref<1x40xi32, #tpu.memory_space<vmem>>
    %dma_start3A_158 = tpu.memref_squeeze %dma_start3A_157 : memref<1x40xi32, #tpu.memory_space<vmem>> -> memref<40xi32, #tpu.memory_space<vmem>>
    %dma_start3A_159 = arith.constant 0 : i32
    %dma_start3A_160 = arith.constant 0 : i32
    %dma_start3A_161 = tpu.memref_slice %arg25[%dma_start3A_159, %dma_start3A_160] : memref<10000x128xf32, #tpu.memory_space<vmem_shared>> -> memref<10000x128xf32, #tpu.memory_space<vmem_shared>>
    tpu.enqueue_indirect_dma source(%arg18 : memref<40x128xf32, #tpu.memory_space<vmem>>) target(%dma_start3A_161 : memref<10000x128xf32, #tpu.memory_space<vmem_shared>>) offsets(%dma_start3A_158 : memref<40xi32, #tpu.memory_space<vmem>>) semaphore(%arg31 : memref<!tpu.dma_semaphore, #tpu.memory_space<semaphore_mem>>) {add = true}
    %dma_wait3A_162 = arith.constant 1 : i32
    %dma_wait3A_163 = arith.constant 0 : i32
    %dma_wait3A_164 = tpu.memref_slice %arg10[%dma_wait3A_162, %dma_wait3A_163] : memref<8x40xi32, #tpu.memory_space<vmem>> -> memref<1x40xi32, #tpu.memory_space<vmem>>
    %dma_wait3A_165 = tpu.memref_squeeze %dma_wait3A_164 : memref<1x40xi32, #tpu.memory_space<vmem>> -> memref<40xi32, #tpu.memory_space<vmem>>
    %dma_wait3A_166 = arith.constant 0 : i32
    %dma_wait3A_167 = arith.constant 0 : i32
    %dma_wait3A_168 = tpu.memref_slice %arg6[%dma_wait3A_166, %dma_wait3A_167] : memref<10000x128xf32, #tpu.memory_space<hbm>> -> memref<10000x128xf32, #tpu.memory_space<hbm>>
    tpu.wait_indirect_dma semaphore(%arg28 : memref<!tpu.dma_semaphore, #tpu.memory_space<semaphore_mem>>) src(%dma_wait3A_168 : memref<10000x128xf32, #tpu.memory_space<hbm>>) dst(%arg19 : memref<40x128xf32, #tpu.memory_space<vmem>>)
    %dma_start3A_169 = arith.constant 1 : i32
    %dma_start3A_170 = arith.constant 0 : i32
    %dma_start3A_171 = tpu.memref_slice %arg11[%dma_start3A_169, %dma_start3A_170] : memref<8x40xi32, #tpu.memory_space<vmem>> -> memref<1x40xi32, #tpu.memory_space<vmem>>
    %dma_start3A_172 = tpu.memref_squeeze %dma_start3A_171 : memref<1x40xi32, #tpu.memory_space<vmem>> -> memref<40xi32, #tpu.memory_space<vmem>>
    %dma_start3A_173 = arith.constant 0 : i32
    %dma_start3A_174 = arith.constant 0 : i32
    %dma_start3A_175 = tpu.memref_slice %arg25[%dma_start3A_173, %dma_start3A_174] : memref<10000x128xf32, #tpu.memory_space<vmem_shared>> -> memref<10000x128xf32, #tpu.memory_space<vmem_shared>>
    tpu.enqueue_indirect_dma source(%arg19 : memref<40x128xf32, #tpu.memory_space<vmem>>) target(%dma_start3A_175 : memref<10000x128xf32, #tpu.memory_space<vmem_shared>>) offsets(%dma_start3A_172 : memref<40xi32, #tpu.memory_space<vmem>>) semaphore(%arg32 : memref<!tpu.dma_semaphore, #tpu.memory_space<semaphore_mem>>) {add = true}
    %dma_wait3A_176 = arith.constant 2 : i32
    %dma_wait3A_177 = arith.constant 0 : i32
    %dma_wait3A_178 = tpu.memref_slice %arg10[%dma_wait3A_176, %dma_wait3A_177] : memref<8x40xi32, #tpu.memory_space<vmem>> -> memref<1x40xi32, #tpu.memory_space<vmem>>
    %dma_wait3A_179 = tpu.memref_squeeze %dma_wait3A_178 : memref<1x40xi32, #tpu.memory_space<vmem>> -> memref<40xi32, #tpu.memory_space<vmem>>
    %dma_wait3A_180 = arith.constant 0 : i32
    %dma_wait3A_181 = arith.constant 0 : i32
    %dma_wait3A_182 = tpu.memref_slice %arg6[%dma_wait3A_180, %dma_wait3A_181] : memref<10000x128xf32, #tpu.memory_space<hbm>> -> memref<10000x128xf32, #tpu.memory_space<hbm>>
    tpu.wait_indirect_dma semaphore(%arg29 : memref<!tpu.dma_semaphore, #tpu.memory_space<semaphore_mem>>) src(%dma_wait3A_182 : memref<10000x128xf32, #tpu.memory_space<hbm>>) dst(%arg20 : memref<40x128xf32, #tpu.memory_space<vmem>>)
    %dma_start3A_183 = arith.constant 2 : i32
    %dma_start3A_184 = arith.constant 0 : i32
    %dma_start3A_185 = tpu.memref_slice %arg11[%dma_start3A_183, %dma_start3A_184] : memref<8x40xi32, #tpu.memory_space<vmem>> -> memref<1x40xi32, #tpu.memory_space<vmem>>
    %dma_start3A_186 = tpu.memref_squeeze %dma_start3A_185 : memref<1x40xi32, #tpu.memory_space<vmem>> -> memref<40xi32, #tpu.memory_space<vmem>>
    %dma_start3A_187 = arith.constant 0 : i32
    %dma_start3A_188 = arith.constant 0 : i32
    %dma_start3A_189 = tpu.memref_slice %arg25[%dma_start3A_187, %dma_start3A_188] : memref<10000x128xf32, #tpu.memory_space<vmem_shared>> -> memref<10000x128xf32, #tpu.memory_space<vmem_shared>>
    tpu.enqueue_indirect_dma source(%arg20 : memref<40x128xf32, #tpu.memory_space<vmem>>) target(%dma_start3A_189 : memref<10000x128xf32, #tpu.memory_space<vmem_shared>>) offsets(%dma_start3A_186 : memref<40xi32, #tpu.memory_space<vmem>>) semaphore(%arg33 : memref<!tpu.dma_semaphore, #tpu.memory_space<semaphore_mem>>) {add = true}
    %dma_wait3A_190 = arith.constant 3 : i32
    %dma_wait3A_191 = arith.constant 0 : i32
    %dma_wait3A_192 = tpu.memref_slice %arg10[%dma_wait3A_190, %dma_wait3A_191] : memref<8x40xi32, #tpu.memory_space<vmem>> -> memref<1x40xi32, #tpu.memory_space<vmem>>
    %dma_wait3A_193 = tpu.memref_squeeze %dma_wait3A_192 : memref<1x40xi32, #tpu.memory_space<vmem>> -> memref<40xi32, #tpu.memory_space<vmem>>
    %dma_wait3A_194 = arith.constant 0 : i32
    %dma_wait3A_195 = arith.constant 0 : i32
    %dma_wait3A_196 = tpu.memref_slice %arg6[%dma_wait3A_194, %dma_wait3A_195] : memref<10000x128xf32, #tpu.memory_space<hbm>> -> memref<10000x128xf32, #tpu.memory_space<hbm>>
    tpu.wait_indirect_dma semaphore(%arg30 : memref<!tpu.dma_semaphore, #tpu.memory_space<semaphore_mem>>) src(%dma_wait3A_196 : memref<10000x128xf32, #tpu.memory_space<hbm>>) dst(%arg21 : memref<40x128xf32, #tpu.memory_space<vmem>>)
    %dma_start3A_197 = arith.constant 3 : i32
    %dma_start3A_198 = arith.constant 0 : i32
    %dma_start3A_199 = tpu.memref_slice %arg11[%dma_start3A_197, %dma_start3A_198] : memref<8x40xi32, #tpu.memory_space<vmem>> -> memref<1x40xi32, #tpu.memory_space<vmem>>
    %dma_start3A_200 = tpu.memref_squeeze %dma_start3A_199 : memref<1x40xi32, #tpu.memory_space<vmem>> -> memref<40xi32, #tpu.memory_space<vmem>>
    %dma_start3A_201 = arith.constant 0 : i32
    %dma_start3A_202 = arith.constant 0 : i32
    %dma_start3A_203 = tpu.memref_slice %arg25[%dma_start3A_201, %dma_start3A_202] : memref<10000x128xf32, #tpu.memory_space<vmem_shared>> -> memref<10000x128xf32, #tpu.memory_space<vmem_shared>>
    tpu.enqueue_indirect_dma source(%arg21 : memref<40x128xf32, #tpu.memory_space<vmem>>) target(%dma_start3A_203 : memref<10000x128xf32, #tpu.memory_space<vmem_shared>>) offsets(%dma_start3A_200 : memref<40xi32, #tpu.memory_space<vmem>>) semaphore(%arg34 : memref<!tpu.dma_semaphore, #tpu.memory_space<semaphore_mem>>) {add = true}
    %dma_wait3A_204 = arith.constant 0 : i32
    %dma_wait3A_205 = arith.constant 0 : i32
    %dma_wait3A_206 = tpu.memref_slice %arg11[%dma_wait3A_204, %dma_wait3A_205] : memref<8x40xi32, #tpu.memory_space<vmem>> -> memref<1x40xi32, #tpu.memory_space<vmem>>
    %dma_wait3A_207 = tpu.memref_squeeze %dma_wait3A_206 : memref<1x40xi32, #tpu.memory_space<vmem>> -> memref<40xi32, #tpu.memory_space<vmem>>
    %dma_wait3A_208 = arith.constant 0 : i32
    %dma_wait3A_209 = arith.constant 0 : i32
    %dma_wait3A_210 = tpu.memref_slice %arg25[%dma_wait3A_208, %dma_wait3A_209] : memref<10000x128xf32, #tpu.memory_space<vmem_shared>> -> memref<10000x128xf32, #tpu.memory_space<vmem_shared>>
    tpu.wait_indirect_dma semaphore(%arg31 : memref<!tpu.dma_semaphore, #tpu.memory_space<semaphore_mem>>) src(%arg18 : memref<40x128xf32, #tpu.memory_space<vmem>>) dst(%dma_wait3A_210 : memref<10000x128xf32, #tpu.memory_space<vmem_shared>>)
    %dma_start3A_211 = arith.constant 4 : i32
    %dma_start3A_212 = arith.constant 0 : i32
    %dma_start3A_213 = tpu.memref_slice %arg10[%dma_start3A_211, %dma_start3A_212] : memref<8x40xi32, #tpu.memory_space<vmem>> -> memref<1x40xi32, #tpu.memory_space<vmem>>
    %dma_start3A_214 = tpu.memref_squeeze %dma_start3A_213 : memref<1x40xi32, #tpu.memory_space<vmem>> -> memref<40xi32, #tpu.memory_space<vmem>>
    %dma_start3A_215 = arith.constant 0 : i32
    %dma_start3A_216 = arith.constant 0 : i32
    %dma_start3A_217 = tpu.memref_slice %arg6[%dma_start3A_215, %dma_start3A_216] : memref<10000x128xf32, #tpu.memory_space<hbm>> -> memref<10000x128xf32, #tpu.memory_space<hbm>>
    tpu.enqueue_indirect_dma source(%dma_start3A_217 : memref<10000x128xf32, #tpu.memory_space<hbm>>) target(%arg18 : memref<40x128xf32, #tpu.memory_space<vmem>>) offsets(%dma_start3A_214 : memref<40xi32, #tpu.memory_space<vmem>>) semaphore(%arg27 : memref<!tpu.dma_semaphore, #tpu.memory_space<semaphore_mem>>)
    %dma_wait3A_218 = arith.constant 1 : i32
    %dma_wait3A_219 = arith.constant 0 : i32
    %dma_wait3A_220 = tpu.memref_slice %arg11[%dma_wait3A_218, %dma_wait3A_219] : memref<8x40xi32, #tpu.memory_space<vmem>> -> memref<1x40xi32, #tpu.memory_space<vmem>>
    %dma_wait3A_221 = tpu.memref_squeeze %dma_wait3A_220 : memref<1x40xi32, #tpu.memory_space<vmem>> -> memref<40xi32, #tpu.memory_space<vmem>>
    %dma_wait3A_222 = arith.constant 0 : i32
    %dma_wait3A_223 = arith.constant 0 : i32
    %dma_wait3A_224 = tpu.memref_slice %arg25[%dma_wait3A_222, %dma_wait3A_223] : memref<10000x128xf32, #tpu.memory_space<vmem_shared>> -> memref<10000x128xf32, #tpu.memory_space<vmem_shared>>
    tpu.wait_indirect_dma semaphore(%arg32 : memref<!tpu.dma_semaphore, #tpu.memory_space<semaphore_mem>>) src(%arg19 : memref<40x128xf32, #tpu.memory_space<vmem>>) dst(%dma_wait3A_224 : memref<10000x128xf32, #tpu.memory_space<vmem_shared>>)
    %dma_start3A_225 = arith.constant 5 : i32
    %dma_start3A_226 = arith.constant 0 : i32
    %dma_start3A_227 = tpu.memref_slice %arg10[%dma_start3A_225, %dma_start3A_226] : memref<8x40xi32, #tpu.memory_space<vmem>> -> memref<1x40xi32, #tpu.memory_space<vmem>>
    %dma_start3A_228 = tpu.memref_squeeze %dma_start3A_227 : memref<1x40xi32, #tpu.memory_space<vmem>> -> memref<40xi32, #tpu.memory_space<vmem>>
    %dma_start3A_229 = arith.constant 0 : i32
    %dma_start3A_230 = arith.constant 0 : i32
    %dma_start3A_231 = tpu.memref_slice %arg6[%dma_start3A_229, %dma_start3A_230] : memref<10000x128xf32, #tpu.memory_space<hbm>> -> memref<10000x128xf32, #tpu.memory_space<hbm>>
    tpu.enqueue_indirect_dma source(%dma_start3A_231 : memref<10000x128xf32, #tpu.memory_space<hbm>>) target(%arg19 : memref<40x128xf32, #tpu.memory_space<vmem>>) offsets(%dma_start3A_228 : memref<40xi32, #tpu.memory_space<vmem>>) semaphore(%arg28 : memref<!tpu.dma_semaphore, #tpu.memory_space<semaphore_mem>>)
    %dma_wait3A_232 = arith.constant 2 : i32
    %dma_wait3A_233 = arith.constant 0 : i32
    %dma_wait3A_234 = tpu.memref_slice %arg11[%dma_wait3A_232, %dma_wait3A_233] : memref<8x40xi32, #tpu.memory_space<vmem>> -> memref<1x40xi32, #tpu.memory_space<vmem>>
    %dma_wait3A_235 = tpu.memref_squeeze %dma_wait3A_234 : memref<1x40xi32, #tpu.memory_space<vmem>> -> memref<40xi32, #tpu.memory_space<vmem>>
    %dma_wait3A_236 = arith.constant 0 : i32
    %dma_wait3A_237 = arith.constant 0 : i32
    %dma_wait3A_238 = tpu.memref_slice %arg25[%dma_wait3A_236, %dma_wait3A_237] : memref<10000x128xf32, #tpu.memory_space<vmem_shared>> -> memref<10000x128xf32, #tpu.memory_space<vmem_shared>>
    tpu.wait_indirect_dma semaphore(%arg33 : memref<!tpu.dma_semaphore, #tpu.memory_space<semaphore_mem>>) src(%arg20 : memref<40x128xf32, #tpu.memory_space<vmem>>) dst(%dma_wait3A_238 : memref<10000x128xf32, #tpu.memory_space<vmem_shared>>)
    %dma_start3A_239 = arith.constant 6 : i32
    %dma_start3A_240 = arith.constant 0 : i32
    %dma_start3A_241 = tpu.memref_slice %arg10[%dma_start3A_239, %dma_start3A_240] : memref<8x40xi32, #tpu.memory_space<vmem>> -> memref<1x40xi32, #tpu.memory_space<vmem>>
    %dma_start3A_242 = tpu.memref_squeeze %dma_start3A_241 : memref<1x40xi32, #tpu.memory_space<vmem>> -> memref<40xi32, #tpu.memory_space<vmem>>
    %dma_start3A_243 = arith.constant 0 : i32
    %dma_start3A_244 = arith.constant 0 : i32
    %dma_start3A_245 = tpu.memref_slice %arg6[%dma_start3A_243, %dma_start3A_244] : memref<10000x128xf32, #tpu.memory_space<hbm>> -> memref<10000x128xf32, #tpu.memory_space<hbm>>
    tpu.enqueue_indirect_dma source(%dma_start3A_245 : memref<10000x128xf32, #tpu.memory_space<hbm>>) target(%arg20 : memref<40x128xf32, #tpu.memory_space<vmem>>) offsets(%dma_start3A_242 : memref<40xi32, #tpu.memory_space<vmem>>) semaphore(%arg29 : memref<!tpu.dma_semaphore, #tpu.memory_space<semaphore_mem>>)
    %dma_wait3A_246 = arith.constant 3 : i32
    %dma_wait3A_247 = arith.constant 0 : i32
    %dma_wait3A_248 = tpu.memref_slice %arg11[%dma_wait3A_246, %dma_wait3A_247] : memref<8x40xi32, #tpu.memory_space<vmem>> -> memref<1x40xi32, #tpu.memory_space<vmem>>
    %dma_wait3A_249 = tpu.memref_squeeze %dma_wait3A_248 : memref<1x40xi32, #tpu.memory_space<vmem>> -> memref<40xi32, #tpu.memory_space<vmem>>
    %dma_wait3A_250 = arith.constant 0 : i32
    %dma_wait3A_251 = arith.constant 0 : i32
    %dma_wait3A_252 = tpu.memref_slice %arg25[%dma_wait3A_250, %dma_wait3A_251] : memref<10000x128xf32, #tpu.memory_space<vmem_shared>> -> memref<10000x128xf32, #tpu.memory_space<vmem_shared>>
    tpu.wait_indirect_dma semaphore(%arg34 : memref<!tpu.dma_semaphore, #tpu.memory_space<semaphore_mem>>) src(%arg21 : memref<40x128xf32, #tpu.memory_space<vmem>>) dst(%dma_wait3A_252 : memref<10000x128xf32, #tpu.memory_space<vmem_shared>>)
    %dma_start3A_253 = arith.constant 7 : i32
    %dma_start3A_254 = arith.constant 0 : i32
    %dma_start3A_255 = tpu.memref_slice %arg10[%dma_start3A_253, %dma_start3A_254] : memref<8x40xi32, #tpu.memory_space<vmem>> -> memref<1x40xi32, #tpu.memory_space<vmem>>
    %dma_start3A_256 = tpu.memref_squeeze %dma_start3A_255 : memref<1x40xi32, #tpu.memory_space<vmem>> -> memref<40xi32, #tpu.memory_space<vmem>>
    %dma_start3A_257 = arith.constant 0 : i32
    %dma_start3A_258 = arith.constant 0 : i32
    %dma_start3A_259 = tpu.memref_slice %arg6[%dma_start3A_257, %dma_start3A_258] : memref<10000x128xf32, #tpu.memory_space<hbm>> -> memref<10000x128xf32, #tpu.memory_space<hbm>>
    tpu.enqueue_indirect_dma source(%dma_start3A_259 : memref<10000x128xf32, #tpu.memory_space<hbm>>) target(%arg21 : memref<40x128xf32, #tpu.memory_space<vmem>>) offsets(%dma_start3A_256 : memref<40xi32, #tpu.memory_space<vmem>>) semaphore(%arg30 : memref<!tpu.dma_semaphore, #tpu.memory_space<semaphore_mem>>)
    %dma_wait3A_260 = arith.constant 4 : i32
    %dma_wait3A_261 = arith.constant 0 : i32
    %dma_wait3A_262 = tpu.memref_slice %arg10[%dma_wait3A_260, %dma_wait3A_261] : memref<8x40xi32, #tpu.memory_space<vmem>> -> memref<1x40xi32, #tpu.memory_space<vmem>>
    %dma_wait3A_263 = tpu.memref_squeeze %dma_wait3A_262 : memref<1x40xi32, #tpu.memory_space<vmem>> -> memref<40xi32, #tpu.memory_space<vmem>>
    %dma_wait3A_264 = arith.constant 0 : i32
    %dma_wait3A_265 = arith.constant 0 : i32
    %dma_wait3A_266 = tpu.memref_slice %arg6[%dma_wait3A_264, %dma_wait3A_265] : memref<10000x128xf32, #tpu.memory_space<hbm>> -> memref<10000x128xf32, #tpu.memory_space<hbm>>
    tpu.wait_indirect_dma semaphore(%arg27 : memref<!tpu.dma_semaphore, #tpu.memory_space<semaphore_mem>>) src(%dma_wait3A_266 : memref<10000x128xf32, #tpu.memory_space<hbm>>) dst(%arg18 : memref<40x128xf32, #tpu.memory_space<vmem>>)
    %dma_start3A_267 = arith.constant 4 : i32
    %dma_start3A_268 = arith.constant 0 : i32
    %dma_start3A_269 = tpu.memref_slice %arg11[%dma_start3A_267, %dma_start3A_268] : memref<8x40xi32, #tpu.memory_space<vmem>> -> memref<1x40xi32, #tpu.memory_space<vmem>>
    %dma_start3A_270 = tpu.memref_squeeze %dma_start3A_269 : memref<1x40xi32, #tpu.memory_space<vmem>> -> memref<40xi32, #tpu.memory_space<vmem>>
    %dma_start3A_271 = arith.constant 0 : i32
    %dma_start3A_272 = arith.constant 0 : i32
    %dma_start3A_273 = tpu.memref_slice %arg25[%dma_start3A_271, %dma_start3A_272] : memref<10000x128xf32, #tpu.memory_space<vmem_shared>> -> memref<10000x128xf32, #tpu.memory_space<vmem_shared>>
    tpu.enqueue_indirect_dma source(%arg18 : memref<40x128xf32, #tpu.memory_space<vmem>>) target(%dma_start3A_273 : memref<10000x128xf32, #tpu.memory_space<vmem_shared>>) offsets(%dma_start3A_270 : memref<40xi32, #tpu.memory_space<vmem>>) semaphore(%arg31 : memref<!tpu.dma_semaphore, #tpu.memory_space<semaphore_mem>>) {add = true}
    %dma_wait3A_274 = arith.constant 5 : i32
    %dma_wait3A_275 = arith.constant 0 : i32
    %dma_wait3A_276 = tpu.memref_slice %arg10[%dma_wait3A_274, %dma_wait3A_275] : memref<8x40xi32, #tpu.memory_space<vmem>> -> memref<1x40xi32, #tpu.memory_space<vmem>>
    %dma_wait3A_277 = tpu.memref_squeeze %dma_wait3A_276 : memref<1x40xi32, #tpu.memory_space<vmem>> -> memref<40xi32, #tpu.memory_space<vmem>>
    %dma_wait3A_278 = arith.constant 0 : i32
    %dma_wait3A_279 = arith.constant 0 : i32
    %dma_wait3A_280 = tpu.memref_slice %arg6[%dma_wait3A_278, %dma_wait3A_279] : memref<10000x128xf32, #tpu.memory_space<hbm>> -> memref<10000x128xf32, #tpu.memory_space<hbm>>
    tpu.wait_indirect_dma semaphore(%arg28 : memref<!tpu.dma_semaphore, #tpu.memory_space<semaphore_mem>>) src(%dma_wait3A_280 : memref<10000x128xf32, #tpu.memory_space<hbm>>) dst(%arg19 : memref<40x128xf32, #tpu.memory_space<vmem>>)
    %dma_start3A_281 = arith.constant 5 : i32
    %dma_start3A_282 = arith.constant 0 : i32
    %dma_start3A_283 = tpu.memref_slice %arg11[%dma_start3A_281, %dma_start3A_282] : memref<8x40xi32, #tpu.memory_space<vmem>> -> memref<1x40xi32, #tpu.memory_space<vmem>>
    %dma_start3A_284 = tpu.memref_squeeze %dma_start3A_283 : memref<1x40xi32, #tpu.memory_space<vmem>> -> memref<40xi32, #tpu.memory_space<vmem>>
    %dma_start3A_285 = arith.constant 0 : i32
    %dma_start3A_286 = arith.constant 0 : i32
    %dma_start3A_287 = tpu.memref_slice %arg25[%dma_start3A_285, %dma_start3A_286] : memref<10000x128xf32, #tpu.memory_space<vmem_shared>> -> memref<10000x128xf32, #tpu.memory_space<vmem_shared>>
    tpu.enqueue_indirect_dma source(%arg19 : memref<40x128xf32, #tpu.memory_space<vmem>>) target(%dma_start3A_287 : memref<10000x128xf32, #tpu.memory_space<vmem_shared>>) offsets(%dma_start3A_284 : memref<40xi32, #tpu.memory_space<vmem>>) semaphore(%arg32 : memref<!tpu.dma_semaphore, #tpu.memory_space<semaphore_mem>>) {add = true}
    %dma_wait3A_288 = arith.constant 6 : i32
    %dma_wait3A_289 = arith.constant 0 : i32
    %dma_wait3A_290 = tpu.memref_slice %arg10[%dma_wait3A_288, %dma_wait3A_289] : memref<8x40xi32, #tpu.memory_space<vmem>> -> memref<1x40xi32, #tpu.memory_space<vmem>>
    %dma_wait3A_291 = tpu.memref_squeeze %dma_wait3A_290 : memref<1x40xi32, #tpu.memory_space<vmem>> -> memref<40xi32, #tpu.memory_space<vmem>>
    %dma_wait3A_292 = arith.constant 0 : i32
    %dma_wait3A_293 = arith.constant 0 : i32
    %dma_wait3A_294 = tpu.memref_slice %arg6[%dma_wait3A_292, %dma_wait3A_293] : memref<10000x128xf32, #tpu.memory_space<hbm>> -> memref<10000x128xf32, #tpu.memory_space<hbm>>
    tpu.wait_indirect_dma semaphore(%arg29 : memref<!tpu.dma_semaphore, #tpu.memory_space<semaphore_mem>>) src(%dma_wait3A_294 : memref<10000x128xf32, #tpu.memory_space<hbm>>) dst(%arg20 : memref<40x128xf32, #tpu.memory_space<vmem>>)
    %dma_start3A_295 = arith.constant 6 : i32
    %dma_start3A_296 = arith.constant 0 : i32
    %dma_start3A_297 = tpu.memref_slice %arg11[%dma_start3A_295, %dma_start3A_296] : memref<8x40xi32, #tpu.memory_space<vmem>> -> memref<1x40xi32, #tpu.memory_space<vmem>>
    %dma_start3A_298 = tpu.memref_squeeze %dma_start3A_297 : memref<1x40xi32, #tpu.memory_space<vmem>> -> memref<40xi32, #tpu.memory_space<vmem>>
    %dma_start3A_299 = arith.constant 0 : i32
    %dma_start3A_300 = arith.constant 0 : i32
    %dma_start3A_301 = tpu.memref_slice %arg25[%dma_start3A_299, %dma_start3A_300] : memref<10000x128xf32, #tpu.memory_space<vmem_shared>> -> memref<10000x128xf32, #tpu.memory_space<vmem_shared>>
    tpu.enqueue_indirect_dma source(%arg20 : memref<40x128xf32, #tpu.memory_space<vmem>>) target(%dma_start3A_301 : memref<10000x128xf32, #tpu.memory_space<vmem_shared>>) offsets(%dma_start3A_298 : memref<40xi32, #tpu.memory_space<vmem>>) semaphore(%arg33 : memref<!tpu.dma_semaphore, #tpu.memory_space<semaphore_mem>>) {add = true}
    %dma_wait3A_302 = arith.constant 7 : i32
    %dma_wait3A_303 = arith.constant 0 : i32
    %dma_wait3A_304 = tpu.memref_slice %arg10[%dma_wait3A_302, %dma_wait3A_303] : memref<8x40xi32, #tpu.memory_space<vmem>> -> memref<1x40xi32, #tpu.memory_space<vmem>>
    %dma_wait3A_305 = tpu.memref_squeeze %dma_wait3A_304 : memref<1x40xi32, #tpu.memory_space<vmem>> -> memref<40xi32, #tpu.memory_space<vmem>>
    %dma_wait3A_306 = arith.constant 0 : i32
    %dma_wait3A_307 = arith.constant 0 : i32
    %dma_wait3A_308 = tpu.memref_slice %arg6[%dma_wait3A_306, %dma_wait3A_307] : memref<10000x128xf32, #tpu.memory_space<hbm>> -> memref<10000x128xf32, #tpu.memory_space<hbm>>
    tpu.wait_indirect_dma semaphore(%arg30 : memref<!tpu.dma_semaphore, #tpu.memory_space<semaphore_mem>>) src(%dma_wait3A_308 : memref<10000x128xf32, #tpu.memory_space<hbm>>) dst(%arg21 : memref<40x128xf32, #tpu.memory_space<vmem>>)
    %dma_start3A_309 = arith.constant 7 : i32
    %dma_start3A_310 = arith.constant 0 : i32
    %dma_start3A_311 = tpu.memref_slice %arg11[%dma_start3A_309, %dma_start3A_310] : memref<8x40xi32, #tpu.memory_space<vmem>> -> memref<1x40xi32, #tpu.memory_space<vmem>>
    %dma_start3A_312 = tpu.memref_squeeze %dma_start3A_311 : memref<1x40xi32, #tpu.memory_space<vmem>> -> memref<40xi32, #tpu.memory_space<vmem>>
    %dma_start3A_313 = arith.constant 0 : i32
    %dma_start3A_314 = arith.constant 0 : i32
    %dma_start3A_315 = tpu.memref_slice %arg25[%dma_start3A_313, %dma_start3A_314] : memref<10000x128xf32, #tpu.memory_space<vmem_shared>> -> memref<10000x128xf32, #tpu.memory_space<vmem_shared>>
    tpu.enqueue_indirect_dma source(%arg21 : memref<40x128xf32, #tpu.memory_space<vmem>>) target(%dma_start3A_315 : memref<10000x128xf32, #tpu.memory_space<vmem_shared>>) offsets(%dma_start3A_312 : memref<40xi32, #tpu.memory_space<vmem>>) semaphore(%arg34 : memref<!tpu.dma_semaphore, #tpu.memory_space<semaphore_mem>>) {add = true}
    %scan3A_316 = arith.constant 0 : i32
    %scan3A_317 = arith.constant 0 : i32
    %scan3A_318 = arith.constant 15 : i32
    %scan3A_319 = arith.addi %scan3A_317, %scan3A_318 : i32
    %scan3A_320 = arith.constant 1 : i32
    scf.for %scan3A_423 = %scan3A_317 to %scan3A_319 step %scan3A_320  : i32 {
      %mul3A_424 = arith.constant 2 : i32
      %mul3A_425 = arith.muli %mul3A_424, %scan3A_423 : i32
      %add3A_426 = arith.constant 1 : i32
      %add3A_427 = arith.addi %mul3A_425, %add3A_426 : i32
      %mul3A_428 = arith.constant 8 : i32
      %mul3A_429 = arith.muli %mul3A_428, %add3A_427 : i32
      %multiple_of3A_430 = tpu.assume_multiple %mul3A_429, 8 : i32
      %mul3A_431 = arith.constant 10000 : i32
      %mul3A_432 = arith.muli %add3A, %mul3A_431 : i32
      %mul3A_433 = arith.constant 40 : i32
      %mul3A_434 = arith.muli %multiple_of3A_430, %mul3A_433 : i32
      %add3A_435 = arith.addi %mul3A_432, %mul3A_434 : i32
      %multiple_of3A_436 = tpu.assume_multiple %add3A_435, 8 : i32
      %dma_wait3A_437 = arith.constant 0 : i32
      %dma_wait3A_438 = tpu.memref_slice %arg3[%add3A, %multiple_of3A_430, %dma_wait3A_437] : memref<32x250x40xi32, #tpu.memory_space<hbm>> -> memref<1x8x40xi32, #tpu.memory_space<hbm>>
      %dma_wait3A_439 = tpu.memref_squeeze %dma_wait3A_438 : memref<1x8x40xi32, #tpu.memory_space<hbm>> -> memref<8x40xi32, #tpu.memory_space<hbm>>
      %dma_wait3A_440 = arith.constant 0 : i32
      %dma_wait3A_441 = tpu.memref_slice %arg3[%add3A, %multiple_of3A_430, %dma_wait3A_440] : memref<32x250x40xi32, #tpu.memory_space<hbm>> -> memref<1x8x40xi32, #tpu.memory_space<hbm>>
      %dma_wait3A_442 = tpu.memref_squeeze %dma_wait3A_441 : memref<1x8x40xi32, #tpu.memory_space<hbm>> -> memref<8x40xi32, #tpu.memory_space<hbm>>
      tpu.wait_dma2 semaphore(%arg38 : memref<!tpu.dma_semaphore, #tpu.memory_space<semaphore_mem>>) src(%dma_wait3A_442 : memref<8x40xi32, #tpu.memory_space<hbm>>) dst(%arg12 : memref<8x40xi32, #tpu.memory_space<vmem>>)
      %dma_wait3A_443 = arith.constant 0 : i32
      %dma_wait3A_444 = tpu.memref_slice %arg2[%add3A, %multiple_of3A_430, %dma_wait3A_443] : memref<32x250x40xi32, #tpu.memory_space<hbm>> -> memref<1x8x40xi32, #tpu.memory_space<hbm>>
      %dma_wait3A_445 = tpu.memref_squeeze %dma_wait3A_444 : memref<1x8x40xi32, #tpu.memory_space<hbm>> -> memref<8x40xi32, #tpu.memory_space<hbm>>
      %dma_wait3A_446 = arith.constant 0 : i32
      %dma_wait3A_447 = tpu.memref_slice %arg2[%add3A, %multiple_of3A_430, %dma_wait3A_446] : memref<32x250x40xi32, #tpu.memory_space<hbm>> -> memref<1x8x40xi32, #tpu.memory_space<hbm>>
      %dma_wait3A_448 = tpu.memref_squeeze %dma_wait3A_447 : memref<1x8x40xi32, #tpu.memory_space<hbm>> -> memref<8x40xi32, #tpu.memory_space<hbm>>
      tpu.wait_dma2 semaphore(%arg39 : memref<!tpu.dma_semaphore, #tpu.memory_space<semaphore_mem>>) src(%dma_wait3A_448 : memref<8x40xi32, #tpu.memory_space<hbm>>) dst(%arg13 : memref<8x40xi32, #tpu.memory_space<vmem>>)
      %dma_wait3A_449 = tpu.memref_slice %arg4[%multiple_of3A_436] : memref<320000xi32, #tpu.memory_space<hbm>> -> memref<320xi32, #tpu.memory_space<hbm>>
      %dma_wait3A_450 = tpu.memref_slice %arg4[%multiple_of3A_436] : memref<320000xi32, #tpu.memory_space<hbm>> -> memref<320xi32, #tpu.memory_space<hbm>>
      tpu.wait_dma2 semaphore(%arg40 : memref<!tpu.dma_semaphore, #tpu.memory_space<semaphore_mem>>) src(%dma_wait3A_450 : memref<320xi32, #tpu.memory_space<hbm>>) dst(%arg17 : memref<320xi32, #tpu.memory_space<vmem>>)
      %dma_wait3A_451 = arith.constant 4 : i32
      %dma_wait3A_452 = arith.constant 0 : i32
      %dma_wait3A_453 = tpu.memref_slice %arg11[%dma_wait3A_451, %dma_wait3A_452] : memref<8x40xi32, #tpu.memory_space<vmem>> -> memref<1x40xi32, #tpu.memory_space<vmem>>
      %dma_wait3A_454 = tpu.memref_squeeze %dma_wait3A_453 : memref<1x40xi32, #tpu.memory_space<vmem>> -> memref<40xi32, #tpu.memory_space<vmem>>
      %dma_wait3A_455 = arith.constant 0 : i32
      %dma_wait3A_456 = arith.constant 0 : i32
      %dma_wait3A_457 = tpu.memref_slice %arg25[%dma_wait3A_455, %dma_wait3A_456] : memref<10000x128xf32, #tpu.memory_space<vmem_shared>> -> memref<10000x128xf32, #tpu.memory_space<vmem_shared>>
      tpu.wait_indirect_dma semaphore(%arg31 : memref<!tpu.dma_semaphore, #tpu.memory_space<semaphore_mem>>) src(%arg18 : memref<40x128xf32, #tpu.memory_space<vmem>>) dst(%dma_wait3A_457 : memref<10000x128xf32, #tpu.memory_space<vmem_shared>>)
      %dma_wait3A_458 = arith.constant 5 : i32
      %dma_wait3A_459 = arith.constant 0 : i32
      %dma_wait3A_460 = tpu.memref_slice %arg11[%dma_wait3A_458, %dma_wait3A_459] : memref<8x40xi32, #tpu.memory_space<vmem>> -> memref<1x40xi32, #tpu.memory_space<vmem>>
      %dma_wait3A_461 = tpu.memref_squeeze %dma_wait3A_460 : memref<1x40xi32, #tpu.memory_space<vmem>> -> memref<40xi32, #tpu.memory_space<vmem>>
      %dma_wait3A_462 = arith.constant 0 : i32
      %dma_wait3A_463 = arith.constant 0 : i32
      %dma_wait3A_464 = tpu.memref_slice %arg25[%dma_wait3A_462, %dma_wait3A_463] : memref<10000x128xf32, #tpu.memory_space<vmem_shared>> -> memref<10000x128xf32, #tpu.memory_space<vmem_shared>>
      tpu.wait_indirect_dma semaphore(%arg32 : memref<!tpu.dma_semaphore, #tpu.memory_space<semaphore_mem>>) src(%arg19 : memref<40x128xf32, #tpu.memory_space<vmem>>) dst(%dma_wait3A_464 : memref<10000x128xf32, #tpu.memory_space<vmem_shared>>)
      %dma_wait3A_465 = arith.constant 6 : i32
      %dma_wait3A_466 = arith.constant 0 : i32
      %dma_wait3A_467 = tpu.memref_slice %arg11[%dma_wait3A_465, %dma_wait3A_466] : memref<8x40xi32, #tpu.memory_space<vmem>> -> memref<1x40xi32, #tpu.memory_space<vmem>>
      %dma_wait3A_468 = tpu.memref_squeeze %dma_wait3A_467 : memref<1x40xi32, #tpu.memory_space<vmem>> -> memref<40xi32, #tpu.memory_space<vmem>>
      %dma_wait3A_469 = arith.constant 0 : i32
      %dma_wait3A_470 = arith.constant 0 : i32
      %dma_wait3A_471 = tpu.memref_slice %arg25[%dma_wait3A_469, %dma_wait3A_470] : memref<10000x128xf32, #tpu.memory_space<vmem_shared>> -> memref<10000x128xf32, #tpu.memory_space<vmem_shared>>
      tpu.wait_indirect_dma semaphore(%arg33 : memref<!tpu.dma_semaphore, #tpu.memory_space<semaphore_mem>>) src(%arg20 : memref<40x128xf32, #tpu.memory_space<vmem>>) dst(%dma_wait3A_471 : memref<10000x128xf32, #tpu.memory_space<vmem_shared>>)
      %dma_wait3A_472 = arith.constant 7 : i32
      %dma_wait3A_473 = arith.constant 0 : i32
      %dma_wait3A_474 = tpu.memref_slice %arg11[%dma_wait3A_472, %dma_wait3A_473] : memref<8x40xi32, #tpu.memory_space<vmem>> -> memref<1x40xi32, #tpu.memory_space<vmem>>
      %dma_wait3A_475 = tpu.memref_squeeze %dma_wait3A_474 : memref<1x40xi32, #tpu.memory_space<vmem>> -> memref<40xi32, #tpu.memory_space<vmem>>
      %dma_wait3A_476 = arith.constant 0 : i32
      %dma_wait3A_477 = arith.constant 0 : i32
      %dma_wait3A_478 = tpu.memref_slice %arg25[%dma_wait3A_476, %dma_wait3A_477] : memref<10000x128xf32, #tpu.memory_space<vmem_shared>> -> memref<10000x128xf32, #tpu.memory_space<vmem_shared>>
      tpu.wait_indirect_dma semaphore(%arg34 : memref<!tpu.dma_semaphore, #tpu.memory_space<semaphore_mem>>) src(%arg21 : memref<40x128xf32, #tpu.memory_space<vmem>>) dst(%dma_wait3A_478 : memref<10000x128xf32, #tpu.memory_space<vmem_shared>>)
      %add3A_479 = arith.constant 1 : i32
      %add3A_480 = arith.addi %add3A_427, %add3A_479 : i32
      %mul3A_481 = arith.constant 8 : i32
      %mul3A_482 = arith.muli %mul3A_481, %add3A_480 : i32
      %multiple_of3A_483 = tpu.assume_multiple %mul3A_482, 8 : i32
      %mul3A_484 = arith.constant 10000 : i32
      %mul3A_485 = arith.muli %add3A, %mul3A_484 : i32
      %mul3A_486 = arith.constant 40 : i32
      %mul3A_487 = arith.muli %multiple_of3A_483, %mul3A_486 : i32
      %add3A_488 = arith.addi %mul3A_485, %mul3A_487 : i32
      %multiple_of3A_489 = tpu.assume_multiple %add3A_488, 8 : i32
      %dma_start3A_490 = arith.constant 0 : i32
      %dma_start3A_491 = tpu.memref_slice %arg3[%add3A, %multiple_of3A_483, %dma_start3A_490] : memref<32x250x40xi32, #tpu.memory_space<hbm>> -> memref<1x8x40xi32, #tpu.memory_space<hbm>>
      %dma_start3A_492 = tpu.memref_squeeze %dma_start3A_491 : memref<1x8x40xi32, #tpu.memory_space<hbm>> -> memref<8x40xi32, #tpu.memory_space<hbm>>
      %dma_start3A_493 = arith.constant 0 : i32
      %dma_start3A_494 = tpu.memref_slice %arg3[%add3A, %multiple_of3A_483, %dma_start3A_493] : memref<32x250x40xi32, #tpu.memory_space<hbm>> -> memref<1x8x40xi32, #tpu.memory_space<hbm>>
      %dma_start3A_495 = tpu.memref_squeeze %dma_start3A_494 : memref<1x8x40xi32, #tpu.memory_space<hbm>> -> memref<8x40xi32, #tpu.memory_space<hbm>>
      tpu.enqueue_dma source(%dma_start3A_495 : memref<8x40xi32, #tpu.memory_space<hbm>>) target(%arg10 : memref<8x40xi32, #tpu.memory_space<vmem>>) target_semaphore(%arg35 : memref<!tpu.dma_semaphore, #tpu.memory_space<semaphore_mem>>)
      %dma_start3A_496 = arith.constant 0 : i32
      %dma_start3A_497 = tpu.memref_slice %arg2[%add3A, %multiple_of3A_483, %dma_start3A_496] : memref<32x250x40xi32, #tpu.memory_space<hbm>> -> memref<1x8x40xi32, #tpu.memory_space<hbm>>
      %dma_start3A_498 = tpu.memref_squeeze %dma_start3A_497 : memref<1x8x40xi32, #tpu.memory_space<hbm>> -> memref<8x40xi32, #tpu.memory_space<hbm>>
      %dma_start3A_499 = arith.constant 0 : i32
      %dma_start3A_500 = tpu.memref_slice %arg2[%add3A, %multiple_of3A_483, %dma_start3A_499] : memref<32x250x40xi32, #tpu.memory_space<hbm>> -> memref<1x8x40xi32, #tpu.memory_space<hbm>>
      %dma_start3A_501 = tpu.memref_squeeze %dma_start3A_500 : memref<1x8x40xi32, #tpu.memory_space<hbm>> -> memref<8x40xi32, #tpu.memory_space<hbm>>
      tpu.enqueue_dma source(%dma_start3A_501 : memref<8x40xi32, #tpu.memory_space<hbm>>) target(%arg11 : memref<8x40xi32, #tpu.memory_space<vmem>>) target_semaphore(%arg36 : memref<!tpu.dma_semaphore, #tpu.memory_space<semaphore_mem>>)
      %dma_start3A_502 = tpu.memref_slice %arg4[%multiple_of3A_489] : memref<320000xi32, #tpu.memory_space<hbm>> -> memref<320xi32, #tpu.memory_space<hbm>>
      %dma_start3A_503 = tpu.memref_slice %arg4[%multiple_of3A_489] : memref<320000xi32, #tpu.memory_space<hbm>> -> memref<320xi32, #tpu.memory_space<hbm>>
      tpu.enqueue_dma source(%dma_start3A_503 : memref<320xi32, #tpu.memory_space<hbm>>) target(%arg16 : memref<320xi32, #tpu.memory_space<vmem>>) target_semaphore(%arg37 : memref<!tpu.dma_semaphore, #tpu.memory_space<semaphore_mem>>)
      %dma_start3A_504 = arith.constant 0 : i32
      %dma_start3A_505 = arith.constant 0 : i32
      %dma_start3A_506 = tpu.memref_slice %arg12[%dma_start3A_504, %dma_start3A_505] : memref<8x40xi32, #tpu.memory_space<vmem>> -> memref<1x40xi32, #tpu.memory_space<vmem>>
      %dma_start3A_507 = tpu.memref_squeeze %dma_start3A_506 : memref<1x40xi32, #tpu.memory_space<vmem>> -> memref<40xi32, #tpu.memory_space<vmem>>
      %dma_start3A_508 = arith.constant 0 : i32
      %dma_start3A_509 = arith.constant 0 : i32
      %dma_start3A_510 = tpu.memref_slice %arg6[%dma_start3A_508, %dma_start3A_509] : memref<10000x128xf32, #tpu.memory_space<hbm>> -> memref<10000x128xf32, #tpu.memory_space<hbm>>
      tpu.enqueue_indirect_dma source(%dma_start3A_510 : memref<10000x128xf32, #tpu.memory_space<hbm>>) target(%arg18 : memref<40x128xf32, #tpu.memory_space<vmem>>) offsets(%dma_start3A_507 : memref<40xi32, #tpu.memory_space<vmem>>) semaphore(%arg27 : memref<!tpu.dma_semaphore, #tpu.memory_space<semaphore_mem>>)
      %dma_start3A_511 = arith.constant 1 : i32
      %dma_start3A_512 = arith.constant 0 : i32
      %dma_start3A_513 = tpu.memref_slice %arg12[%dma_start3A_511, %dma_start3A_512] : memref<8x40xi32, #tpu.memory_space<vmem>> -> memref<1x40xi32, #tpu.memory_space<vmem>>
      %dma_start3A_514 = tpu.memref_squeeze %dma_start3A_513 : memref<1x40xi32, #tpu.memory_space<vmem>> -> memref<40xi32, #tpu.memory_space<vmem>>
      %dma_start3A_515 = arith.constant 0 : i32
      %dma_start3A_516 = arith.constant 0 : i32
      %dma_start3A_517 = tpu.memref_slice %arg6[%dma_start3A_515, %dma_start3A_516] : memref<10000x128xf32, #tpu.memory_space<hbm>> -> memref<10000x128xf32, #tpu.memory_space<hbm>>
      tpu.enqueue_indirect_dma source(%dma_start3A_517 : memref<10000x128xf32, #tpu.memory_space<hbm>>) target(%arg19 : memref<40x128xf32, #tpu.memory_space<vmem>>) offsets(%dma_start3A_514 : memref<40xi32, #tpu.memory_space<vmem>>) semaphore(%arg28 : memref<!tpu.dma_semaphore, #tpu.memory_space<semaphore_mem>>)
      %dma_start3A_518 = arith.constant 2 : i32
      %dma_start3A_519 = arith.constant 0 : i32
      %dma_start3A_520 = tpu.memref_slice %arg12[%dma_start3A_518, %dma_start3A_519] : memref<8x40xi32, #tpu.memory_space<vmem>> -> memref<1x40xi32, #tpu.memory_space<vmem>>
      %dma_start3A_521 = tpu.memref_squeeze %dma_start3A_520 : memref<1x40xi32, #tpu.memory_space<vmem>> -> memref<40xi32, #tpu.memory_space<vmem>>
      %dma_start3A_522 = arith.constant 0 : i32
      %dma_start3A_523 = arith.constant 0 : i32
      %dma_start3A_524 = tpu.memref_slice %arg6[%dma_start3A_522, %dma_start3A_523] : memref<10000x128xf32, #tpu.memory_space<hbm>> -> memref<10000x128xf32, #tpu.memory_space<hbm>>
      tpu.enqueue_indirect_dma source(%dma_start3A_524 : memref<10000x128xf32, #tpu.memory_space<hbm>>) target(%arg20 : memref<40x128xf32, #tpu.memory_space<vmem>>) offsets(%dma_start3A_521 : memref<40xi32, #tpu.memory_space<vmem>>) semaphore(%arg29 : memref<!tpu.dma_semaphore, #tpu.memory_space<semaphore_mem>>)
      %dma_start3A_525 = arith.constant 3 : i32
      %dma_start3A_526 = arith.constant 0 : i32
      %dma_start3A_527 = tpu.memref_slice %arg12[%dma_start3A_525, %dma_start3A_526] : memref<8x40xi32, #tpu.memory_space<vmem>> -> memref<1x40xi32, #tpu.memory_space<vmem>>
      %dma_start3A_528 = tpu.memref_squeeze %dma_start3A_527 : memref<1x40xi32, #tpu.memory_space<vmem>> -> memref<40xi32, #tpu.memory_space<vmem>>
      %dma_start3A_529 = arith.constant 0 : i32
      %dma_start3A_530 = arith.constant 0 : i32
      %dma_start3A_531 = tpu.memref_slice %arg6[%dma_start3A_529, %dma_start3A_530] : memref<10000x128xf32, #tpu.memory_space<hbm>> -> memref<10000x128xf32, #tpu.memory_space<hbm>>
      tpu.enqueue_indirect_dma source(%dma_start3A_531 : memref<10000x128xf32, #tpu.memory_space<hbm>>) target(%arg21 : memref<40x128xf32, #tpu.memory_space<vmem>>) offsets(%dma_start3A_528 : memref<40xi32, #tpu.memory_space<vmem>>) semaphore(%arg30 : memref<!tpu.dma_semaphore, #tpu.memory_space<semaphore_mem>>)
      %get3A_532 = arith.constant 0 : index
      %get3A_533 = tpu.vector_load %arg17[%get3A_532] {strides = array<i32>} : memref<320xi32, #tpu.memory_space<vmem>>, vector<16xi32>,
      tpu.vector_store_idx %arg22[%get3A_533], %broadcast_in_dim3A_20 {add = true} : memref<10000xf32, #tpu.memory_space<vmem>>[vector<16xi32>], vector<16xf32>,
      %get3A_534 = arith.constant 16 : index
      %get3A_535 = tpu.vector_load %arg17[%get3A_534] {strides = array<i32>} : memref<320xi32, #tpu.memory_space<vmem>>, vector<16xi32>,
      tpu.vector_store_idx %arg22[%get3A_535], %broadcast_in_dim3A_20 {add = true} : memref<10000xf32, #tpu.memory_space<vmem>>[vector<16xi32>], vector<16xf32>,
      %get3A_536 = arith.constant 32 : index
      %get3A_537 = tpu.vector_load %arg17[%get3A_536] {strides = array<i32>} : memref<320xi32, #tpu.memory_space<vmem>>, vector<16xi32>,
      tpu.vector_store_idx %arg22[%get3A_537], %broadcast_in_dim3A_20 {add = true} : memref<10000xf32, #tpu.memory_space<vmem>>[vector<16xi32>], vector<16xf32>,
      %get3A_538 = arith.constant 48 : index
      %get3A_539 = tpu.vector_load %arg17[%get3A_538] {strides = array<i32>} : memref<320xi32, #tpu.memory_space<vmem>>, vector<16xi32>,
      tpu.vector_store_idx %arg22[%get3A_539], %broadcast_in_dim3A_20 {add = true} : memref<10000xf32, #tpu.memory_space<vmem>>[vector<16xi32>], vector<16xf32>,
      %get3A_540 = arith.constant 64 : index
      %get3A_541 = tpu.vector_load %arg17[%get3A_540] {strides = array<i32>} : memref<320xi32, #tpu.memory_space<vmem>>, vector<16xi32>,
      tpu.vector_store_idx %arg22[%get3A_541], %broadcast_in_dim3A_20 {add = true} : memref<10000xf32, #tpu.memory_space<vmem>>[vector<16xi32>], vector<16xf32>,
      %get3A_542 = arith.constant 80 : index
      %get3A_543 = tpu.vector_load %arg17[%get3A_542] {strides = array<i32>} : memref<320xi32, #tpu.memory_space<vmem>>, vector<16xi32>,
      tpu.vector_store_idx %arg22[%get3A_543], %broadcast_in_dim3A_20 {add = true} : memref<10000xf32, #tpu.memory_space<vmem>>[vector<16xi32>], vector<16xf32>,
      %get3A_544 = arith.constant 96 : index
      %get3A_545 = tpu.vector_load %arg17[%get3A_544] {strides = array<i32>} : memref<320xi32, #tpu.memory_space<vmem>>, vector<16xi32>,
      tpu.vector_store_idx %arg22[%get3A_545], %broadcast_in_dim3A_20 {add = true} : memref<10000xf32, #tpu.memory_space<vmem>>[vector<16xi32>], vector<16xf32>,
      %get3A_546 = arith.constant 112 : index
      %get3A_547 = tpu.vector_load %arg17[%get3A_546] {strides = array<i32>} : memref<320xi32, #tpu.memory_space<vmem>>, vector<16xi32>,
      tpu.vector_store_idx %arg22[%get3A_547], %broadcast_in_dim3A_20 {add = true} : memref<10000xf32, #tpu.memory_space<vmem>>[vector<16xi32>], vector<16xf32>,
      %get3A_548 = arith.constant 128 : index
      %get3A_549 = tpu.vector_load %arg17[%get3A_548] {strides = array<i32>} : memref<320xi32, #tpu.memory_space<vmem>>, vector<16xi32>,
      tpu.vector_store_idx %arg22[%get3A_549], %broadcast_in_dim3A_20 {add = true} : memref<10000xf32, #tpu.memory_space<vmem>>[vector<16xi32>], vector<16xf32>,
      %get3A_550 = arith.constant 144 : index
      %get3A_551 = tpu.vector_load %arg17[%get3A_550] {strides = array<i32>} : memref<320xi32, #tpu.memory_space<vmem>>, vector<16xi32>,
      tpu.vector_store_idx %arg22[%get3A_551], %broadcast_in_dim3A_20 {add = true} : memref<10000xf32, #tpu.memory_space<vmem>>[vector<16xi32>], vector<16xf32>,
      %get3A_552 = arith.constant 160 : index
      %get3A_553 = tpu.vector_load %arg17[%get3A_552] {strides = array<i32>} : memref<320xi32, #tpu.memory_space<vmem>>, vector<16xi32>,
      tpu.vector_store_idx %arg22[%get3A_553], %broadcast_in_dim3A_20 {add = true} : memref<10000xf32, #tpu.memory_space<vmem>>[vector<16xi32>], vector<16xf32>,
      %get3A_554 = arith.constant 176 : index
      %get3A_555 = tpu.vector_load %arg17[%get3A_554] {strides = array<i32>} : memref<320xi32, #tpu.memory_space<vmem>>, vector<16xi32>,
      tpu.vector_store_idx %arg22[%get3A_555], %broadcast_in_dim3A_20 {add = true} : memref<10000xf32, #tpu.memory_space<vmem>>[vector<16xi32>], vector<16xf32>,
      %get3A_556 = arith.constant 192 : index
      %get3A_557 = tpu.vector_load %arg17[%get3A_556] {strides = array<i32>} : memref<320xi32, #tpu.memory_space<vmem>>, vector<16xi32>,
      tpu.vector_store_idx %arg22[%get3A_557], %broadcast_in_dim3A_20 {add = true} : memref<10000xf32, #tpu.memory_space<vmem>>[vector<16xi32>], vector<16xf32>,
      %get3A_558 = arith.constant 208 : index
      %get3A_559 = tpu.vector_load %arg17[%get3A_558] {strides = array<i32>} : memref<320xi32, #tpu.memory_space<vmem>>, vector<16xi32>,
      tpu.vector_store_idx %arg22[%get3A_559], %broadcast_in_dim3A_20 {add = true} : memref<10000xf32, #tpu.memory_space<vmem>>[vector<16xi32>], vector<16xf32>,
      %get3A_560 = arith.constant 224 : index
      %get3A_561 = tpu.vector_load %arg17[%get3A_560] {strides = array<i32>} : memref<320xi32, #tpu.memory_space<vmem>>, vector<16xi32>,
      tpu.vector_store_idx %arg22[%get3A_561], %broadcast_in_dim3A_20 {add = true} : memref<10000xf32, #tpu.memory_space<vmem>>[vector<16xi32>], vector<16xf32>,
      %get3A_562 = arith.constant 240 : index
      %get3A_563 = tpu.vector_load %arg17[%get3A_562] {strides = array<i32>} : memref<320xi32, #tpu.memory_space<vmem>>, vector<16xi32>,
      tpu.vector_store_idx %arg22[%get3A_563], %broadcast_in_dim3A_20 {add = true} : memref<10000xf32, #tpu.memory_space<vmem>>[vector<16xi32>], vector<16xf32>,
      %get3A_564 = arith.constant 256 : index
      %get3A_565 = tpu.vector_load %arg17[%get3A_564] {strides = array<i32>} : memref<320xi32, #tpu.memory_space<vmem>>, vector<16xi32>,
      tpu.vector_store_idx %arg22[%get3A_565], %broadcast_in_dim3A_20 {add = true} : memref<10000xf32, #tpu.memory_space<vmem>>[vector<16xi32>], vector<16xf32>,
      %get3A_566 = arith.constant 272 : index
      %get3A_567 = tpu.vector_load %arg17[%get3A_566] {strides = array<i32>} : memref<320xi32, #tpu.memory_space<vmem>>, vector<16xi32>,
      tpu.vector_store_idx %arg22[%get3A_567], %broadcast_in_dim3A_20 {add = true} : memref<10000xf32, #tpu.memory_space<vmem>>[vector<16xi32>], vector<16xf32>,
      %get3A_568 = arith.constant 288 : index
      %get3A_569 = tpu.vector_load %arg17[%get3A_568] {strides = array<i32>} : memref<320xi32, #tpu.memory_space<vmem>>, vector<16xi32>,
      tpu.vector_store_idx %arg22[%get3A_569], %broadcast_in_dim3A_20 {add = true} : memref<10000xf32, #tpu.memory_space<vmem>>[vector<16xi32>], vector<16xf32>,
      %get3A_570 = arith.constant 304 : index
      %get3A_571 = tpu.vector_load %arg17[%get3A_570] {strides = array<i32>} : memref<320xi32, #tpu.memory_space<vmem>>, vector<16xi32>,
      tpu.vector_store_idx %arg22[%get3A_571], %broadcast_in_dim3A_20 {add = true} : memref<10000xf32, #tpu.memory_space<vmem>>[vector<16xi32>], vector<16xf32>,
      %dma_wait3A_572 = arith.constant 0 : i32
      %dma_wait3A_573 = arith.constant 0 : i32
      %dma_wait3A_574 = tpu.memref_slice %arg12[%dma_wait3A_572, %dma_wait3A_573] : memref<8x40xi32, #tpu.memory_space<vmem>> -> memref<1x40xi32, #tpu.memory_space<vmem>>
      %dma_wait3A_575 = tpu.memref_squeeze %dma_wait3A_574 : memref<1x40xi32, #tpu.memory_space<vmem>> -> memref<40xi32, #tpu.memory_space<vmem>>
      %dma_wait3A_576 = arith.constant 0 : i32
      %dma_wait3A_577 = arith.constant 0 : i32
      %dma_wait3A_578 = tpu.memref_slice %arg6[%dma_wait3A_576, %dma_wait3A_577] : memref<10000x128xf32, #tpu.memory_space<hbm>> -> memref<10000x128xf32, #tpu.memory_space<hbm>>
      tpu.wait_indirect_dma semaphore(%arg27 : memref<!tpu.dma_semaphore, #tpu.memory_space<semaphore_mem>>) src(%dma_wait3A_578 : memref<10000x128xf32, #tpu.memory_space<hbm>>) dst(%arg18 : memref<40x128xf32, #tpu.memory_space<vmem>>)
      %dma_start3A_579 = arith.constant 0 : i32
      %dma_start3A_580 = arith.constant 0 : i32
      %dma_start3A_581 = tpu.memref_slice %arg13[%dma_start3A_579, %dma_start3A_580] : memref<8x40xi32, #tpu.memory_space<vmem>> -> memref<1x40xi32, #tpu.memory_space<vmem>>
      %dma_start3A_582 = tpu.memref_squeeze %dma_start3A_581 : memref<1x40xi32, #tpu.memory_space<vmem>> -> memref<40xi32, #tpu.memory_space<vmem>>
      %dma_start3A_583 = arith.constant 0 : i32
      %dma_start3A_584 = arith.constant 0 : i32
      %dma_start3A_585 = tpu.memref_slice %arg25[%dma_start3A_583, %dma_start3A_584] : memref<10000x128xf32, #tpu.memory_space<vmem_shared>> -> memref<10000x128xf32, #tpu.memory_space<vmem_shared>>
      tpu.enqueue_indirect_dma source(%arg18 : memref<40x128xf32, #tpu.memory_space<vmem>>) target(%dma_start3A_585 : memref<10000x128xf32, #tpu.memory_space<vmem_shared>>) offsets(%dma_start3A_582 : memref<40xi32, #tpu.memory_space<vmem>>) semaphore(%arg31 : memref<!tpu.dma_semaphore, #tpu.memory_space<semaphore_mem>>) {add = true}
      %dma_wait3A_586 = arith.constant 1 : i32
      %dma_wait3A_587 = arith.constant 0 : i32
      %dma_wait3A_588 = tpu.memref_slice %arg12[%dma_wait3A_586, %dma_wait3A_587] : memref<8x40xi32, #tpu.memory_space<vmem>> -> memref<1x40xi32, #tpu.memory_space<vmem>>
      %dma_wait3A_589 = tpu.memref_squeeze %dma_wait3A_588 : memref<1x40xi32, #tpu.memory_space<vmem>> -> memref<40xi32, #tpu.memory_space<vmem>>
      %dma_wait3A_590 = arith.constant 0 : i32
      %dma_wait3A_591 = arith.constant 0 : i32
      %dma_wait3A_592 = tpu.memref_slice %arg6[%dma_wait3A_590, %dma_wait3A_591] : memref<10000x128xf32, #tpu.memory_space<hbm>> -> memref<10000x128xf32, #tpu.memory_space<hbm>>
      tpu.wait_indirect_dma semaphore(%arg28 : memref<!tpu.dma_semaphore, #tpu.memory_space<semaphore_mem>>) src(%dma_wait3A_592 : memref<10000x128xf32, #tpu.memory_space<hbm>>) dst(%arg19 : memref<40x128xf32, #tpu.memory_space<vmem>>)
      %dma_start3A_593 = arith.constant 1 : i32
      %dma_start3A_594 = arith.constant 0 : i32
      %dma_start3A_595 = tpu.memref_slice %arg13[%dma_start3A_593, %dma_start3A_594] : memref<8x40xi32, #tpu.memory_space<vmem>> -> memref<1x40xi32, #tpu.memory_space<vmem>>
      %dma_start3A_596 = tpu.memref_squeeze %dma_start3A_595 : memref<1x40xi32, #tpu.memory_space<vmem>> -> memref<40xi32, #tpu.memory_space<vmem>>
      %dma_start3A_597 = arith.constant 0 : i32
      %dma_start3A_598 = arith.constant 0 : i32
      %dma_start3A_599 = tpu.memref_slice %arg25[%dma_start3A_597, %dma_start3A_598] : memref<10000x128xf32, #tpu.memory_space<vmem_shared>> -> memref<10000x128xf32, #tpu.memory_space<vmem_shared>>
      tpu.enqueue_indirect_dma source(%arg19 : memref<40x128xf32, #tpu.memory_space<vmem>>) target(%dma_start3A_599 : memref<10000x128xf32, #tpu.memory_space<vmem_shared>>) offsets(%dma_start3A_596 : memref<40xi32, #tpu.memory_space<vmem>>) semaphore(%arg32 : memref<!tpu.dma_semaphore, #tpu.memory_space<semaphore_mem>>) {add = true}
      %dma_wait3A_600 = arith.constant 2 : i32
      %dma_wait3A_601 = arith.constant 0 : i32
      %dma_wait3A_602 = tpu.memref_slice %arg12[%dma_wait3A_600, %dma_wait3A_601] : memref<8x40xi32, #tpu.memory_space<vmem>> -> memref<1x40xi32, #tpu.memory_space<vmem>>
      %dma_wait3A_603 = tpu.memref_squeeze %dma_wait3A_602 : memref<1x40xi32, #tpu.memory_space<vmem>> -> memref<40xi32, #tpu.memory_space<vmem>>
      %dma_wait3A_604 = arith.constant 0 : i32
      %dma_wait3A_605 = arith.constant 0 : i32
      %dma_wait3A_606 = tpu.memref_slice %arg6[%dma_wait3A_604, %dma_wait3A_605] : memref<10000x128xf32, #tpu.memory_space<hbm>> -> memref<10000x128xf32, #tpu.memory_space<hbm>>
      tpu.wait_indirect_dma semaphore(%arg29 : memref<!tpu.dma_semaphore, #tpu.memory_space<semaphore_mem>>) src(%dma_wait3A_606 : memref<10000x128xf32, #tpu.memory_space<hbm>>) dst(%arg20 : memref<40x128xf32, #tpu.memory_space<vmem>>)
      %dma_start3A_607 = arith.constant 2 : i32
      %dma_start3A_608 = arith.constant 0 : i32
      %dma_start3A_609 = tpu.memref_slice %arg13[%dma_start3A_607, %dma_start3A_608] : memref<8x40xi32, #tpu.memory_space<vmem>> -> memref<1x40xi32, #tpu.memory_space<vmem>>
      %dma_start3A_610 = tpu.memref_squeeze %dma_start3A_609 : memref<1x40xi32, #tpu.memory_space<vmem>> -> memref<40xi32, #tpu.memory_space<vmem>>
      %dma_start3A_611 = arith.constant 0 : i32
      %dma_start3A_612 = arith.constant 0 : i32
      %dma_start3A_613 = tpu.memref_slice %arg25[%dma_start3A_611, %dma_start3A_612] : memref<10000x128xf32, #tpu.memory_space<vmem_shared>> -> memref<10000x128xf32, #tpu.memory_space<vmem_shared>>
      tpu.enqueue_indirect_dma source(%arg20 : memref<40x128xf32, #tpu.memory_space<vmem>>) target(%dma_start3A_613 : memref<10000x128xf32, #tpu.memory_space<vmem_shared>>) offsets(%dma_start3A_610 : memref<40xi32, #tpu.memory_space<vmem>>) semaphore(%arg33 : memref<!tpu.dma_semaphore, #tpu.memory_space<semaphore_mem>>) {add = true}
      %dma_wait3A_614 = arith.constant 3 : i32
      %dma_wait3A_615 = arith.constant 0 : i32
      %dma_wait3A_616 = tpu.memref_slice %arg12[%dma_wait3A_614, %dma_wait3A_615] : memref<8x40xi32, #tpu.memory_space<vmem>> -> memref<1x40xi32, #tpu.memory_space<vmem>>
      %dma_wait3A_617 = tpu.memref_squeeze %dma_wait3A_616 : memref<1x40xi32, #tpu.memory_space<vmem>> -> memref<40xi32, #tpu.memory_space<vmem>>
      %dma_wait3A_618 = arith.constant 0 : i32
      %dma_wait3A_619 = arith.constant 0 : i32
      %dma_wait3A_620 = tpu.memref_slice %arg6[%dma_wait3A_618, %dma_wait3A_619] : memref<10000x128xf32, #tpu.memory_space<hbm>> -> memref<10000x128xf32, #tpu.memory_space<hbm>>
      tpu.wait_indirect_dma semaphore(%arg30 : memref<!tpu.dma_semaphore, #tpu.memory_space<semaphore_mem>>) src(%dma_wait3A_620 : memref<10000x128xf32, #tpu.memory_space<hbm>>) dst(%arg21 : memref<40x128xf32, #tpu.memory_space<vmem>>)
      %dma_start3A_621 = arith.constant 3 : i32
      %dma_start3A_622 = arith.constant 0 : i32
      %dma_start3A_623 = tpu.memref_slice %arg13[%dma_start3A_621, %dma_start3A_622] : memref<8x40xi32, #tpu.memory_space<vmem>> -> memref<1x40xi32, #tpu.memory_space<vmem>>
      %dma_start3A_624 = tpu.memref_squeeze %dma_start3A_623 : memref<1x40xi32, #tpu.memory_space<vmem>> -> memref<40xi32, #tpu.memory_space<vmem>>
      %dma_start3A_625 = arith.constant 0 : i32
      %dma_start3A_626 = arith.constant 0 : i32
      %dma_start3A_627 = tpu.memref_slice %arg25[%dma_start3A_625, %dma_start3A_626] : memref<10000x128xf32, #tpu.memory_space<vmem_shared>> -> memref<10000x128xf32, #tpu.memory_space<vmem_shared>>
      tpu.enqueue_indirect_dma source(%arg21 : memref<40x128xf32, #tpu.memory_space<vmem>>) target(%dma_start3A_627 : memref<10000x128xf32, #tpu.memory_space<vmem_shared>>) offsets(%dma_start3A_624 : memref<40xi32, #tpu.memory_space<vmem>>) semaphore(%arg34 : memref<!tpu.dma_semaphore, #tpu.memory_space<semaphore_mem>>) {add = true}
      %dma_wait3A_628 = arith.constant 0 : i32
      %dma_wait3A_629 = arith.constant 0 : i32
      %dma_wait3A_630 = tpu.memref_slice %arg13[%dma_wait3A_628, %dma_wait3A_629] : memref<8x40xi32, #tpu.memory_space<vmem>> -> memref<1x40xi32, #tpu.memory_space<vmem>>
      %dma_wait3A_631 = tpu.memref_squeeze %dma_wait3A_630 : memref<1x40xi32, #tpu.memory_space<vmem>> -> memref<40xi32, #tpu.memory_space<vmem>>
      %dma_wait3A_632 = arith.constant 0 : i32
      %dma_wait3A_633 = arith.constant 0 : i32
      %dma_wait3A_634 = tpu.memref_slice %arg25[%dma_wait3A_632, %dma_wait3A_633] : memref<10000x128xf32, #tpu.memory_space<vmem_shared>> -> memref<10000x128xf32, #tpu.memory_space<vmem_shared>>
      tpu.wait_indirect_dma semaphore(%arg31 : memref<!tpu.dma_semaphore, #tpu.memory_space<semaphore_mem>>) src(%arg18 : memref<40x128xf32, #tpu.memory_space<vmem>>) dst(%dma_wait3A_634 : memref<10000x128xf32, #tpu.memory_space<vmem_shared>>)
      %dma_start3A_635 = arith.constant 4 : i32
      %dma_start3A_636 = arith.constant 0 : i32
      %dma_start3A_637 = tpu.memref_slice %arg12[%dma_start3A_635, %dma_start3A_636] : memref<8x40xi32, #tpu.memory_space<vmem>> -> memref<1x40xi32, #tpu.memory_space<vmem>>
      %dma_start3A_638 = tpu.memref_squeeze %dma_start3A_637 : memref<1x40xi32, #tpu.memory_space<vmem>> -> memref<40xi32, #tpu.memory_space<vmem>>
      %dma_start3A_639 = arith.constant 0 : i32
      %dma_start3A_640 = arith.constant 0 : i32
      %dma_start3A_641 = tpu.memref_slice %arg6[%dma_start3A_639, %dma_start3A_640] : memref<10000x128xf32, #tpu.memory_space<hbm>> -> memref<10000x128xf32, #tpu.memory_space<hbm>>
      tpu.enqueue_indirect_dma source(%dma_start3A_641 : memref<10000x128xf32, #tpu.memory_space<hbm>>) target(%arg18 : memref<40x128xf32, #tpu.memory_space<vmem>>) offsets(%dma_start3A_638 : memref<40xi32, #tpu.memory_space<vmem>>) semaphore(%arg27 : memref<!tpu.dma_semaphore, #tpu.memory_space<semaphore_mem>>)
      %dma_wait3A_642 = arith.constant 1 : i32
      %dma_wait3A_643 = arith.constant 0 : i32
      %dma_wait3A_644 = tpu.memref_slice %arg13[%dma_wait3A_642, %dma_wait3A_643] : memref<8x40xi32, #tpu.memory_space<vmem>> -> memref<1x40xi32, #tpu.memory_space<vmem>>
      %dma_wait3A_645 = tpu.memref_squeeze %dma_wait3A_644 : memref<1x40xi32, #tpu.memory_space<vmem>> -> memref<40xi32, #tpu.memory_space<vmem>>
      %dma_wait3A_646 = arith.constant 0 : i32
      %dma_wait3A_647 = arith.constant 0 : i32
      %dma_wait3A_648 = tpu.memref_slice %arg25[%dma_wait3A_646, %dma_wait3A_647] : memref<10000x128xf32, #tpu.memory_space<vmem_shared>> -> memref<10000x128xf32, #tpu.memory_space<vmem_shared>>
      tpu.wait_indirect_dma semaphore(%arg32 : memref<!tpu.dma_semaphore, #tpu.memory_space<semaphore_mem>>) src(%arg19 : memref<40x128xf32, #tpu.memory_space<vmem>>) dst(%dma_wait3A_648 : memref<10000x128xf32, #tpu.memory_space<vmem_shared>>)
      %dma_start3A_649 = arith.constant 5 : i32
      %dma_start3A_650 = arith.constant 0 : i32
      %dma_start3A_651 = tpu.memref_slice %arg12[%dma_start3A_649, %dma_start3A_650] : memref<8x40xi32, #tpu.memory_space<vmem>> -> memref<1x40xi32, #tpu.memory_space<vmem>>
      %dma_start3A_652 = tpu.memref_squeeze %dma_start3A_651 : memref<1x40xi32, #tpu.memory_space<vmem>> -> memref<40xi32, #tpu.memory_space<vmem>>
      %dma_start3A_653 = arith.constant 0 : i32
      %dma_start3A_654 = arith.constant 0 : i32
      %dma_start3A_655 = tpu.memref_slice %arg6[%dma_start3A_653, %dma_start3A_654] : memref<10000x128xf32, #tpu.memory_space<hbm>> -> memref<10000x128xf32, #tpu.memory_space<hbm>>
      tpu.enqueue_indirect_dma source(%dma_start3A_655 : memref<10000x128xf32, #tpu.memory_space<hbm>>) target(%arg19 : memref<40x128xf32, #tpu.memory_space<vmem>>) offsets(%dma_start3A_652 : memref<40xi32, #tpu.memory_space<vmem>>) semaphore(%arg28 : memref<!tpu.dma_semaphore, #tpu.memory_space<semaphore_mem>>)
      %dma_wait3A_656 = arith.constant 2 : i32
      %dma_wait3A_657 = arith.constant 0 : i32
      %dma_wait3A_658 = tpu.memref_slice %arg13[%dma_wait3A_656, %dma_wait3A_657] : memref<8x40xi32, #tpu.memory_space<vmem>> -> memref<1x40xi32, #tpu.memory_space<vmem>>
      %dma_wait3A_659 = tpu.memref_squeeze %dma_wait3A_658 : memref<1x40xi32, #tpu.memory_space<vmem>> -> memref<40xi32, #tpu.memory_space<vmem>>
      %dma_wait3A_660 = arith.constant 0 : i32
      %dma_wait3A_661 = arith.constant 0 : i32
      %dma_wait3A_662 = tpu.memref_slice %arg25[%dma_wait3A_660, %dma_wait3A_661] : memref<10000x128xf32, #tpu.memory_space<vmem_shared>> -> memref<10000x128xf32, #tpu.memory_space<vmem_shared>>
      tpu.wait_indirect_dma semaphore(%arg33 : memref<!tpu.dma_semaphore, #tpu.memory_space<semaphore_mem>>) src(%arg20 : memref<40x128xf32, #tpu.memory_space<vmem>>) dst(%dma_wait3A_662 : memref<10000x128xf32, #tpu.memory_space<vmem_shared>>)
      %dma_start3A_663 = arith.constant 6 : i32
      %dma_start3A_664 = arith.constant 0 : i32
      %dma_start3A_665 = tpu.memref_slice %arg12[%dma_start3A_663, %dma_start3A_664] : memref<8x40xi32, #tpu.memory_space<vmem>> -> memref<1x40xi32, #tpu.memory_space<vmem>>
      %dma_start3A_666 = tpu.memref_squeeze %dma_start3A_665 : memref<1x40xi32, #tpu.memory_space<vmem>> -> memref<40xi32, #tpu.memory_space<vmem>>
      %dma_start3A_667 = arith.constant 0 : i32
      %dma_start3A_668 = arith.constant 0 : i32
      %dma_start3A_669 = tpu.memref_slice %arg6[%dma_start3A_667, %dma_start3A_668] : memref<10000x128xf32, #tpu.memory_space<hbm>> -> memref<10000x128xf32, #tpu.memory_space<hbm>>
      tpu.enqueue_indirect_dma source(%dma_start3A_669 : memref<10000x128xf32, #tpu.memory_space<hbm>>) target(%arg20 : memref<40x128xf32, #tpu.memory_space<vmem>>) offsets(%dma_start3A_666 : memref<40xi32, #tpu.memory_space<vmem>>) semaphore(%arg29 : memref<!tpu.dma_semaphore, #tpu.memory_space<semaphore_mem>>)
      %dma_wait3A_670 = arith.constant 3 : i32
      %dma_wait3A_671 = arith.constant 0 : i32
      %dma_wait3A_672 = tpu.memref_slice %arg13[%dma_wait3A_670, %dma_wait3A_671] : memref<8x40xi32, #tpu.memory_space<vmem>> -> memref<1x40xi32, #tpu.memory_space<vmem>>
      %dma_wait3A_673 = tpu.memref_squeeze %dma_wait3A_672 : memref<1x40xi32, #tpu.memory_space<vmem>> -> memref<40xi32, #tpu.memory_space<vmem>>
      %dma_wait3A_674 = arith.constant 0 : i32
      %dma_wait3A_675 = arith.constant 0 : i32
      %dma_wait3A_676 = tpu.memref_slice %arg25[%dma_wait3A_674, %dma_wait3A_675] : memref<10000x128xf32, #tpu.memory_space<vmem_shared>> -> memref<10000x128xf32, #tpu.memory_space<vmem_shared>>
      tpu.wait_indirect_dma semaphore(%arg34 : memref<!tpu.dma_semaphore, #tpu.memory_space<semaphore_mem>>) src(%arg21 : memref<40x128xf32, #tpu.memory_space<vmem>>) dst(%dma_wait3A_676 : memref<10000x128xf32, #tpu.memory_space<vmem_shared>>)
      %dma_start3A_677 = arith.constant 7 : i32
      %dma_start3A_678 = arith.constant 0 : i32
      %dma_start3A_679 = tpu.memref_slice %arg12[%dma_start3A_677, %dma_start3A_678] : memref<8x40xi32, #tpu.memory_space<vmem>> -> memref<1x40xi32, #tpu.memory_space<vmem>>
      %dma_start3A_680 = tpu.memref_squeeze %dma_start3A_679 : memref<1x40xi32, #tpu.memory_space<vmem>> -> memref<40xi32, #tpu.memory_space<vmem>>
      %dma_start3A_681 = arith.constant 0 : i32
      %dma_start3A_682 = arith.constant 0 : i32
      %dma_start3A_683 = tpu.memref_slice %arg6[%dma_start3A_681, %dma_start3A_682] : memref<10000x128xf32, #tpu.memory_space<hbm>> -> memref<10000x128xf32, #tpu.memory_space<hbm>>
      tpu.enqueue_indirect_dma source(%dma_start3A_683 : memref<10000x128xf32, #tpu.memory_space<hbm>>) target(%arg21 : memref<40x128xf32, #tpu.memory_space<vmem>>) offsets(%dma_start3A_680 : memref<40xi32, #tpu.memory_space<vmem>>) semaphore(%arg30 : memref<!tpu.dma_semaphore, #tpu.memory_space<semaphore_mem>>)
      %dma_wait3A_684 = arith.constant 4 : i32
      %dma_wait3A_685 = arith.constant 0 : i32
      %dma_wait3A_686 = tpu.memref_slice %arg12[%dma_wait3A_684, %dma_wait3A_685] : memref<8x40xi32, #tpu.memory_space<vmem>> -> memref<1x40xi32, #tpu.memory_space<vmem>>
      %dma_wait3A_687 = tpu.memref_squeeze %dma_wait3A_686 : memref<1x40xi32, #tpu.memory_space<vmem>> -> memref<40xi32, #tpu.memory_space<vmem>>
      %dma_wait3A_688 = arith.constant 0 : i32
      %dma_wait3A_689 = arith.constant 0 : i32
      %dma_wait3A_690 = tpu.memref_slice %arg6[%dma_wait3A_688, %dma_wait3A_689] : memref<10000x128xf32, #tpu.memory_space<hbm>> -> memref<10000x128xf32, #tpu.memory_space<hbm>>
      tpu.wait_indirect_dma semaphore(%arg27 : memref<!tpu.dma_semaphore, #tpu.memory_space<semaphore_mem>>) src(%dma_wait3A_690 : memref<10000x128xf32, #tpu.memory_space<hbm>>) dst(%arg18 : memref<40x128xf32, #tpu.memory_space<vmem>>)
      %dma_start3A_691 = arith.constant 4 : i32
      %dma_start3A_692 = arith.constant 0 : i32
      %dma_start3A_693 = tpu.memref_slice %arg13[%dma_start3A_691, %dma_start3A_692] : memref<8x40xi32, #tpu.memory_space<vmem>> -> memref<1x40xi32, #tpu.memory_space<vmem>>
      %dma_start3A_694 = tpu.memref_squeeze %dma_start3A_693 : memref<1x40xi32, #tpu.memory_space<vmem>> -> memref<40xi32, #tpu.memory_space<vmem>>
      %dma_start3A_695 = arith.constant 0 : i32
      %dma_start3A_696 = arith.constant 0 : i32
      %dma_start3A_697 = tpu.memref_slice %arg25[%dma_start3A_695, %dma_start3A_696] : memref<10000x128xf32, #tpu.memory_space<vmem_shared>> -> memref<10000x128xf32, #tpu.memory_space<vmem_shared>>
      tpu.enqueue_indirect_dma source(%arg18 : memref<40x128xf32, #tpu.memory_space<vmem>>) target(%dma_start3A_697 : memref<10000x128xf32, #tpu.memory_space<vmem_shared>>) offsets(%dma_start3A_694 : memref<40xi32, #tpu.memory_space<vmem>>) semaphore(%arg31 : memref<!tpu.dma_semaphore, #tpu.memory_space<semaphore_mem>>) {add = true}
      %dma_wait3A_698 = arith.constant 5 : i32
      %dma_wait3A_699 = arith.constant 0 : i32
      %dma_wait3A_700 = tpu.memref_slice %arg12[%dma_wait3A_698, %dma_wait3A_699] : memref<8x40xi32, #tpu.memory_space<vmem>> -> memref<1x40xi32, #tpu.memory_space<vmem>>
      %dma_wait3A_701 = tpu.memref_squeeze %dma_wait3A_700 : memref<1x40xi32, #tpu.memory_space<vmem>> -> memref<40xi32, #tpu.memory_space<vmem>>
      %dma_wait3A_702 = arith.constant 0 : i32
      %dma_wait3A_703 = arith.constant 0 : i32
      %dma_wait3A_704 = tpu.memref_slice %arg6[%dma_wait3A_702, %dma_wait3A_703] : memref<10000x128xf32, #tpu.memory_space<hbm>> -> memref<10000x128xf32, #tpu.memory_space<hbm>>
      tpu.wait_indirect_dma semaphore(%arg28 : memref<!tpu.dma_semaphore, #tpu.memory_space<semaphore_mem>>) src(%dma_wait3A_704 : memref<10000x128xf32, #tpu.memory_space<hbm>>) dst(%arg19 : memref<40x128xf32, #tpu.memory_space<vmem>>)
      %dma_start3A_705 = arith.constant 5 : i32
      %dma_start3A_706 = arith.constant 0 : i32
      %dma_start3A_707 = tpu.memref_slice %arg13[%dma_start3A_705, %dma_start3A_706] : memref<8x40xi32, #tpu.memory_space<vmem>> -> memref<1x40xi32, #tpu.memory_space<vmem>>
      %dma_start3A_708 = tpu.memref_squeeze %dma_start3A_707 : memref<1x40xi32, #tpu.memory_space<vmem>> -> memref<40xi32, #tpu.memory_space<vmem>>
      %dma_start3A_709 = arith.constant 0 : i32
      %dma_start3A_710 = arith.constant 0 : i32
      %dma_start3A_711 = tpu.memref_slice %arg25[%dma_start3A_709, %dma_start3A_710] : memref<10000x128xf32, #tpu.memory_space<vmem_shared>> -> memref<10000x128xf32, #tpu.memory_space<vmem_shared>>
      tpu.enqueue_indirect_dma source(%arg19 : memref<40x128xf32, #tpu.memory_space<vmem>>) target(%dma_start3A_711 : memref<10000x128xf32, #tpu.memory_space<vmem_shared>>) offsets(%dma_start3A_708 : memref<40xi32, #tpu.memory_space<vmem>>) semaphore(%arg32 : memref<!tpu.dma_semaphore, #tpu.memory_space<semaphore_mem>>) {add = true}
      %dma_wait3A_712 = arith.constant 6 : i32
      %dma_wait3A_713 = arith.constant 0 : i32
      %dma_wait3A_714 = tpu.memref_slice %arg12[%dma_wait3A_712, %dma_wait3A_713] : memref<8x40xi32, #tpu.memory_space<vmem>> -> memref<1x40xi32, #tpu.memory_space<vmem>>
      %dma_wait3A_715 = tpu.memref_squeeze %dma_wait3A_714 : memref<1x40xi32, #tpu.memory_space<vmem>> -> memref<40xi32, #tpu.memory_space<vmem>>
      %dma_wait3A_716 = arith.constant 0 : i32
      %dma_wait3A_717 = arith.constant 0 : i32
      %dma_wait3A_718 = tpu.memref_slice %arg6[%dma_wait3A_716, %dma_wait3A_717] : memref<10000x128xf32, #tpu.memory_space<hbm>> -> memref<10000x128xf32, #tpu.memory_space<hbm>>
      tpu.wait_indirect_dma semaphore(%arg29 : memref<!tpu.dma_semaphore, #tpu.memory_space<semaphore_mem>>) src(%dma_wait3A_718 : memref<10000x128xf32, #tpu.memory_space<hbm>>) dst(%arg20 : memref<40x128xf32, #tpu.memory_space<vmem>>)
      %dma_start3A_719 = arith.constant 6 : i32
      %dma_start3A_720 = arith.constant 0 : i32
      %dma_start3A_721 = tpu.memref_slice %arg13[%dma_start3A_719, %dma_start3A_720] : memref<8x40xi32, #tpu.memory_space<vmem>> -> memref<1x40xi32, #tpu.memory_space<vmem>>
      %dma_start3A_722 = tpu.memref_squeeze %dma_start3A_721 : memref<1x40xi32, #tpu.memory_space<vmem>> -> memref<40xi32, #tpu.memory_space<vmem>>
      %dma_start3A_723 = arith.constant 0 : i32
      %dma_start3A_724 = arith.constant 0 : i32
      %dma_start3A_725 = tpu.memref_slice %arg25[%dma_start3A_723, %dma_start3A_724] : memref<10000x128xf32, #tpu.memory_space<vmem_shared>> -> memref<10000x128xf32, #tpu.memory_space<vmem_shared>>
      tpu.enqueue_indirect_dma source(%arg20 : memref<40x128xf32, #tpu.memory_space<vmem>>) target(%dma_start3A_725 : memref<10000x128xf32, #tpu.memory_space<vmem_shared>>) offsets(%dma_start3A_722 : memref<40xi32, #tpu.memory_space<vmem>>) semaphore(%arg33 : memref<!tpu.dma_semaphore, #tpu.memory_space<semaphore_mem>>) {add = true}
      %dma_wait3A_726 = arith.constant 7 : i32
      %dma_wait3A_727 = arith.constant 0 : i32
      %dma_wait3A_728 = tpu.memref_slice %arg12[%dma_wait3A_726, %dma_wait3A_727] : memref<8x40xi32, #tpu.memory_space<vmem>> -> memref<1x40xi32, #tpu.memory_space<vmem>>
      %dma_wait3A_729 = tpu.memref_squeeze %dma_wait3A_728 : memref<1x40xi32, #tpu.memory_space<vmem>> -> memref<40xi32, #tpu.memory_space<vmem>>
      %dma_wait3A_730 = arith.constant 0 : i32
      %dma_wait3A_731 = arith.constant 0 : i32
      %dma_wait3A_732 = tpu.memref_slice %arg6[%dma_wait3A_730, %dma_wait3A_731] : memref<10000x128xf32, #tpu.memory_space<hbm>> -> memref<10000x128xf32, #tpu.memory_space<hbm>>
      tpu.wait_indirect_dma semaphore(%arg30 : memref<!tpu.dma_semaphore, #tpu.memory_space<semaphore_mem>>) src(%dma_wait3A_732 : memref<10000x128xf32, #tpu.memory_space<hbm>>) dst(%arg21 : memref<40x128xf32, #tpu.memory_space<vmem>>)
      %dma_start3A_733 = arith.constant 7 : i32
      %dma_start3A_734 = arith.constant 0 : i32
      %dma_start3A_735 = tpu.memref_slice %arg13[%dma_start3A_733, %dma_start3A_734] : memref<8x40xi32, #tpu.memory_space<vmem>> -> memref<1x40xi32, #tpu.memory_space<vmem>>
      %dma_start3A_736 = tpu.memref_squeeze %dma_start3A_735 : memref<1x40xi32, #tpu.memory_space<vmem>> -> memref<40xi32, #tpu.memory_space<vmem>>
      %dma_start3A_737 = arith.constant 0 : i32
      %dma_start3A_738 = arith.constant 0 : i32
      %dma_start3A_739 = tpu.memref_slice %arg25[%dma_start3A_737, %dma_start3A_738] : memref<10000x128xf32, #tpu.memory_space<vmem_shared>> -> memref<10000x128xf32, #tpu.memory_space<vmem_shared>>
      tpu.enqueue_indirect_dma source(%arg21 : memref<40x128xf32, #tpu.memory_space<vmem>>) target(%dma_start3A_739 : memref<10000x128xf32, #tpu.memory_space<vmem_shared>>) offsets(%dma_start3A_736 : memref<40xi32, #tpu.memory_space<vmem>>) semaphore(%arg34 : memref<!tpu.dma_semaphore, #tpu.memory_space<semaphore_mem>>) {add = true}
      %add3A_740 = arith.constant 1 : i32
      %add3A_741 = arith.addi %add3A_427, %add3A_740 : i32
      %mul3A_742 = arith.constant 8 : i32
      %mul3A_743 = arith.muli %mul3A_742, %add3A_741 : i32
      %multiple_of3A_744 = tpu.assume_multiple %mul3A_743, 8 : i32
      %mul3A_745 = arith.constant 10000 : i32
      %mul3A_746 = arith.muli %add3A, %mul3A_745 : i32
      %mul3A_747 = arith.constant 40 : i32
      %mul3A_748 = arith.muli %multiple_of3A_744, %mul3A_747 : i32
      %add3A_749 = arith.addi %mul3A_746, %mul3A_748 : i32
      %multiple_of3A_750 = tpu.assume_multiple %add3A_749, 8 : i32
      %dma_wait3A_751 = arith.constant 0 : i32
      %dma_wait3A_752 = tpu.memref_slice %arg3[%add3A, %multiple_of3A_744, %dma_wait3A_751] : memref<32x250x40xi32, #tpu.memory_space<hbm>> -> memref<1x8x40xi32, #tpu.memory_space<hbm>>
      %dma_wait3A_753 = tpu.memref_squeeze %dma_wait3A_752 : memref<1x8x40xi32, #tpu.memory_space<hbm>> -> memref<8x40xi32, #tpu.memory_space<hbm>>
      %dma_wait3A_754 = arith.constant 0 : i32
      %dma_wait3A_755 = tpu.memref_slice %arg3[%add3A, %multiple_of3A_744, %dma_wait3A_754] : memref<32x250x40xi32, #tpu.memory_space<hbm>> -> memref<1x8x40xi32, #tpu.memory_space<hbm>>
      %dma_wait3A_756 = tpu.memref_squeeze %dma_wait3A_755 : memref<1x8x40xi32, #tpu.memory_space<hbm>> -> memref<8x40xi32, #tpu.memory_space<hbm>>
      tpu.wait_dma2 semaphore(%arg35 : memref<!tpu.dma_semaphore, #tpu.memory_space<semaphore_mem>>) src(%dma_wait3A_756 : memref<8x40xi32, #tpu.memory_space<hbm>>) dst(%arg10 : memref<8x40xi32, #tpu.memory_space<vmem>>)
      %dma_wait3A_757 = arith.constant 0 : i32
      %dma_wait3A_758 = tpu.memref_slice %arg2[%add3A, %multiple_of3A_744, %dma_wait3A_757] : memref<32x250x40xi32, #tpu.memory_space<hbm>> -> memref<1x8x40xi32, #tpu.memory_space<hbm>>
      %dma_wait3A_759 = tpu.memref_squeeze %dma_wait3A_758 : memref<1x8x40xi32, #tpu.memory_space<hbm>> -> memref<8x40xi32, #tpu.memory_space<hbm>>
      %dma_wait3A_760 = arith.constant 0 : i32
      %dma_wait3A_761 = tpu.memref_slice %arg2[%add3A, %multiple_of3A_744, %dma_wait3A_760] : memref<32x250x40xi32, #tpu.memory_space<hbm>> -> memref<1x8x40xi32, #tpu.memory_space<hbm>>
      %dma_wait3A_762 = tpu.memref_squeeze %dma_wait3A_761 : memref<1x8x40xi32, #tpu.memory_space<hbm>> -> memref<8x40xi32, #tpu.memory_space<hbm>>
      tpu.wait_dma2 semaphore(%arg36 : memref<!tpu.dma_semaphore, #tpu.memory_space<semaphore_mem>>) src(%dma_wait3A_762 : memref<8x40xi32, #tpu.memory_space<hbm>>) dst(%arg11 : memref<8x40xi32, #tpu.memory_space<vmem>>)
      %dma_wait3A_763 = tpu.memref_slice %arg4[%multiple_of3A_750] : memref<320000xi32, #tpu.memory_space<hbm>> -> memref<320xi32, #tpu.memory_space<hbm>>
      %dma_wait3A_764 = tpu.memref_slice %arg4[%multiple_of3A_750] : memref<320000xi32, #tpu.memory_space<hbm>> -> memref<320xi32, #tpu.memory_space<hbm>>
      tpu.wait_dma2 semaphore(%arg37 : memref<!tpu.dma_semaphore, #tpu.memory_space<semaphore_mem>>) src(%dma_wait3A_764 : memref<320xi32, #tpu.memory_space<hbm>>) dst(%arg16 : memref<320xi32, #tpu.memory_space<vmem>>)
      %dma_wait3A_765 = arith.constant 4 : i32
      %dma_wait3A_766 = arith.constant 0 : i32
      %dma_wait3A_767 = tpu.memref_slice %arg13[%dma_wait3A_765, %dma_wait3A_766] : memref<8x40xi32, #tpu.memory_space<vmem>> -> memref<1x40xi32, #tpu.memory_space<vmem>>
      %dma_wait3A_768 = tpu.memref_squeeze %dma_wait3A_767 : memref<1x40xi32, #tpu.memory_space<vmem>> -> memref<40xi32, #tpu.memory_space<vmem>>
      %dma_wait3A_769 = arith.constant 0 : i32
      %dma_wait3A_770 = arith.constant 0 : i32
      %dma_wait3A_771 = tpu.memref_slice %arg25[%dma_wait3A_769, %dma_wait3A_770] : memref<10000x128xf32, #tpu.memory_space<vmem_shared>> -> memref<10000x128xf32, #tpu.memory_space<vmem_shared>>
      tpu.wait_indirect_dma semaphore(%arg31 : memref<!tpu.dma_semaphore, #tpu.memory_space<semaphore_mem>>) src(%arg18 : memref<40x128xf32, #tpu.memory_space<vmem>>) dst(%dma_wait3A_771 : memref<10000x128xf32, #tpu.memory_space<vmem_shared>>)
      %dma_wait3A_772 = arith.constant 5 : i32
      %dma_wait3A_773 = arith.constant 0 : i32
      %dma_wait3A_774 = tpu.memref_slice %arg13[%dma_wait3A_772, %dma_wait3A_773] : memref<8x40xi32, #tpu.memory_space<vmem>> -> memref<1x40xi32, #tpu.memory_space<vmem>>
      %dma_wait3A_775 = tpu.memref_squeeze %dma_wait3A_774 : memref<1x40xi32, #tpu.memory_space<vmem>> -> memref<40xi32, #tpu.memory_space<vmem>>
      %dma_wait3A_776 = arith.constant 0 : i32
      %dma_wait3A_777 = arith.constant 0 : i32
      %dma_wait3A_778 = tpu.memref_slice %arg25[%dma_wait3A_776, %dma_wait3A_777] : memref<10000x128xf32, #tpu.memory_space<vmem_shared>> -> memref<10000x128xf32, #tpu.memory_space<vmem_shared>>
      tpu.wait_indirect_dma semaphore(%arg32 : memref<!tpu.dma_semaphore, #tpu.memory_space<semaphore_mem>>) src(%arg19 : memref<40x128xf32, #tpu.memory_space<vmem>>) dst(%dma_wait3A_778 : memref<10000x128xf32, #tpu.memory_space<vmem_shared>>)
      %dma_wait3A_779 = arith.constant 6 : i32
      %dma_wait3A_780 = arith.constant 0 : i32
      %dma_wait3A_781 = tpu.memref_slice %arg13[%dma_wait3A_779, %dma_wait3A_780] : memref<8x40xi32, #tpu.memory_space<vmem>> -> memref<1x40xi32, #tpu.memory_space<vmem>>
      %dma_wait3A_782 = tpu.memref_squeeze %dma_wait3A_781 : memref<1x40xi32, #tpu.memory_space<vmem>> -> memref<40xi32, #tpu.memory_space<vmem>>
      %dma_wait3A_783 = arith.constant 0 : i32
      %dma_wait3A_784 = arith.constant 0 : i32
      %dma_wait3A_785 = tpu.memref_slice %arg25[%dma_wait3A_783, %dma_wait3A_784] : memref<10000x128xf32, #tpu.memory_space<vmem_shared>> -> memref<10000x128xf32, #tpu.memory_space<vmem_shared>>
      tpu.wait_indirect_dma semaphore(%arg33 : memref<!tpu.dma_semaphore, #tpu.memory_space<semaphore_mem>>) src(%arg20 : memref<40x128xf32, #tpu.memory_space<vmem>>) dst(%dma_wait3A_785 : memref<10000x128xf32, #tpu.memory_space<vmem_shared>>)
      %dma_wait3A_786 = arith.constant 7 : i32
      %dma_wait3A_787 = arith.constant 0 : i32
      %dma_wait3A_788 = tpu.memref_slice %arg13[%dma_wait3A_786, %dma_wait3A_787] : memref<8x40xi32, #tpu.memory_space<vmem>> -> memref<1x40xi32, #tpu.memory_space<vmem>>
      %dma_wait3A_789 = tpu.memref_squeeze %dma_wait3A_788 : memref<1x40xi32, #tpu.memory_space<vmem>> -> memref<40xi32, #tpu.memory_space<vmem>>
      %dma_wait3A_790 = arith.constant 0 : i32
      %dma_wait3A_791 = arith.constant 0 : i32
      %dma_wait3A_792 = tpu.memref_slice %arg25[%dma_wait3A_790, %dma_wait3A_791] : memref<10000x128xf32, #tpu.memory_space<vmem_shared>> -> memref<10000x128xf32, #tpu.memory_space<vmem_shared>>
      tpu.wait_indirect_dma semaphore(%arg34 : memref<!tpu.dma_semaphore, #tpu.memory_space<semaphore_mem>>) src(%arg21 : memref<40x128xf32, #tpu.memory_space<vmem>>) dst(%dma_wait3A_792 : memref<10000x128xf32, #tpu.memory_space<vmem_shared>>)
      %add3A_793 = arith.constant 2 : i32
      %add3A_794 = arith.addi %add3A_427, %add3A_793 : i32
      %min3A_795 = arith.constant 30 : i32
      %min3A_796 = arith.minsi %add3A_794, %min3A_795 : i32
      %mul3A_797 = arith.constant 8 : i32
      %mul3A_798 = arith.muli %mul3A_797, %min3A_796 : i32
      %multiple_of3A_799 = tpu.assume_multiple %mul3A_798, 8 : i32
      %mul3A_800 = arith.constant 10000 : i32
      %mul3A_801 = arith.muli %add3A, %mul3A_800 : i32
      %mul3A_802 = arith.constant 40 : i32
      %mul3A_803 = arith.muli %multiple_of3A_799, %mul3A_802 : i32
      %add3A_804 = arith.addi %mul3A_801, %mul3A_803 : i32
      %multiple_of3A_805 = tpu.assume_multiple %add3A_804, 8 : i32
      %dma_start3A_806 = arith.constant 0 : i32
      %dma_start3A_807 = tpu.memref_slice %arg3[%add3A, %multiple_of3A_799, %dma_start3A_806] : memref<32x250x40xi32, #tpu.memory_space<hbm>> -> memref<1x8x40xi32, #tpu.memory_space<hbm>>
      %dma_start3A_808 = tpu.memref_squeeze %dma_start3A_807 : memref<1x8x40xi32, #tpu.memory_space<hbm>> -> memref<8x40xi32, #tpu.memory_space<hbm>>
      %dma_start3A_809 = arith.constant 0 : i32
      %dma_start3A_810 = tpu.memref_slice %arg3[%add3A, %multiple_of3A_799, %dma_start3A_809] : memref<32x250x40xi32, #tpu.memory_space<hbm>> -> memref<1x8x40xi32, #tpu.memory_space<hbm>>
      %dma_start3A_811 = tpu.memref_squeeze %dma_start3A_810 : memref<1x8x40xi32, #tpu.memory_space<hbm>> -> memref<8x40xi32, #tpu.memory_space<hbm>>
      tpu.enqueue_dma source(%dma_start3A_811 : memref<8x40xi32, #tpu.memory_space<hbm>>) target(%arg12 : memref<8x40xi32, #tpu.memory_space<vmem>>) target_semaphore(%arg38 : memref<!tpu.dma_semaphore, #tpu.memory_space<semaphore_mem>>)
      %dma_start3A_812 = arith.constant 0 : i32
      %dma_start3A_813 = tpu.memref_slice %arg2[%add3A, %multiple_of3A_799, %dma_start3A_812] : memref<32x250x40xi32, #tpu.memory_space<hbm>> -> memref<1x8x40xi32, #tpu.memory_space<hbm>>
      %dma_start3A_814 = tpu.memref_squeeze %dma_start3A_813 : memref<1x8x40xi32, #tpu.memory_space<hbm>> -> memref<8x40xi32, #tpu.memory_space<hbm>>
      %dma_start3A_815 = arith.constant 0 : i32
      %dma_start3A_816 = tpu.memref_slice %arg2[%add3A, %multiple_of3A_799, %dma_start3A_815] : memref<32x250x40xi32, #tpu.memory_space<hbm>> -> memref<1x8x40xi32, #tpu.memory_space<hbm>>
      %dma_start3A_817 = tpu.memref_squeeze %dma_start3A_816 : memref<1x8x40xi32, #tpu.memory_space<hbm>> -> memref<8x40xi32, #tpu.memory_space<hbm>>
      tpu.enqueue_dma source(%dma_start3A_817 : memref<8x40xi32, #tpu.memory_space<hbm>>) target(%arg13 : memref<8x40xi32, #tpu.memory_space<vmem>>) target_semaphore(%arg39 : memref<!tpu.dma_semaphore, #tpu.memory_space<semaphore_mem>>)
      %dma_start3A_818 = tpu.memref_slice %arg4[%multiple_of3A_805] : memref<320000xi32, #tpu.memory_space<hbm>> -> memref<320xi32, #tpu.memory_space<hbm>>
      %dma_start3A_819 = tpu.memref_slice %arg4[%multiple_of3A_805] : memref<320000xi32, #tpu.memory_space<hbm>> -> memref<320xi32, #tpu.memory_space<hbm>>
      tpu.enqueue_dma source(%dma_start3A_819 : memref<320xi32, #tpu.memory_space<hbm>>) target(%arg17 : memref<320xi32, #tpu.memory_space<vmem>>) target_semaphore(%arg40 : memref<!tpu.dma_semaphore, #tpu.memory_space<semaphore_mem>>)
      %add3A_820 = arith.constant 1 : i32
      %add3A_821 = arith.addi %add3A_427, %add3A_820 : i32
      %dma_start3A_822 = arith.constant 0 : i32
      %dma_start3A_823 = arith.constant 0 : i32
      %dma_start3A_824 = tpu.memref_slice %arg10[%dma_start3A_822, %dma_start3A_823] : memref<8x40xi32, #tpu.memory_space<vmem>> -> memref<1x40xi32, #tpu.memory_space<vmem>>
      %dma_start3A_825 = tpu.memref_squeeze %dma_start3A_824 : memref<1x40xi32, #tpu.memory_space<vmem>> -> memref<40xi32, #tpu.memory_space<vmem>>
      %dma_start3A_826 = arith.constant 0 : i32
      %dma_start3A_827 = arith.constant 0 : i32
      %dma_start3A_828 = tpu.memref_slice %arg6[%dma_start3A_826, %dma_start3A_827] : memref<10000x128xf32, #tpu.memory_space<hbm>> -> memref<10000x128xf32, #tpu.memory_space<hbm>>
      tpu.enqueue_indirect_dma source(%dma_start3A_828 : memref<10000x128xf32, #tpu.memory_space<hbm>>) target(%arg18 : memref<40x128xf32, #tpu.memory_space<vmem>>) offsets(%dma_start3A_825 : memref<40xi32, #tpu.memory_space<vmem>>) semaphore(%arg27 : memref<!tpu.dma_semaphore, #tpu.memory_space<semaphore_mem>>)
      %dma_start3A_829 = arith.constant 1 : i32
      %dma_start3A_830 = arith.constant 0 : i32
      %dma_start3A_831 = tpu.memref_slice %arg10[%dma_start3A_829, %dma_start3A_830] : memref<8x40xi32, #tpu.memory_space<vmem>> -> memref<1x40xi32, #tpu.memory_space<vmem>>
      %dma_start3A_832 = tpu.memref_squeeze %dma_start3A_831 : memref<1x40xi32, #tpu.memory_space<vmem>> -> memref<40xi32, #tpu.memory_space<vmem>>
      %dma_start3A_833 = arith.constant 0 : i32
      %dma_start3A_834 = arith.constant 0 : i32
      %dma_start3A_835 = tpu.memref_slice %arg6[%dma_start3A_833, %dma_start3A_834] : memref<10000x128xf32, #tpu.memory_space<hbm>> -> memref<10000x128xf32, #tpu.memory_space<hbm>>
      tpu.enqueue_indirect_dma source(%dma_start3A_835 : memref<10000x128xf32, #tpu.memory_space<hbm>>) target(%arg19 : memref<40x128xf32, #tpu.memory_space<vmem>>) offsets(%dma_start3A_832 : memref<40xi32, #tpu.memory_space<vmem>>) semaphore(%arg28 : memref<!tpu.dma_semaphore, #tpu.memory_space<semaphore_mem>>)
      %dma_start3A_836 = arith.constant 2 : i32
      %dma_start3A_837 = arith.constant 0 : i32
      %dma_start3A_838 = tpu.memref_slice %arg10[%dma_start3A_836, %dma_start3A_837] : memref<8x40xi32, #tpu.memory_space<vmem>> -> memref<1x40xi32, #tpu.memory_space<vmem>>
      %dma_start3A_839 = tpu.memref_squeeze %dma_start3A_838 : memref<1x40xi32, #tpu.memory_space<vmem>> -> memref<40xi32, #tpu.memory_space<vmem>>
      %dma_start3A_840 = arith.constant 0 : i32
      %dma_start3A_841 = arith.constant 0 : i32
      %dma_start3A_842 = tpu.memref_slice %arg6[%dma_start3A_840, %dma_start3A_841] : memref<10000x128xf32, #tpu.memory_space<hbm>> -> memref<10000x128xf32, #tpu.memory_space<hbm>>
      tpu.enqueue_indirect_dma source(%dma_start3A_842 : memref<10000x128xf32, #tpu.memory_space<hbm>>) target(%arg20 : memref<40x128xf32, #tpu.memory_space<vmem>>) offsets(%dma_start3A_839 : memref<40xi32, #tpu.memory_space<vmem>>) semaphore(%arg29 : memref<!tpu.dma_semaphore, #tpu.memory_space<semaphore_mem>>)
      %dma_start3A_843 = arith.constant 3 : i32
      %dma_start3A_844 = arith.constant 0 : i32
      %dma_start3A_845 = tpu.memref_slice %arg10[%dma_start3A_843, %dma_start3A_844] : memref<8x40xi32, #tpu.memory_space<vmem>> -> memref<1x40xi32, #tpu.memory_space<vmem>>
      %dma_start3A_846 = tpu.memref_squeeze %dma_start3A_845 : memref<1x40xi32, #tpu.memory_space<vmem>> -> memref<40xi32, #tpu.memory_space<vmem>>
      %dma_start3A_847 = arith.constant 0 : i32
      %dma_start3A_848 = arith.constant 0 : i32
      %dma_start3A_849 = tpu.memref_slice %arg6[%dma_start3A_847, %dma_start3A_848] : memref<10000x128xf32, #tpu.memory_space<hbm>> -> memref<10000x128xf32, #tpu.memory_space<hbm>>
      tpu.enqueue_indirect_dma source(%dma_start3A_849 : memref<10000x128xf32, #tpu.memory_space<hbm>>) target(%arg21 : memref<40x128xf32, #tpu.memory_space<vmem>>) offsets(%dma_start3A_846 : memref<40xi32, #tpu.memory_space<vmem>>) semaphore(%arg30 : memref<!tpu.dma_semaphore, #tpu.memory_space<semaphore_mem>>)
      %get3A_850 = arith.constant 0 : index
      %get3A_851 = tpu.vector_load %arg16[%get3A_850] {strides = array<i32>} : memref<320xi32, #tpu.memory_space<vmem>>, vector<16xi32>,
      tpu.vector_store_idx %arg22[%get3A_851], %broadcast_in_dim3A_20 {add = true} : memref<10000xf32, #tpu.memory_space<vmem>>[vector<16xi32>], vector<16xf32>,
      %get3A_852 = arith.constant 16 : index
      %get3A_853 = tpu.vector_load %arg16[%get3A_852] {strides = array<i32>} : memref<320xi32, #tpu.memory_space<vmem>>, vector<16xi32>,
      tpu.vector_store_idx %arg22[%get3A_853], %broadcast_in_dim3A_20 {add = true} : memref<10000xf32, #tpu.memory_space<vmem>>[vector<16xi32>], vector<16xf32>,
      %get3A_854 = arith.constant 32 : index
      %get3A_855 = tpu.vector_load %arg16[%get3A_854] {strides = array<i32>} : memref<320xi32, #tpu.memory_space<vmem>>, vector<16xi32>,
      tpu.vector_store_idx %arg22[%get3A_855], %broadcast_in_dim3A_20 {add = true} : memref<10000xf32, #tpu.memory_space<vmem>>[vector<16xi32>], vector<16xf32>,
      %get3A_856 = arith.constant 48 : index
      %get3A_857 = tpu.vector_load %arg16[%get3A_856] {strides = array<i32>} : memref<320xi32, #tpu.memory_space<vmem>>, vector<16xi32>,
      tpu.vector_store_idx %arg22[%get3A_857], %broadcast_in_dim3A_20 {add = true} : memref<10000xf32, #tpu.memory_space<vmem>>[vector<16xi32>], vector<16xf32>,
      %get3A_858 = arith.constant 64 : index
      %get3A_859 = tpu.vector_load %arg16[%get3A_858] {strides = array<i32>} : memref<320xi32, #tpu.memory_space<vmem>>, vector<16xi32>,
      tpu.vector_store_idx %arg22[%get3A_859], %broadcast_in_dim3A_20 {add = true} : memref<10000xf32, #tpu.memory_space<vmem>>[vector<16xi32>], vector<16xf32>,
      %get3A_860 = arith.constant 80 : index
      %get3A_861 = tpu.vector_load %arg16[%get3A_860] {strides = array<i32>} : memref<320xi32, #tpu.memory_space<vmem>>, vector<16xi32>,
      tpu.vector_store_idx %arg22[%get3A_861], %broadcast_in_dim3A_20 {add = true} : memref<10000xf32, #tpu.memory_space<vmem>>[vector<16xi32>], vector<16xf32>,
      %get3A_862 = arith.constant 96 : index
      %get3A_863 = tpu.vector_load %arg16[%get3A_862] {strides = array<i32>} : memref<320xi32, #tpu.memory_space<vmem>>, vector<16xi32>,
      tpu.vector_store_idx %arg22[%get3A_863], %broadcast_in_dim3A_20 {add = true} : memref<10000xf32, #tpu.memory_space<vmem>>[vector<16xi32>], vector<16xf32>,
      %get3A_864 = arith.constant 112 : index
      %get3A_865 = tpu.vector_load %arg16[%get3A_864] {strides = array<i32>} : memref<320xi32, #tpu.memory_space<vmem>>, vector<16xi32>,
      tpu.vector_store_idx %arg22[%get3A_865], %broadcast_in_dim3A_20 {add = true} : memref<10000xf32, #tpu.memory_space<vmem>>[vector<16xi32>], vector<16xf32>,
      %get3A_866 = arith.constant 128 : index
      %get3A_867 = tpu.vector_load %arg16[%get3A_866] {strides = array<i32>} : memref<320xi32, #tpu.memory_space<vmem>>, vector<16xi32>,
      tpu.vector_store_idx %arg22[%get3A_867], %broadcast_in_dim3A_20 {add = true} : memref<10000xf32, #tpu.memory_space<vmem>>[vector<16xi32>], vector<16xf32>,
      %get3A_868 = arith.constant 144 : index
      %get3A_869 = tpu.vector_load %arg16[%get3A_868] {strides = array<i32>} : memref<320xi32, #tpu.memory_space<vmem>>, vector<16xi32>,
      tpu.vector_store_idx %arg22[%get3A_869], %broadcast_in_dim3A_20 {add = true} : memref<10000xf32, #tpu.memory_space<vmem>>[vector<16xi32>], vector<16xf32>,
      %get3A_870 = arith.constant 160 : index
      %get3A_871 = tpu.vector_load %arg16[%get3A_870] {strides = array<i32>} : memref<320xi32, #tpu.memory_space<vmem>>, vector<16xi32>,
      tpu.vector_store_idx %arg22[%get3A_871], %broadcast_in_dim3A_20 {add = true} : memref<10000xf32, #tpu.memory_space<vmem>>[vector<16xi32>], vector<16xf32>,
      %get3A_872 = arith.constant 176 : index
      %get3A_873 = tpu.vector_load %arg16[%get3A_872] {strides = array<i32>} : memref<320xi32, #tpu.memory_space<vmem>>, vector<16xi32>,
      tpu.vector_store_idx %arg22[%get3A_873], %broadcast_in_dim3A_20 {add = true} : memref<10000xf32, #tpu.memory_space<vmem>>[vector<16xi32>], vector<16xf32>,
      %get3A_874 = arith.constant 192 : index
      %get3A_875 = tpu.vector_load %arg16[%get3A_874] {strides = array<i32>} : memref<320xi32, #tpu.memory_space<vmem>>, vector<16xi32>,
      tpu.vector_store_idx %arg22[%get3A_875], %broadcast_in_dim3A_20 {add = true} : memref<10000xf32, #tpu.memory_space<vmem>>[vector<16xi32>], vector<16xf32>,
      %get3A_876 = arith.constant 208 : index
      %get3A_877 = tpu.vector_load %arg16[%get3A_876] {strides = array<i32>} : memref<320xi32, #tpu.memory_space<vmem>>, vector<16xi32>,
      tpu.vector_store_idx %arg22[%get3A_877], %broadcast_in_dim3A_20 {add = true} : memref<10000xf32, #tpu.memory_space<vmem>>[vector<16xi32>], vector<16xf32>,
      %get3A_878 = arith.constant 224 : index
      %get3A_879 = tpu.vector_load %arg16[%get3A_878] {strides = array<i32>} : memref<320xi32, #tpu.memory_space<vmem>>, vector<16xi32>,
      tpu.vector_store_idx %arg22[%get3A_879], %broadcast_in_dim3A_20 {add = true} : memref<10000xf32, #tpu.memory_space<vmem>>[vector<16xi32>], vector<16xf32>,
      %get3A_880 = arith.constant 240 : index
      %get3A_881 = tpu.vector_load %arg16[%get3A_880] {strides = array<i32>} : memref<320xi32, #tpu.memory_space<vmem>>, vector<16xi32>,
      tpu.vector_store_idx %arg22[%get3A_881], %broadcast_in_dim3A_20 {add = true} : memref<10000xf32, #tpu.memory_space<vmem>>[vector<16xi32>], vector<16xf32>,
      %get3A_882 = arith.constant 256 : index
      %get3A_883 = tpu.vector_load %arg16[%get3A_882] {strides = array<i32>} : memref<320xi32, #tpu.memory_space<vmem>>, vector<16xi32>,
      tpu.vector_store_idx %arg22[%get3A_883], %broadcast_in_dim3A_20 {add = true} : memref<10000xf32, #tpu.memory_space<vmem>>[vector<16xi32>], vector<16xf32>,
      %get3A_884 = arith.constant 272 : index
      %get3A_885 = tpu.vector_load %arg16[%get3A_884] {strides = array<i32>} : memref<320xi32, #tpu.memory_space<vmem>>, vector<16xi32>,
      tpu.vector_store_idx %arg22[%get3A_885], %broadcast_in_dim3A_20 {add = true} : memref<10000xf32, #tpu.memory_space<vmem>>[vector<16xi32>], vector<16xf32>,
      %get3A_886 = arith.constant 288 : index
      %get3A_887 = tpu.vector_load %arg16[%get3A_886] {strides = array<i32>} : memref<320xi32, #tpu.memory_space<vmem>>, vector<16xi32>,
      tpu.vector_store_idx %arg22[%get3A_887], %broadcast_in_dim3A_20 {add = true} : memref<10000xf32, #tpu.memory_space<vmem>>[vector<16xi32>], vector<16xf32>,
      %get3A_888 = arith.constant 304 : index
      %get3A_889 = tpu.vector_load %arg16[%get3A_888] {strides = array<i32>} : memref<320xi32, #tpu.memory_space<vmem>>, vector<16xi32>,
      tpu.vector_store_idx %arg22[%get3A_889], %broadcast_in_dim3A_20 {add = true} : memref<10000xf32, #tpu.memory_space<vmem>>[vector<16xi32>], vector<16xf32>,
      %dma_wait3A_890 = arith.constant 0 : i32
      %dma_wait3A_891 = arith.constant 0 : i32
      %dma_wait3A_892 = tpu.memref_slice %arg10[%dma_wait3A_890, %dma_wait3A_891] : memref<8x40xi32, #tpu.memory_space<vmem>> -> memref<1x40xi32, #tpu.memory_space<vmem>>
      %dma_wait3A_893 = tpu.memref_squeeze %dma_wait3A_892 : memref<1x40xi32, #tpu.memory_space<vmem>> -> memref<40xi32, #tpu.memory_space<vmem>>
      %dma_wait3A_894 = arith.constant 0 : i32
      %dma_wait3A_895 = arith.constant 0 : i32
      %dma_wait3A_896 = tpu.memref_slice %arg6[%dma_wait3A_894, %dma_wait3A_895] : memref<10000x128xf32, #tpu.memory_space<hbm>> -> memref<10000x128xf32, #tpu.memory_space<hbm>>
      tpu.wait_indirect_dma semaphore(%arg27 : memref<!tpu.dma_semaphore, #tpu.memory_space<semaphore_mem>>) src(%dma_wait3A_896 : memref<10000x128xf32, #tpu.memory_space<hbm>>) dst(%arg18 : memref<40x128xf32, #tpu.memory_space<vmem>>)
      %dma_start3A_897 = arith.constant 0 : i32
      %dma_start3A_898 = arith.constant 0 : i32
      %dma_start3A_899 = tpu.memref_slice %arg11[%dma_start3A_897, %dma_start3A_898] : memref<8x40xi32, #tpu.memory_space<vmem>> -> memref<1x40xi32, #tpu.memory_space<vmem>>
      %dma_start3A_900 = tpu.memref_squeeze %dma_start3A_899 : memref<1x40xi32, #tpu.memory_space<vmem>> -> memref<40xi32, #tpu.memory_space<vmem>>
      %dma_start3A_901 = arith.constant 0 : i32
      %dma_start3A_902 = arith.constant 0 : i32
      %dma_start3A_903 = tpu.memref_slice %arg25[%dma_start3A_901, %dma_start3A_902] : memref<10000x128xf32, #tpu.memory_space<vmem_shared>> -> memref<10000x128xf32, #tpu.memory_space<vmem_shared>>
      tpu.enqueue_indirect_dma source(%arg18 : memref<40x128xf32, #tpu.memory_space<vmem>>) target(%dma_start3A_903 : memref<10000x128xf32, #tpu.memory_space<vmem_shared>>) offsets(%dma_start3A_900 : memref<40xi32, #tpu.memory_space<vmem>>) semaphore(%arg31 : memref<!tpu.dma_semaphore, #tpu.memory_space<semaphore_mem>>) {add = true}
      %dma_wait3A_904 = arith.constant 1 : i32
      %dma_wait3A_905 = arith.constant 0 : i32
      %dma_wait3A_906 = tpu.memref_slice %arg10[%dma_wait3A_904, %dma_wait3A_905] : memref<8x40xi32, #tpu.memory_space<vmem>> -> memref<1x40xi32, #tpu.memory_space<vmem>>
      %dma_wait3A_907 = tpu.memref_squeeze %dma_wait3A_906 : memref<1x40xi32, #tpu.memory_space<vmem>> -> memref<40xi32, #tpu.memory_space<vmem>>
      %dma_wait3A_908 = arith.constant 0 : i32
      %dma_wait3A_909 = arith.constant 0 : i32
      %dma_wait3A_910 = tpu.memref_slice %arg6[%dma_wait3A_908, %dma_wait3A_909] : memref<10000x128xf32, #tpu.memory_space<hbm>> -> memref<10000x128xf32, #tpu.memory_space<hbm>>
      tpu.wait_indirect_dma semaphore(%arg28 : memref<!tpu.dma_semaphore, #tpu.memory_space<semaphore_mem>>) src(%dma_wait3A_910 : memref<10000x128xf32, #tpu.memory_space<hbm>>) dst(%arg19 : memref<40x128xf32, #tpu.memory_space<vmem>>)
      %dma_start3A_911 = arith.constant 1 : i32
      %dma_start3A_912 = arith.constant 0 : i32
      %dma_start3A_913 = tpu.memref_slice %arg11[%dma_start3A_911, %dma_start3A_912] : memref<8x40xi32, #tpu.memory_space<vmem>> -> memref<1x40xi32, #tpu.memory_space<vmem>>
      %dma_start3A_914 = tpu.memref_squeeze %dma_start3A_913 : memref<1x40xi32, #tpu.memory_space<vmem>> -> memref<40xi32, #tpu.memory_space<vmem>>
      %dma_start3A_915 = arith.constant 0 : i32
      %dma_start3A_916 = arith.constant 0 : i32
      %dma_start3A_917 = tpu.memref_slice %arg25[%dma_start3A_915, %dma_start3A_916] : memref<10000x128xf32, #tpu.memory_space<vmem_shared>> -> memref<10000x128xf32, #tpu.memory_space<vmem_shared>>
      tpu.enqueue_indirect_dma source(%arg19 : memref<40x128xf32, #tpu.memory_space<vmem>>) target(%dma_start3A_917 : memref<10000x128xf32, #tpu.memory_space<vmem_shared>>) offsets(%dma_start3A_914 : memref<40xi32, #tpu.memory_space<vmem>>) semaphore(%arg32 : memref<!tpu.dma_semaphore, #tpu.memory_space<semaphore_mem>>) {add = true}
      %dma_wait3A_918 = arith.constant 2 : i32
      %dma_wait3A_919 = arith.constant 0 : i32
      %dma_wait3A_920 = tpu.memref_slice %arg10[%dma_wait3A_918, %dma_wait3A_919] : memref<8x40xi32, #tpu.memory_space<vmem>> -> memref<1x40xi32, #tpu.memory_space<vmem>>
      %dma_wait3A_921 = tpu.memref_squeeze %dma_wait3A_920 : memref<1x40xi32, #tpu.memory_space<vmem>> -> memref<40xi32, #tpu.memory_space<vmem>>
      %dma_wait3A_922 = arith.constant 0 : i32
      %dma_wait3A_923 = arith.constant 0 : i32
      %dma_wait3A_924 = tpu.memref_slice %arg6[%dma_wait3A_922, %dma_wait3A_923] : memref<10000x128xf32, #tpu.memory_space<hbm>> -> memref<10000x128xf32, #tpu.memory_space<hbm>>
      tpu.wait_indirect_dma semaphore(%arg29 : memref<!tpu.dma_semaphore, #tpu.memory_space<semaphore_mem>>) src(%dma_wait3A_924 : memref<10000x128xf32, #tpu.memory_space<hbm>>) dst(%arg20 : memref<40x128xf32, #tpu.memory_space<vmem>>)
      %dma_start3A_925 = arith.constant 2 : i32
      %dma_start3A_926 = arith.constant 0 : i32
      %dma_start3A_927 = tpu.memref_slice %arg11[%dma_start3A_925, %dma_start3A_926] : memref<8x40xi32, #tpu.memory_space<vmem>> -> memref<1x40xi32, #tpu.memory_space<vmem>>
      %dma_start3A_928 = tpu.memref_squeeze %dma_start3A_927 : memref<1x40xi32, #tpu.memory_space<vmem>> -> memref<40xi32, #tpu.memory_space<vmem>>
      %dma_start3A_929 = arith.constant 0 : i32
      %dma_start3A_930 = arith.constant 0 : i32
      %dma_start3A_931 = tpu.memref_slice %arg25[%dma_start3A_929, %dma_start3A_930] : memref<10000x128xf32, #tpu.memory_space<vmem_shared>> -> memref<10000x128xf32, #tpu.memory_space<vmem_shared>>
      tpu.enqueue_indirect_dma source(%arg20 : memref<40x128xf32, #tpu.memory_space<vmem>>) target(%dma_start3A_931 : memref<10000x128xf32, #tpu.memory_space<vmem_shared>>) offsets(%dma_start3A_928 : memref<40xi32, #tpu.memory_space<vmem>>) semaphore(%arg33 : memref<!tpu.dma_semaphore, #tpu.memory_space<semaphore_mem>>) {add = true}
      %dma_wait3A_932 = arith.constant 3 : i32
      %dma_wait3A_933 = arith.constant 0 : i32
      %dma_wait3A_934 = tpu.memref_slice %arg10[%dma_wait3A_932, %dma_wait3A_933] : memref<8x40xi32, #tpu.memory_space<vmem>> -> memref<1x40xi32, #tpu.memory_space<vmem>>
      %dma_wait3A_935 = tpu.memref_squeeze %dma_wait3A_934 : memref<1x40xi32, #tpu.memory_space<vmem>> -> memref<40xi32, #tpu.memory_space<vmem>>
      %dma_wait3A_936 = arith.constant 0 : i32
      %dma_wait3A_937 = arith.constant 0 : i32
      %dma_wait3A_938 = tpu.memref_slice %arg6[%dma_wait3A_936, %dma_wait3A_937] : memref<10000x128xf32, #tpu.memory_space<hbm>> -> memref<10000x128xf32, #tpu.memory_space<hbm>>
      tpu.wait_indirect_dma semaphore(%arg30 : memref<!tpu.dma_semaphore, #tpu.memory_space<semaphore_mem>>) src(%dma_wait3A_938 : memref<10000x128xf32, #tpu.memory_space<hbm>>) dst(%arg21 : memref<40x128xf32, #tpu.memory_space<vmem>>)
      %dma_start3A_939 = arith.constant 3 : i32
      %dma_start3A_940 = arith.constant 0 : i32
      %dma_start3A_941 = tpu.memref_slice %arg11[%dma_start3A_939, %dma_start3A_940] : memref<8x40xi32, #tpu.memory_space<vmem>> -> memref<1x40xi32, #tpu.memory_space<vmem>>
      %dma_start3A_942 = tpu.memref_squeeze %dma_start3A_941 : memref<1x40xi32, #tpu.memory_space<vmem>> -> memref<40xi32, #tpu.memory_space<vmem>>
      %dma_start3A_943 = arith.constant 0 : i32
      %dma_start3A_944 = arith.constant 0 : i32
      %dma_start3A_945 = tpu.memref_slice %arg25[%dma_start3A_943, %dma_start3A_944] : memref<10000x128xf32, #tpu.memory_space<vmem_shared>> -> memref<10000x128xf32, #tpu.memory_space<vmem_shared>>
      tpu.enqueue_indirect_dma source(%arg21 : memref<40x128xf32, #tpu.memory_space<vmem>>) target(%dma_start3A_945 : memref<10000x128xf32, #tpu.memory_space<vmem_shared>>) offsets(%dma_start3A_942 : memref<40xi32, #tpu.memory_space<vmem>>) semaphore(%arg34 : memref<!tpu.dma_semaphore, #tpu.memory_space<semaphore_mem>>) {add = true}
      %dma_wait3A_946 = arith.constant 0 : i32
      %dma_wait3A_947 = arith.constant 0 : i32
      %dma_wait3A_948 = tpu.memref_slice %arg11[%dma_wait3A_946, %dma_wait3A_947] : memref<8x40xi32, #tpu.memory_space<vmem>> -> memref<1x40xi32, #tpu.memory_space<vmem>>
      %dma_wait3A_949 = tpu.memref_squeeze %dma_wait3A_948 : memref<1x40xi32, #tpu.memory_space<vmem>> -> memref<40xi32, #tpu.memory_space<vmem>>
      %dma_wait3A_950 = arith.constant 0 : i32
      %dma_wait3A_951 = arith.constant 0 : i32
      %dma_wait3A_952 = tpu.memref_slice %arg25[%dma_wait3A_950, %dma_wait3A_951] : memref<10000x128xf32, #tpu.memory_space<vmem_shared>> -> memref<10000x128xf32, #tpu.memory_space<vmem_shared>>
      tpu.wait_indirect_dma semaphore(%arg31 : memref<!tpu.dma_semaphore, #tpu.memory_space<semaphore_mem>>) src(%arg18 : memref<40x128xf32, #tpu.memory_space<vmem>>) dst(%dma_wait3A_952 : memref<10000x128xf32, #tpu.memory_space<vmem_shared>>)
      %dma_start3A_953 = arith.constant 4 : i32
      %dma_start3A_954 = arith.constant 0 : i32
      %dma_start3A_955 = tpu.memref_slice %arg10[%dma_start3A_953, %dma_start3A_954] : memref<8x40xi32, #tpu.memory_space<vmem>> -> memref<1x40xi32, #tpu.memory_space<vmem>>
      %dma_start3A_956 = tpu.memref_squeeze %dma_start3A_955 : memref<1x40xi32, #tpu.memory_space<vmem>> -> memref<40xi32, #tpu.memory_space<vmem>>
      %dma_start3A_957 = arith.constant 0 : i32
      %dma_start3A_958 = arith.constant 0 : i32
      %dma_start3A_959 = tpu.memref_slice %arg6[%dma_start3A_957, %dma_start3A_958] : memref<10000x128xf32, #tpu.memory_space<hbm>> -> memref<10000x128xf32, #tpu.memory_space<hbm>>
      tpu.enqueue_indirect_dma source(%dma_start3A_959 : memref<10000x128xf32, #tpu.memory_space<hbm>>) target(%arg18 : memref<40x128xf32, #tpu.memory_space<vmem>>) offsets(%dma_start3A_956 : memref<40xi32, #tpu.memory_space<vmem>>) semaphore(%arg27 : memref<!tpu.dma_semaphore, #tpu.memory_space<semaphore_mem>>)
      %dma_wait3A_960 = arith.constant 1 : i32
      %dma_wait3A_961 = arith.constant 0 : i32
      %dma_wait3A_962 = tpu.memref_slice %arg11[%dma_wait3A_960, %dma_wait3A_961] : memref<8x40xi32, #tpu.memory_space<vmem>> -> memref<1x40xi32, #tpu.memory_space<vmem>>
      %dma_wait3A_963 = tpu.memref_squeeze %dma_wait3A_962 : memref<1x40xi32, #tpu.memory_space<vmem>> -> memref<40xi32, #tpu.memory_space<vmem>>
      %dma_wait3A_964 = arith.constant 0 : i32
      %dma_wait3A_965 = arith.constant 0 : i32
      %dma_wait3A_966 = tpu.memref_slice %arg25[%dma_wait3A_964, %dma_wait3A_965] : memref<10000x128xf32, #tpu.memory_space<vmem_shared>> -> memref<10000x128xf32, #tpu.memory_space<vmem_shared>>
      tpu.wait_indirect_dma semaphore(%arg32 : memref<!tpu.dma_semaphore, #tpu.memory_space<semaphore_mem>>) src(%arg19 : memref<40x128xf32, #tpu.memory_space<vmem>>) dst(%dma_wait3A_966 : memref<10000x128xf32, #tpu.memory_space<vmem_shared>>)
      %dma_start3A_967 = arith.constant 5 : i32
      %dma_start3A_968 = arith.constant 0 : i32
      %dma_start3A_969 = tpu.memref_slice %arg10[%dma_start3A_967, %dma_start3A_968] : memref<8x40xi32, #tpu.memory_space<vmem>> -> memref<1x40xi32, #tpu.memory_space<vmem>>
      %dma_start3A_970 = tpu.memref_squeeze %dma_start3A_969 : memref<1x40xi32, #tpu.memory_space<vmem>> -> memref<40xi32, #tpu.memory_space<vmem>>
      %dma_start3A_971 = arith.constant 0 : i32
      %dma_start3A_972 = arith.constant 0 : i32
      %dma_start3A_973 = tpu.memref_slice %arg6[%dma_start3A_971, %dma_start3A_972] : memref<10000x128xf32, #tpu.memory_space<hbm>> -> memref<10000x128xf32, #tpu.memory_space<hbm>>
      tpu.enqueue_indirect_dma source(%dma_start3A_973 : memref<10000x128xf32, #tpu.memory_space<hbm>>) target(%arg19 : memref<40x128xf32, #tpu.memory_space<vmem>>) offsets(%dma_start3A_970 : memref<40xi32, #tpu.memory_space<vmem>>) semaphore(%arg28 : memref<!tpu.dma_semaphore, #tpu.memory_space<semaphore_mem>>)
      %dma_wait3A_974 = arith.constant 2 : i32
      %dma_wait3A_975 = arith.constant 0 : i32
      %dma_wait3A_976 = tpu.memref_slice %arg11[%dma_wait3A_974, %dma_wait3A_975] : memref<8x40xi32, #tpu.memory_space<vmem>> -> memref<1x40xi32, #tpu.memory_space<vmem>>
      %dma_wait3A_977 = tpu.memref_squeeze %dma_wait3A_976 : memref<1x40xi32, #tpu.memory_space<vmem>> -> memref<40xi32, #tpu.memory_space<vmem>>
      %dma_wait3A_978 = arith.constant 0 : i32
      %dma_wait3A_979 = arith.constant 0 : i32
      %dma_wait3A_980 = tpu.memref_slice %arg25[%dma_wait3A_978, %dma_wait3A_979] : memref<10000x128xf32, #tpu.memory_space<vmem_shared>> -> memref<10000x128xf32, #tpu.memory_space<vmem_shared>>
      tpu.wait_indirect_dma semaphore(%arg33 : memref<!tpu.dma_semaphore, #tpu.memory_space<semaphore_mem>>) src(%arg20 : memref<40x128xf32, #tpu.memory_space<vmem>>) dst(%dma_wait3A_980 : memref<10000x128xf32, #tpu.memory_space<vmem_shared>>)
      %dma_start3A_981 = arith.constant 6 : i32
      %dma_start3A_982 = arith.constant 0 : i32
      %dma_start3A_983 = tpu.memref_slice %arg10[%dma_start3A_981, %dma_start3A_982] : memref<8x40xi32, #tpu.memory_space<vmem>> -> memref<1x40xi32, #tpu.memory_space<vmem>>
      %dma_start3A_984 = tpu.memref_squeeze %dma_start3A_983 : memref<1x40xi32, #tpu.memory_space<vmem>> -> memref<40xi32, #tpu.memory_space<vmem>>
      %dma_start3A_985 = arith.constant 0 : i32
      %dma_start3A_986 = arith.constant 0 : i32
      %dma_start3A_987 = tpu.memref_slice %arg6[%dma_start3A_985, %dma_start3A_986] : memref<10000x128xf32, #tpu.memory_space<hbm>> -> memref<10000x128xf32, #tpu.memory_space<hbm>>
      tpu.enqueue_indirect_dma source(%dma_start3A_987 : memref<10000x128xf32, #tpu.memory_space<hbm>>) target(%arg20 : memref<40x128xf32, #tpu.memory_space<vmem>>) offsets(%dma_start3A_984 : memref<40xi32, #tpu.memory_space<vmem>>) semaphore(%arg29 : memref<!tpu.dma_semaphore, #tpu.memory_space<semaphore_mem>>)
      %dma_wait3A_988 = arith.constant 3 : i32
      %dma_wait3A_989 = arith.constant 0 : i32
      %dma_wait3A_990 = tpu.memref_slice %arg11[%dma_wait3A_988, %dma_wait3A_989] : memref<8x40xi32, #tpu.memory_space<vmem>> -> memref<1x40xi32, #tpu.memory_space<vmem>>
      %dma_wait3A_991 = tpu.memref_squeeze %dma_wait3A_990 : memref<1x40xi32, #tpu.memory_space<vmem>> -> memref<40xi32, #tpu.memory_space<vmem>>
      %dma_wait3A_992 = arith.constant 0 : i32
      %dma_wait3A_993 = arith.constant 0 : i32
      %dma_wait3A_994 = tpu.memref_slice %arg25[%dma_wait3A_992, %dma_wait3A_993] : memref<10000x128xf32, #tpu.memory_space<vmem_shared>> -> memref<10000x128xf32, #tpu.memory_space<vmem_shared>>
      tpu.wait_indirect_dma semaphore(%arg34 : memref<!tpu.dma_semaphore, #tpu.memory_space<semaphore_mem>>) src(%arg21 : memref<40x128xf32, #tpu.memory_space<vmem>>) dst(%dma_wait3A_994 : memref<10000x128xf32, #tpu.memory_space<vmem_shared>>)
      %dma_start3A_995 = arith.constant 7 : i32
      %dma_start3A_996 = arith.constant 0 : i32
      %dma_start3A_997 = tpu.memref_slice %arg10[%dma_start3A_995, %dma_start3A_996] : memref<8x40xi32, #tpu.memory_space<vmem>> -> memref<1x40xi32, #tpu.memory_space<vmem>>
      %dma_start3A_998 = tpu.memref_squeeze %dma_start3A_997 : memref<1x40xi32, #tpu.memory_space<vmem>> -> memref<40xi32, #tpu.memory_space<vmem>>
      %dma_start3A_999 = arith.constant 0 : i32
      %dma_start3A_1000 = arith.constant 0 : i32
      %dma_start3A_1001 = tpu.memref_slice %arg6[%dma_start3A_999, %dma_start3A_1000] : memref<10000x128xf32, #tpu.memory_space<hbm>> -> memref<10000x128xf32, #tpu.memory_space<hbm>>
      tpu.enqueue_indirect_dma source(%dma_start3A_1001 : memref<10000x128xf32, #tpu.memory_space<hbm>>) target(%arg21 : memref<40x128xf32, #tpu.memory_space<vmem>>) offsets(%dma_start3A_998 : memref<40xi32, #tpu.memory_space<vmem>>) semaphore(%arg30 : memref<!tpu.dma_semaphore, #tpu.memory_space<semaphore_mem>>)
      %dma_wait3A_1002 = arith.constant 4 : i32
      %dma_wait3A_1003 = arith.constant 0 : i32
      %dma_wait3A_1004 = tpu.memref_slice %arg10[%dma_wait3A_1002, %dma_wait3A_1003] : memref<8x40xi32, #tpu.memory_space<vmem>> -> memref<1x40xi32, #tpu.memory_space<vmem>>
      %dma_wait3A_1005 = tpu.memref_squeeze %dma_wait3A_1004 : memref<1x40xi32, #tpu.memory_space<vmem>> -> memref<40xi32, #tpu.memory_space<vmem>>
      %dma_wait3A_1006 = arith.constant 0 : i32
      %dma_wait3A_1007 = arith.constant 0 : i32
      %dma_wait3A_1008 = tpu.memref_slice %arg6[%dma_wait3A_1006, %dma_wait3A_1007] : memref<10000x128xf32, #tpu.memory_space<hbm>> -> memref<10000x128xf32, #tpu.memory_space<hbm>>
      tpu.wait_indirect_dma semaphore(%arg27 : memref<!tpu.dma_semaphore, #tpu.memory_space<semaphore_mem>>) src(%dma_wait3A_1008 : memref<10000x128xf32, #tpu.memory_space<hbm>>) dst(%arg18 : memref<40x128xf32, #tpu.memory_space<vmem>>)
      %dma_start3A_1009 = arith.constant 4 : i32
      %dma_start3A_1010 = arith.constant 0 : i32
      %dma_start3A_1011 = tpu.memref_slice %arg11[%dma_start3A_1009, %dma_start3A_1010] : memref<8x40xi32, #tpu.memory_space<vmem>> -> memref<1x40xi32, #tpu.memory_space<vmem>>
      %dma_start3A_1012 = tpu.memref_squeeze %dma_start3A_1011 : memref<1x40xi32, #tpu.memory_space<vmem>> -> memref<40xi32, #tpu.memory_space<vmem>>
      %dma_start3A_1013 = arith.constant 0 : i32
      %dma_start3A_1014 = arith.constant 0 : i32
      %dma_start3A_1015 = tpu.memref_slice %arg25[%dma_start3A_1013, %dma_start3A_1014] : memref<10000x128xf32, #tpu.memory_space<vmem_shared>> -> memref<10000x128xf32, #tpu.memory_space<vmem_shared>>
      tpu.enqueue_indirect_dma source(%arg18 : memref<40x128xf32, #tpu.memory_space<vmem>>) target(%dma_start3A_1015 : memref<10000x128xf32, #tpu.memory_space<vmem_shared>>) offsets(%dma_start3A_1012 : memref<40xi32, #tpu.memory_space<vmem>>) semaphore(%arg31 : memref<!tpu.dma_semaphore, #tpu.memory_space<semaphore_mem>>) {add = true}
      %dma_wait3A_1016 = arith.constant 5 : i32
      %dma_wait3A_1017 = arith.constant 0 : i32
      %dma_wait3A_1018 = tpu.memref_slice %arg10[%dma_wait3A_1016, %dma_wait3A_1017] : memref<8x40xi32, #tpu.memory_space<vmem>> -> memref<1x40xi32, #tpu.memory_space<vmem>>
      %dma_wait3A_1019 = tpu.memref_squeeze %dma_wait3A_1018 : memref<1x40xi32, #tpu.memory_space<vmem>> -> memref<40xi32, #tpu.memory_space<vmem>>
      %dma_wait3A_1020 = arith.constant 0 : i32
      %dma_wait3A_1021 = arith.constant 0 : i32
      %dma_wait3A_1022 = tpu.memref_slice %arg6[%dma_wait3A_1020, %dma_wait3A_1021] : memref<10000x128xf32, #tpu.memory_space<hbm>> -> memref<10000x128xf32, #tpu.memory_space<hbm>>
      tpu.wait_indirect_dma semaphore(%arg28 : memref<!tpu.dma_semaphore, #tpu.memory_space<semaphore_mem>>) src(%dma_wait3A_1022 : memref<10000x128xf32, #tpu.memory_space<hbm>>) dst(%arg19 : memref<40x128xf32, #tpu.memory_space<vmem>>)
      %dma_start3A_1023 = arith.constant 5 : i32
      %dma_start3A_1024 = arith.constant 0 : i32
      %dma_start3A_1025 = tpu.memref_slice %arg11[%dma_start3A_1023, %dma_start3A_1024] : memref<8x40xi32, #tpu.memory_space<vmem>> -> memref<1x40xi32, #tpu.memory_space<vmem>>
      %dma_start3A_1026 = tpu.memref_squeeze %dma_start3A_1025 : memref<1x40xi32, #tpu.memory_space<vmem>> -> memref<40xi32, #tpu.memory_space<vmem>>
      %dma_start3A_1027 = arith.constant 0 : i32
      %dma_start3A_1028 = arith.constant 0 : i32
      %dma_start3A_1029 = tpu.memref_slice %arg25[%dma_start3A_1027, %dma_start3A_1028] : memref<10000x128xf32, #tpu.memory_space<vmem_shared>> -> memref<10000x128xf32, #tpu.memory_space<vmem_shared>>
      tpu.enqueue_indirect_dma source(%arg19 : memref<40x128xf32, #tpu.memory_space<vmem>>) target(%dma_start3A_1029 : memref<10000x128xf32, #tpu.memory_space<vmem_shared>>) offsets(%dma_start3A_1026 : memref<40xi32, #tpu.memory_space<vmem>>) semaphore(%arg32 : memref<!tpu.dma_semaphore, #tpu.memory_space<semaphore_mem>>) {add = true}
      %dma_wait3A_1030 = arith.constant 6 : i32
      %dma_wait3A_1031 = arith.constant 0 : i32
      %dma_wait3A_1032 = tpu.memref_slice %arg10[%dma_wait3A_1030, %dma_wait3A_1031] : memref<8x40xi32, #tpu.memory_space<vmem>> -> memref<1x40xi32, #tpu.memory_space<vmem>>
      %dma_wait3A_1033 = tpu.memref_squeeze %dma_wait3A_1032 : memref<1x40xi32, #tpu.memory_space<vmem>> -> memref<40xi32, #tpu.memory_space<vmem>>
      %dma_wait3A_1034 = arith.constant 0 : i32
      %dma_wait3A_1035 = arith.constant 0 : i32
      %dma_wait3A_1036 = tpu.memref_slice %arg6[%dma_wait3A_1034, %dma_wait3A_1035] : memref<10000x128xf32, #tpu.memory_space<hbm>> -> memref<10000x128xf32, #tpu.memory_space<hbm>>
      tpu.wait_indirect_dma semaphore(%arg29 : memref<!tpu.dma_semaphore, #tpu.memory_space<semaphore_mem>>) src(%dma_wait3A_1036 : memref<10000x128xf32, #tpu.memory_space<hbm>>) dst(%arg20 : memref<40x128xf32, #tpu.memory_space<vmem>>)
      %dma_start3A_1037 = arith.constant 6 : i32
      %dma_start3A_1038 = arith.constant 0 : i32
      %dma_start3A_1039 = tpu.memref_slice %arg11[%dma_start3A_1037, %dma_start3A_1038] : memref<8x40xi32, #tpu.memory_space<vmem>> -> memref<1x40xi32, #tpu.memory_space<vmem>>
      %dma_start3A_1040 = tpu.memref_squeeze %dma_start3A_1039 : memref<1x40xi32, #tpu.memory_space<vmem>> -> memref<40xi32, #tpu.memory_space<vmem>>
      %dma_start3A_1041 = arith.constant 0 : i32
      %dma_start3A_1042 = arith.constant 0 : i32
      %dma_start3A_1043 = tpu.memref_slice %arg25[%dma_start3A_1041, %dma_start3A_1042] : memref<10000x128xf32, #tpu.memory_space<vmem_shared>> -> memref<10000x128xf32, #tpu.memory_space<vmem_shared>>
      tpu.enqueue_indirect_dma source(%arg20 : memref<40x128xf32, #tpu.memory_space<vmem>>) target(%dma_start3A_1043 : memref<10000x128xf32, #tpu.memory_space<vmem_shared>>) offsets(%dma_start3A_1040 : memref<40xi32, #tpu.memory_space<vmem>>) semaphore(%arg33 : memref<!tpu.dma_semaphore, #tpu.memory_space<semaphore_mem>>) {add = true}
      %dma_wait3A_1044 = arith.constant 7 : i32
      %dma_wait3A_1045 = arith.constant 0 : i32
      %dma_wait3A_1046 = tpu.memref_slice %arg10[%dma_wait3A_1044, %dma_wait3A_1045] : memref<8x40xi32, #tpu.memory_space<vmem>> -> memref<1x40xi32, #tpu.memory_space<vmem>>
      %dma_wait3A_1047 = tpu.memref_squeeze %dma_wait3A_1046 : memref<1x40xi32, #tpu.memory_space<vmem>> -> memref<40xi32, #tpu.memory_space<vmem>>
      %dma_wait3A_1048 = arith.constant 0 : i32
      %dma_wait3A_1049 = arith.constant 0 : i32
      %dma_wait3A_1050 = tpu.memref_slice %arg6[%dma_wait3A_1048, %dma_wait3A_1049] : memref<10000x128xf32, #tpu.memory_space<hbm>> -> memref<10000x128xf32, #tpu.memory_space<hbm>>
      tpu.wait_indirect_dma semaphore(%arg30 : memref<!tpu.dma_semaphore, #tpu.memory_space<semaphore_mem>>) src(%dma_wait3A_1050 : memref<10000x128xf32, #tpu.memory_space<hbm>>) dst(%arg21 : memref<40x128xf32, #tpu.memory_space<vmem>>)
      %dma_start3A_1051 = arith.constant 7 : i32
      %dma_start3A_1052 = arith.constant 0 : i32
      %dma_start3A_1053 = tpu.memref_slice %arg11[%dma_start3A_1051, %dma_start3A_1052] : memref<8x40xi32, #tpu.memory_space<vmem>> -> memref<1x40xi32, #tpu.memory_space<vmem>>
      %dma_start3A_1054 = tpu.memref_squeeze %dma_start3A_1053 : memref<1x40xi32, #tpu.memory_space<vmem>> -> memref<40xi32, #tpu.memory_space<vmem>>
      %dma_start3A_1055 = arith.constant 0 : i32
      %dma_start3A_1056 = arith.constant 0 : i32
      %dma_start3A_1057 = tpu.memref_slice %arg25[%dma_start3A_1055, %dma_start3A_1056] : memref<10000x128xf32, #tpu.memory_space<vmem_shared>> -> memref<10000x128xf32, #tpu.memory_space<vmem_shared>>
      tpu.enqueue_indirect_dma source(%arg21 : memref<40x128xf32, #tpu.memory_space<vmem>>) target(%dma_start3A_1057 : memref<10000x128xf32, #tpu.memory_space<vmem_shared>>) offsets(%dma_start3A_1054 : memref<40xi32, #tpu.memory_space<vmem>>) semaphore(%arg34 : memref<!tpu.dma_semaphore, #tpu.memory_space<semaphore_mem>>) {add = true}
    }
    %scan3A_321 = arith.constant 15 : i32
    %dma_wait3A_322 = arith.constant 4 : i32
    %dma_wait3A_323 = arith.constant 0 : i32
    %dma_wait3A_324 = tpu.memref_slice %arg11[%dma_wait3A_322, %dma_wait3A_323] : memref<8x40xi32, #tpu.memory_space<vmem>> -> memref<1x40xi32, #tpu.memory_space<vmem>>
    %dma_wait3A_325 = tpu.memref_squeeze %dma_wait3A_324 : memref<1x40xi32, #tpu.memory_space<vmem>> -> memref<40xi32, #tpu.memory_space<vmem>>
    %dma_wait3A_326 = arith.constant 0 : i32
    %dma_wait3A_327 = arith.constant 0 : i32
    %dma_wait3A_328 = tpu.memref_slice %arg25[%dma_wait3A_326, %dma_wait3A_327] : memref<10000x128xf32, #tpu.memory_space<vmem_shared>> -> memref<10000x128xf32, #tpu.memory_space<vmem_shared>>
    tpu.wait_indirect_dma semaphore(%arg31 : memref<!tpu.dma_semaphore, #tpu.memory_space<semaphore_mem>>) src(%arg18 : memref<40x128xf32, #tpu.memory_space<vmem>>) dst(%dma_wait3A_328 : memref<10000x128xf32, #tpu.memory_space<vmem_shared>>)
    %dma_wait3A_329 = arith.constant 5 : i32
    %dma_wait3A_330 = arith.constant 0 : i32
    %dma_wait3A_331 = tpu.memref_slice %arg11[%dma_wait3A_329, %dma_wait3A_330] : memref<8x40xi32, #tpu.memory_space<vmem>> -> memref<1x40xi32, #tpu.memory_space<vmem>>
    %dma_wait3A_332 = tpu.memref_squeeze %dma_wait3A_331 : memref<1x40xi32, #tpu.memory_space<vmem>> -> memref<40xi32, #tpu.memory_space<vmem>>
    %dma_wait3A_333 = arith.constant 0 : i32
    %dma_wait3A_334 = arith.constant 0 : i32
    %dma_wait3A_335 = tpu.memref_slice %arg25[%dma_wait3A_333, %dma_wait3A_334] : memref<10000x128xf32, #tpu.memory_space<vmem_shared>> -> memref<10000x128xf32, #tpu.memory_space<vmem_shared>>
    tpu.wait_indirect_dma semaphore(%arg32 : memref<!tpu.dma_semaphore, #tpu.memory_space<semaphore_mem>>) src(%arg19 : memref<40x128xf32, #tpu.memory_space<vmem>>) dst(%dma_wait3A_335 : memref<10000x128xf32, #tpu.memory_space<vmem_shared>>)
    %dma_wait3A_336 = arith.constant 6 : i32
    %dma_wait3A_337 = arith.constant 0 : i32
    %dma_wait3A_338 = tpu.memref_slice %arg11[%dma_wait3A_336, %dma_wait3A_337] : memref<8x40xi32, #tpu.memory_space<vmem>> -> memref<1x40xi32, #tpu.memory_space<vmem>>
    %dma_wait3A_339 = tpu.memref_squeeze %dma_wait3A_338 : memref<1x40xi32, #tpu.memory_space<vmem>> -> memref<40xi32, #tpu.memory_space<vmem>>
    %dma_wait3A_340 = arith.constant 0 : i32
    %dma_wait3A_341 = arith.constant 0 : i32
    %dma_wait3A_342 = tpu.memref_slice %arg25[%dma_wait3A_340, %dma_wait3A_341] : memref<10000x128xf32, #tpu.memory_space<vmem_shared>> -> memref<10000x128xf32, #tpu.memory_space<vmem_shared>>
    tpu.wait_indirect_dma semaphore(%arg33 : memref<!tpu.dma_semaphore, #tpu.memory_space<semaphore_mem>>) src(%arg20 : memref<40x128xf32, #tpu.memory_space<vmem>>) dst(%dma_wait3A_342 : memref<10000x128xf32, #tpu.memory_space<vmem_shared>>)
    %dma_wait3A_343 = arith.constant 7 : i32
    %dma_wait3A_344 = arith.constant 0 : i32
    %dma_wait3A_345 = tpu.memref_slice %arg11[%dma_wait3A_343, %dma_wait3A_344] : memref<8x40xi32, #tpu.memory_space<vmem>> -> memref<1x40xi32, #tpu.memory_space<vmem>>
    %dma_wait3A_346 = tpu.memref_squeeze %dma_wait3A_345 : memref<1x40xi32, #tpu.memory_space<vmem>> -> memref<40xi32, #tpu.memory_space<vmem>>
    %dma_wait3A_347 = arith.constant 0 : i32
    %dma_wait3A_348 = arith.constant 0 : i32
    %dma_wait3A_349 = tpu.memref_slice %arg25[%dma_wait3A_347, %dma_wait3A_348] : memref<10000x128xf32, #tpu.memory_space<vmem_shared>> -> memref<10000x128xf32, #tpu.memory_space<vmem_shared>>
    tpu.wait_indirect_dma semaphore(%arg34 : memref<!tpu.dma_semaphore, #tpu.memory_space<semaphore_mem>>) src(%arg21 : memref<40x128xf32, #tpu.memory_space<vmem>>) dst(%dma_wait3A_349 : memref<10000x128xf32, #tpu.memory_space<vmem_shared>>)
    %multiple_of3A_350 = arith.constant 240 : i32
    %multiple_of3A_351 = tpu.assume_multiple %multiple_of3A_350, 8 : i32
    %mul3A_352 = arith.constant 10000 : i32
    %mul3A_353 = arith.muli %add3A, %mul3A_352 : i32
    %mul3A_354 = arith.constant 40 : i32
    %mul3A_355 = arith.muli %multiple_of3A_351, %mul3A_354 : i32
    %add3A_356 = arith.addi %mul3A_353, %mul3A_355 : i32
    %multiple_of3A_357 = tpu.assume_multiple %add3A_356, 8 : i32
    %dma_wait3A_358 = arith.constant 0 : i32
    %dma_wait3A_359 = tpu.memref_slice %arg3[%add3A, %multiple_of3A_351, %dma_wait3A_358] : memref<32x250x40xi32, #tpu.memory_space<hbm>> -> memref<1x8x40xi32, #tpu.memory_space<hbm>>
    %dma_wait3A_360 = tpu.memref_squeeze %dma_wait3A_359 : memref<1x8x40xi32, #tpu.memory_space<hbm>> -> memref<8x40xi32, #tpu.memory_space<hbm>>
    %dma_wait3A_361 = arith.constant 0 : i32
    %dma_wait3A_362 = tpu.memref_slice %arg3[%add3A, %multiple_of3A_351, %dma_wait3A_361] : memref<32x250x40xi32, #tpu.memory_space<hbm>> -> memref<1x8x40xi32, #tpu.memory_space<hbm>>
    %dma_wait3A_363 = tpu.memref_squeeze %dma_wait3A_362 : memref<1x8x40xi32, #tpu.memory_space<hbm>> -> memref<8x40xi32, #tpu.memory_space<hbm>>
    tpu.wait_dma2 semaphore(%arg38 : memref<!tpu.dma_semaphore, #tpu.memory_space<semaphore_mem>>) src(%dma_wait3A_363 : memref<8x40xi32, #tpu.memory_space<hbm>>) dst(%arg12 : memref<8x40xi32, #tpu.memory_space<vmem>>)
    %dma_wait3A_364 = arith.constant 0 : i32
    %dma_wait3A_365 = tpu.memref_slice %arg2[%add3A, %multiple_of3A_351, %dma_wait3A_364] : memref<32x250x40xi32, #tpu.memory_space<hbm>> -> memref<1x8x40xi32, #tpu.memory_space<hbm>>
    %dma_wait3A_366 = tpu.memref_squeeze %dma_wait3A_365 : memref<1x8x40xi32, #tpu.memory_space<hbm>> -> memref<8x40xi32, #tpu.memory_space<hbm>>
    %dma_wait3A_367 = arith.constant 0 : i32
    %dma_wait3A_368 = tpu.memref_slice %arg2[%add3A, %multiple_of3A_351, %dma_wait3A_367] : memref<32x250x40xi32, #tpu.memory_space<hbm>> -> memref<1x8x40xi32, #tpu.memory_space<hbm>>
    %dma_wait3A_369 = tpu.memref_squeeze %dma_wait3A_368 : memref<1x8x40xi32, #tpu.memory_space<hbm>> -> memref<8x40xi32, #tpu.memory_space<hbm>>
    tpu.wait_dma2 semaphore(%arg39 : memref<!tpu.dma_semaphore, #tpu.memory_space<semaphore_mem>>) src(%dma_wait3A_369 : memref<8x40xi32, #tpu.memory_space<hbm>>) dst(%arg13 : memref<8x40xi32, #tpu.memory_space<vmem>>)
    %dma_wait3A_370 = tpu.memref_slice %arg4[%multiple_of3A_357] : memref<320000xi32, #tpu.memory_space<hbm>> -> memref<320xi32, #tpu.memory_space<hbm>>
    %dma_wait3A_371 = tpu.memref_slice %arg4[%multiple_of3A_357] : memref<320000xi32, #tpu.memory_space<hbm>> -> memref<320xi32, #tpu.memory_space<hbm>>
    tpu.wait_dma2 semaphore(%arg40 : memref<!tpu.dma_semaphore, #tpu.memory_space<semaphore_mem>>) src(%dma_wait3A_371 : memref<320xi32, #tpu.memory_space<hbm>>) dst(%arg17 : memref<320xi32, #tpu.memory_space<vmem>>)
    %mul3A_372 = arith.constant 10000 : i32
    %mul3A_373 = arith.muli %add3A, %mul3A_372 : i32
    %add3A_374 = arith.constant 9920 : i32
    %add3A_375 = arith.addi %mul3A_373, %add3A_374 : i32
    %multiple_of3A_376 = tpu.assume_multiple %add3A_375, 8 : i32
    "tpu.region"() ({
      %run_scoped3A = tpu.sem_alloc : memref<!tpu.dma_semaphore, #tpu.memory_space<semaphore_mem>>
      %dma_start3A_423 = tpu.memref_slice %arg5[%multiple_of3A_376] : memref<320000xi32, #tpu.memory_space<hbm>> -> memref<40xi32, #tpu.memory_space<hbm>>
      %dma_start3A_424 = tpu.memref_slice %arg5[%multiple_of3A_376] : memref<320000xi32, #tpu.memory_space<hbm>> -> memref<40xi32, #tpu.memory_space<hbm>>
      tpu.enqueue_dma source(%dma_start3A_424 : memref<40xi32, #tpu.memory_space<hbm>>) target(%arg14 : memref<40xi32, #tpu.memory_space<vmem>>) target_semaphore(%run_scoped3A : memref<!tpu.dma_semaphore, #tpu.memory_space<semaphore_mem>>)
      %dma_wait3A_425 = tpu.memref_slice %arg5[%multiple_of3A_376] : memref<320000xi32, #tpu.memory_space<hbm>> -> memref<40xi32, #tpu.memory_space<hbm>>
      %dma_wait3A_426 = tpu.memref_slice %arg5[%multiple_of3A_376] : memref<320000xi32, #tpu.memory_space<hbm>> -> memref<40xi32, #tpu.memory_space<hbm>>
      tpu.wait_dma2 semaphore(%run_scoped3A : memref<!tpu.dma_semaphore, #tpu.memory_space<semaphore_mem>>) src(%dma_wait3A_426 : memref<40xi32, #tpu.memory_space<hbm>>) dst(%arg14 : memref<40xi32, #tpu.memory_space<vmem>>)
      tpu.yield
    }) : () -> ()
    "tpu.region"() ({
      %run_scoped3A = tpu.sem_alloc : memref<!tpu.dma_semaphore, #tpu.memory_space<semaphore_mem>>
      %dma_start3A_423 = tpu.memref_slice %arg4[%multiple_of3A_376] : memref<320000xi32, #tpu.memory_space<hbm>> -> memref<40xi32, #tpu.memory_space<hbm>>
      %dma_start3A_424 = tpu.memref_slice %arg4[%multiple_of3A_376] : memref<320000xi32, #tpu.memory_space<hbm>> -> memref<40xi32, #tpu.memory_space<hbm>>
      tpu.enqueue_dma source(%dma_start3A_424 : memref<40xi32, #tpu.memory_space<hbm>>) target(%arg15 : memref<40xi32, #tpu.memory_space<vmem>>) target_semaphore(%run_scoped3A : memref<!tpu.dma_semaphore, #tpu.memory_space<semaphore_mem>>)
      %dma_wait3A_425 = tpu.memref_slice %arg4[%multiple_of3A_376] : memref<320000xi32, #tpu.memory_space<hbm>> -> memref<40xi32, #tpu.memory_space<hbm>>
      %dma_wait3A_426 = tpu.memref_slice %arg4[%multiple_of3A_376] : memref<320000xi32, #tpu.memory_space<hbm>> -> memref<40xi32, #tpu.memory_space<hbm>>
      tpu.wait_dma2 semaphore(%run_scoped3A : memref<!tpu.dma_semaphore, #tpu.memory_space<semaphore_mem>>) src(%dma_wait3A_426 : memref<40xi32, #tpu.memory_space<hbm>>) dst(%arg15 : memref<40xi32, #tpu.memory_space<vmem>>)
      tpu.yield
    }) : () -> ()
    %dma_start3A_377 = arith.constant 0 : i32
    %dma_start3A_378 = arith.constant 0 : i32
    %dma_start3A_379 = tpu.memref_slice %arg6[%dma_start3A_377, %dma_start3A_378] : memref<10000x128xf32, #tpu.memory_space<hbm>> -> memref<10000x128xf32, #tpu.memory_space<hbm>>
    tpu.enqueue_indirect_dma source(%dma_start3A_379 : memref<10000x128xf32, #tpu.memory_space<hbm>>) target(%arg18 : memref<40x128xf32, #tpu.memory_space<vmem>>) offsets(%arg14 : memref<40xi32, #tpu.memory_space<vmem>>) semaphore(%arg27 : memref<!tpu.dma_semaphore, #tpu.memory_space<semaphore_mem>>)
    %dma_wait3A_380 = arith.constant 0 : i32
    %dma_wait3A_381 = arith.constant 0 : i32
    %dma_wait3A_382 = tpu.memref_slice %arg6[%dma_wait3A_380, %dma_wait3A_381] : memref<10000x128xf32, #tpu.memory_space<hbm>> -> memref<10000x128xf32, #tpu.memory_space<hbm>>
    tpu.wait_indirect_dma semaphore(%arg27 : memref<!tpu.dma_semaphore, #tpu.memory_space<semaphore_mem>>) src(%dma_wait3A_382 : memref<10000x128xf32, #tpu.memory_space<hbm>>) dst(%arg18 : memref<40x128xf32, #tpu.memory_space<vmem>>)
    %get3A_383 = arith.constant 0 : index
    %get3A_384 = tpu.vector_load %arg15[%get3A_383] {strides = array<i32>} : memref<40xi32, #tpu.memory_space<vmem>>, vector<16xi32>,
    tpu.vector_store_idx %arg22[%get3A_384], %broadcast_in_dim3A_20 {add = true} : memref<10000xf32, #tpu.memory_space<vmem>>[vector<16xi32>], vector<16xf32>,
    %get3A_385 = arith.constant 16 : index
    %get3A_386 = tpu.vector_load %arg15[%get3A_385] {strides = array<i32>} : memref<40xi32, #tpu.memory_space<vmem>>, vector<16xi32>,
    tpu.vector_store_idx %arg22[%get3A_386], %broadcast_in_dim3A_20 {add = true} : memref<10000xf32, #tpu.memory_space<vmem>>[vector<16xi32>], vector<16xf32>,
    %get3A_387 = arith.constant 24 : index
    %get3A_388 = tpu.vector_load %arg15[%get3A_387] {strides = array<i32>} : memref<40xi32, #tpu.memory_space<vmem>>, vector<16xi32>,
    tpu.vector_store_idx %arg22[%get3A_388], %broadcast_in_dim3A_20 masked %ge3A_37 {add = true} : memref<10000xf32, #tpu.memory_space<vmem>>[vector<16xi32>], vector<16xf32>, vector<16xi1>
    "tpu.region"() ({
      %run_scoped3A = tpu.sem_alloc : memref<!tpu.dma_semaphore, #tpu.memory_space<semaphore_mem>>
      %dma_start3A_423 = arith.constant 0 : i32
      %dma_start3A_424 = arith.constant 0 : i32
      %dma_start3A_425 = tpu.memref_slice %arg25[%dma_start3A_423, %dma_start3A_424] : memref<10000x128xf32, #tpu.memory_space<vmem_shared>> -> memref<10000x128xf32, #tpu.memory_space<vmem_shared>>
      tpu.enqueue_indirect_dma source(%arg18 : memref<40x128xf32, #tpu.memory_space<vmem>>) target(%dma_start3A_425 : memref<10000x128xf32, #tpu.memory_space<vmem_shared>>) offsets(%arg15 : memref<40xi32, #tpu.memory_space<vmem>>) semaphore(%run_scoped3A : memref<!tpu.dma_semaphore, #tpu.memory_space<semaphore_mem>>) {add = true}
      %dma_wait3A_426 = arith.constant 0 : i32
      %dma_wait3A_427 = arith.constant 0 : i32
      %dma_wait3A_428 = tpu.memref_slice %arg25[%dma_wait3A_426, %dma_wait3A_427] : memref<10000x128xf32, #tpu.memory_space<vmem_shared>> -> memref<10000x128xf32, #tpu.memory_space<vmem_shared>>
      tpu.wait_indirect_dma semaphore(%run_scoped3A : memref<!tpu.dma_semaphore, #tpu.memory_space<semaphore_mem>>) src(%arg18 : memref<40x128xf32, #tpu.memory_space<vmem>>) dst(%dma_wait3A_428 : memref<10000x128xf32, #tpu.memory_space<vmem_shared>>)
      tpu.yield
    }) : () -> ()
    %mul3A_389 = arith.constant 10000 : i32
    %mul3A_390 = arith.muli %add3A, %mul3A_389 : i32
    %add3A_391 = arith.constant 9960 : i32
    %add3A_392 = arith.addi %mul3A_390, %add3A_391 : i32
    %multiple_of3A_393 = tpu.assume_multiple %add3A_392, 8 : i32
    "tpu.region"() ({
      %run_scoped3A = tpu.sem_alloc : memref<!tpu.dma_semaphore, #tpu.memory_space<semaphore_mem>>
      %dma_start3A_423 = tpu.memref_slice %arg5[%multiple_of3A_393] : memref<320000xi32, #tpu.memory_space<hbm>> -> memref<40xi32, #tpu.memory_space<hbm>>
      %dma_start3A_424 = tpu.memref_slice %arg5[%multiple_of3A_393] : memref<320000xi32, #tpu.memory_space<hbm>> -> memref<40xi32, #tpu.memory_space<hbm>>
      tpu.enqueue_dma source(%dma_start3A_424 : memref<40xi32, #tpu.memory_space<hbm>>) target(%arg14 : memref<40xi32, #tpu.memory_space<vmem>>) target_semaphore(%run_scoped3A : memref<!tpu.dma_semaphore, #tpu.memory_space<semaphore_mem>>)
      %dma_wait3A_425 = tpu.memref_slice %arg5[%multiple_of3A_393] : memref<320000xi32, #tpu.memory_space<hbm>> -> memref<40xi32, #tpu.memory_space<hbm>>
      %dma_wait3A_426 = tpu.memref_slice %arg5[%multiple_of3A_393] : memref<320000xi32, #tpu.memory_space<hbm>> -> memref<40xi32, #tpu.memory_space<hbm>>
      tpu.wait_dma2 semaphore(%run_scoped3A : memref<!tpu.dma_semaphore, #tpu.memory_space<semaphore_mem>>) src(%dma_wait3A_426 : memref<40xi32, #tpu.memory_space<hbm>>) dst(%arg14 : memref<40xi32, #tpu.memory_space<vmem>>)
      tpu.yield
    }) : () -> ()
    "tpu.region"() ({
      %run_scoped3A = tpu.sem_alloc : memref<!tpu.dma_semaphore, #tpu.memory_space<semaphore_mem>>
      %dma_start3A_423 = tpu.memref_slice %arg4[%multiple_of3A_393] : memref<320000xi32, #tpu.memory_space<hbm>> -> memref<40xi32, #tpu.memory_space<hbm>>
      %dma_start3A_424 = tpu.memref_slice %arg4[%multiple_of3A_393] : memref<320000xi32, #tpu.memory_space<hbm>> -> memref<40xi32, #tpu.memory_space<hbm>>
      tpu.enqueue_dma source(%dma_start3A_424 : memref<40xi32, #tpu.memory_space<hbm>>) target(%arg15 : memref<40xi32, #tpu.memory_space<vmem>>) target_semaphore(%run_scoped3A : memref<!tpu.dma_semaphore, #tpu.memory_space<semaphore_mem>>)
      %dma_wait3A_425 = tpu.memref_slice %arg4[%multiple_of3A_393] : memref<320000xi32, #tpu.memory_space<hbm>> -> memref<40xi32, #tpu.memory_space<hbm>>
      %dma_wait3A_426 = tpu.memref_slice %arg4[%multiple_of3A_393] : memref<320000xi32, #tpu.memory_space<hbm>> -> memref<40xi32, #tpu.memory_space<hbm>>
      tpu.wait_dma2 semaphore(%run_scoped3A : memref<!tpu.dma_semaphore, #tpu.memory_space<semaphore_mem>>) src(%dma_wait3A_426 : memref<40xi32, #tpu.memory_space<hbm>>) dst(%arg15 : memref<40xi32, #tpu.memory_space<vmem>>)
      tpu.yield
    }) : () -> ()
    %dma_start3A_394 = arith.constant 0 : i32
    %dma_start3A_395 = arith.constant 0 : i32
    %dma_start3A_396 = tpu.memref_slice %arg6[%dma_start3A_394, %dma_start3A_395] : memref<10000x128xf32, #tpu.memory_space<hbm>> -> memref<10000x128xf32, #tpu.memory_space<hbm>>
    tpu.enqueue_indirect_dma source(%dma_start3A_396 : memref<10000x128xf32, #tpu.memory_space<hbm>>) target(%arg18 : memref<40x128xf32, #tpu.memory_space<vmem>>) offsets(%arg14 : memref<40xi32, #tpu.memory_space<vmem>>) semaphore(%arg27 : memref<!tpu.dma_semaphore, #tpu.memory_space<semaphore_mem>>)
    %dma_wait3A_397 = arith.constant 0 : i32
    %dma_wait3A_398 = arith.constant 0 : i32
    %dma_wait3A_399 = tpu.memref_slice %arg6[%dma_wait3A_397, %dma_wait3A_398] : memref<10000x128xf32, #tpu.memory_space<hbm>> -> memref<10000x128xf32, #tpu.memory_space<hbm>>
    tpu.wait_indirect_dma semaphore(%arg27 : memref<!tpu.dma_semaphore, #tpu.memory_space<semaphore_mem>>) src(%dma_wait3A_399 : memref<10000x128xf32, #tpu.memory_space<hbm>>) dst(%arg18 : memref<40x128xf32, #tpu.memory_space<vmem>>)
    %get3A_400 = arith.constant 0 : index
    %get3A_401 = tpu.vector_load %arg15[%get3A_400] {strides = array<i32>} : memref<40xi32, #tpu.memory_space<vmem>>, vector<16xi32>,
    tpu.vector_store_idx %arg22[%get3A_401], %broadcast_in_dim3A_20 {add = true} : memref<10000xf32, #tpu.memory_space<vmem>>[vector<16xi32>], vector<16xf32>,
    %get3A_402 = arith.constant 16 : index
    %get3A_403 = tpu.vector_load %arg15[%get3A_402] {strides = array<i32>} : memref<40xi32, #tpu.memory_space<vmem>>, vector<16xi32>,
    tpu.vector_store_idx %arg22[%get3A_403], %broadcast_in_dim3A_20 {add = true} : memref<10000xf32, #tpu.memory_space<vmem>>[vector<16xi32>], vector<16xf32>,
    %get3A_404 = arith.constant 24 : index
    %get3A_405 = tpu.vector_load %arg15[%get3A_404] {strides = array<i32>} : memref<40xi32, #tpu.memory_space<vmem>>, vector<16xi32>,
    tpu.vector_store_idx %arg22[%get3A_405], %broadcast_in_dim3A_20 masked %ge3A_37 {add = true} : memref<10000xf32, #tpu.memory_space<vmem>>[vector<16xi32>], vector<16xf32>, vector<16xi1>
    "tpu.region"() ({
      %run_scoped3A = tpu.sem_alloc : memref<!tpu.dma_semaphore, #tpu.memory_space<semaphore_mem>>
      %dma_start3A_423 = arith.constant 0 : i32
      %dma_start3A_424 = arith.constant 0 : i32
      %dma_start3A_425 = tpu.memref_slice %arg25[%dma_start3A_423, %dma_start3A_424] : memref<10000x128xf32, #tpu.memory_space<vmem_shared>> -> memref<10000x128xf32, #tpu.memory_space<vmem_shared>>
      tpu.enqueue_indirect_dma source(%arg18 : memref<40x128xf32, #tpu.memory_space<vmem>>) target(%dma_start3A_425 : memref<10000x128xf32, #tpu.memory_space<vmem_shared>>) offsets(%arg15 : memref<40xi32, #tpu.memory_space<vmem>>) semaphore(%run_scoped3A : memref<!tpu.dma_semaphore, #tpu.memory_space<semaphore_mem>>) {add = true}
      %dma_wait3A_426 = arith.constant 0 : i32
      %dma_wait3A_427 = arith.constant 0 : i32
      %dma_wait3A_428 = tpu.memref_slice %arg25[%dma_wait3A_426, %dma_wait3A_427] : memref<10000x128xf32, #tpu.memory_space<vmem_shared>> -> memref<10000x128xf32, #tpu.memory_space<vmem_shared>>
      tpu.wait_indirect_dma semaphore(%run_scoped3A : memref<!tpu.dma_semaphore, #tpu.memory_space<semaphore_mem>>) src(%arg18 : memref<40x128xf32, #tpu.memory_space<vmem>>) dst(%dma_wait3A_428 : memref<10000x128xf32, #tpu.memory_space<vmem_shared>>)
      tpu.yield
    }) : () -> ()
    %barrier3A_406 = arith.constant 0 : index
    tpu.barrier barrier_id(%barrier3A_406)
    "tpu.region"() ({
      %run_scoped3A = tpu.sem_alloc : memref<!tpu.dma_semaphore, #tpu.memory_space<semaphore_mem>>
      %dma_start3A_423 = arith.constant 0 : i32
      %dma_start3A_424 = tpu.memref_slice %arg8[%multiple_of3A_35, %dma_start3A_423] : memref<20000x128xf32, #tpu.memory_space<hbm>> -> memref<640x128xf32, #tpu.memory_space<hbm>>
      %dma_start3A_425 = arith.constant 0 : i32
      %dma_start3A_426 = tpu.memref_slice %arg25[%multiple_of3A_31, %dma_start3A_425] : memref<10000x128xf32, #tpu.memory_space<vmem_shared>> -> memref<640x128xf32, #tpu.memory_space<vmem_shared>>
      tpu.enqueue_dma source(%dma_start3A_426 : memref<640x128xf32, #tpu.memory_space<vmem_shared>>) target(%dma_start3A_424 : memref<640x128xf32, #tpu.memory_space<hbm>>) target_semaphore(%run_scoped3A : memref<!tpu.dma_semaphore, #tpu.memory_space<semaphore_mem>>)
      %dma_wait3A_427 = arith.constant 0 : i32
      %dma_wait3A_428 = tpu.memref_slice %arg8[%multiple_of3A_35, %dma_wait3A_427] : memref<20000x128xf32, #tpu.memory_space<hbm>> -> memref<640x128xf32, #tpu.memory_space<hbm>>
      %dma_wait3A_429 = arith.constant 0 : i32
      %dma_wait3A_430 = tpu.memref_slice %arg25[%multiple_of3A_31, %dma_wait3A_429] : memref<10000x128xf32, #tpu.memory_space<vmem_shared>> -> memref<640x128xf32, #tpu.memory_space<vmem_shared>>
      tpu.wait_dma2 semaphore(%run_scoped3A : memref<!tpu.dma_semaphore, #tpu.memory_space<semaphore_mem>>) src(%dma_wait3A_430 : memref<640x128xf32, #tpu.memory_space<vmem_shared>>) dst(%dma_wait3A_428 : memref<640x128xf32, #tpu.memory_space<hbm>>)
      tpu.yield
    }) : () -> ()
    %mul3A_407 = arith.constant 10000 : i32
    %mul3A_408 = arith.muli %arg1, %mul3A_407 : i32
    %multiple_of3A_409 = tpu.assume_multiple %mul3A_408, 8 : i32
    "tpu.region"() ({
      %run_scoped3A = tpu.sem_alloc : memref<!tpu.dma_semaphore, #tpu.memory_space<semaphore_mem>>
      %dma_start3A_423 = tpu.memref_slice %arg26[%multiple_of3A_409] : memref<160000xf32, #tpu.memory_space<vmem_shared>> -> memref<10000xf32, #tpu.memory_space<vmem_shared>>
      %dma_start3A_424 = tpu.memref_slice %arg26[%multiple_of3A_409] : memref<160000xf32, #tpu.memory_space<vmem_shared>> -> memref<10000xf32, #tpu.memory_space<vmem_shared>>
      tpu.enqueue_dma source(%arg22 : memref<10000xf32, #tpu.memory_space<vmem>>) target(%dma_start3A_424 : memref<10000xf32, #tpu.memory_space<vmem_shared>>) target_semaphore(%run_scoped3A : memref<!tpu.dma_semaphore, #tpu.memory_space<semaphore_mem>>)
      %dma_wait3A_425 = tpu.memref_slice %arg26[%multiple_of3A_409] : memref<160000xf32, #tpu.memory_space<vmem_shared>> -> memref<10000xf32, #tpu.memory_space<vmem_shared>>
      %dma_wait3A_426 = tpu.memref_slice %arg26[%multiple_of3A_409] : memref<160000xf32, #tpu.memory_space<vmem_shared>> -> memref<10000xf32, #tpu.memory_space<vmem_shared>>
      tpu.wait_dma2 semaphore(%run_scoped3A : memref<!tpu.dma_semaphore, #tpu.memory_space<semaphore_mem>>) src(%arg22 : memref<10000xf32, #tpu.memory_space<vmem>>) dst(%dma_wait3A_426 : memref<10000xf32, #tpu.memory_space<vmem_shared>>)
      tpu.yield
    }) : () -> ()
    %barrier3A_410 = arith.constant 0 : index
    tpu.barrier barrier_id(%barrier3A_410)
    %scan3A_411 = arith.constant 0 : i32
    %scan3A_412 = arith.constant 0 : i32
    %scan3A_413 = arith.constant 40 : i32
    %scan3A_414 = arith.addi %scan3A_412, %scan3A_413 : i32
    %scan3A_415 = arith.constant 1 : i32
    scf.for %scan3A_423 = %scan3A_412 to %scan3A_414 step %scan3A_415  : i32 {
      %mul3A_424 = arith.constant 16 : i32
      %mul3A_425 = arith.muli %scan3A_423, %mul3A_424 : i32
      %swap3A = arith.index_cast %mul3A_425 : i32 to index
      %swap3A_426 = tpu.vector_load %arg23[%swap3A] {strides = array<i32>} : memref<640xf32, #tpu.memory_space<vmem>>, vector<16xf32>,
      tpu.vector_store %arg23[%swap3A], %broadcast_in_dim3A_22 {strides = array<i32>} : memref<640xf32, #tpu.memory_space<vmem>>, vector<16xf32>,
    }
    %scan3A_416 = arith.constant 40 : i32
    %scan3A_417 = arith.constant 0 : i32
    %scan3A_418 = arith.constant 0 : i32
    %scan3A_419 = arith.constant 16 : i32
    %scan3A_420 = arith.addi %scan3A_418, %scan3A_419 : i32
    %scan3A_421 = arith.constant 1 : i32
    scf.for %scan3A_423 = %scan3A_418 to %scan3A_420 step %scan3A_421  : i32 {
      %mul3A_424 = arith.constant 10000 : i32
      %mul3A_425 = arith.muli %scan3A_423, %mul3A_424 : i32
      %multiple_of3A_426 = tpu.assume_multiple %mul3A_425, 8 : i32
      %add3A_427 = arith.addi %multiple_of3A_426, %multiple_of3A_31 : i32
      "tpu.region"() ({
        %run_scoped3A = tpu.sem_alloc : memref<!tpu.dma_semaphore, #tpu.memory_space<semaphore_mem>>
        %dma_start3A_434 = tpu.memref_slice %arg26[%add3A_427] : memref<160000xf32, #tpu.memory_space<vmem_shared>> -> memref<640xf32, #tpu.memory_space<vmem_shared>>
        %dma_start3A_435 = tpu.memref_slice %arg26[%add3A_427] : memref<160000xf32, #tpu.memory_space<vmem_shared>> -> memref<640xf32, #tpu.memory_space<vmem_shared>>
        tpu.enqueue_dma source(%dma_start3A_435 : memref<640xf32, #tpu.memory_space<vmem_shared>>) target(%arg24 : memref<640xf32, #tpu.memory_space<vmem>>) target_semaphore(%run_scoped3A : memref<!tpu.dma_semaphore, #tpu.memory_space<semaphore_mem>>)
        %dma_wait3A_436 = tpu.memref_slice %arg26[%add3A_427] : memref<160000xf32, #tpu.memory_space<vmem_shared>> -> memref<640xf32, #tpu.memory_space<vmem_shared>>
        %dma_wait3A_437 = tpu.memref_slice %arg26[%add3A_427] : memref<160000xf32, #tpu.memory_space<vmem_shared>> -> memref<640xf32, #tpu.memory_space<vmem_shared>>
        tpu.wait_dma2 semaphore(%run_scoped3A : memref<!tpu.dma_semaphore, #tpu.memory_space<semaphore_mem>>) src(%dma_wait3A_437 : memref<640xf32, #tpu.memory_space<vmem_shared>>) dst(%arg24 : memref<640xf32, #tpu.memory_space<vmem>>)
        tpu.yield
      }) : () -> ()
      %scan3A_428 = arith.constant 0 : i32
      %scan3A_429 = arith.constant 0 : i32
      %scan3A_430 = arith.constant 40 : i32
      %scan3A_431 = arith.addi %scan3A_429, %scan3A_430 : i32
      %scan3A_432 = arith.constant 1 : i32
      scf.for %scan3A_434 = %scan3A_429 to %scan3A_431 step %scan3A_432  : i32 {
        %mul3A_435 = arith.constant 16 : i32
        %mul3A_436 = arith.muli %scan3A_434, %mul3A_435 : i32
        %get3A_437 = arith.index_cast %mul3A_436 : i32 to index
        %get3A_438 = tpu.vector_load %arg23[%get3A_437] {strides = array<i32>} : memref<640xf32, #tpu.memory_space<vmem>>, vector<16xf32>,
        %mul3A_439 = arith.constant 16 : i32
        %mul3A_440 = arith.muli %scan3A_434, %mul3A_439 : i32
        %get3A_441 = arith.index_cast %mul3A_440 : i32 to index
        %get3A_442 = tpu.vector_load %arg24[%get3A_441] {strides = array<i32>} : memref<640xf32, #tpu.memory_space<vmem>>, vector<16xf32>,
        %add3A_443 = arith.addf %get3A_438, %get3A_442 : vector<16xf32>
        %mul3A_444 = arith.constant 16 : i32
        %mul3A_445 = arith.muli %scan3A_434, %mul3A_444 : i32
        %swap3A = arith.index_cast %mul3A_445 : i32 to index
        %swap3A_446 = tpu.vector_load %arg23[%swap3A] {strides = array<i32>} : memref<640xf32, #tpu.memory_space<vmem>>, vector<16xf32>,
        tpu.vector_store %arg23[%swap3A], %add3A_443 {strides = array<i32>} : memref<640xf32, #tpu.memory_space<vmem>>, vector<16xf32>,
      }
      %scan3A_433 = arith.constant 40 : i32
    }
    %scan3A_422 = arith.constant 16 : i32
    "tpu.region"() ({
      %run_scoped3A = tpu.sem_alloc : memref<!tpu.dma_semaphore, #tpu.memory_space<semaphore_mem>>
      %dma_start3A_423 = tpu.memref_slice %arg9[%multiple_of3A_35] : memref<20000xf32, #tpu.memory_space<hbm>> -> memref<640xf32, #tpu.memory_space<hbm>>
      %dma_start3A_424 = tpu.memref_slice %arg9[%multiple_of3A_35] : memref<20000xf32, #tpu.memory_space<hbm>> -> memref<640xf32, #tpu.memory_space<hbm>>
      tpu.enqueue_dma source(%arg23 : memref<640xf32, #tpu.memory_space<vmem>>) target(%dma_start3A_424 : memref<640xf32, #tpu.memory_space<hbm>>) target_semaphore(%run_scoped3A : memref<!tpu.dma_semaphore, #tpu.memory_space<semaphore_mem>>)
      %dma_wait3A_425 = tpu.memref_slice %arg9[%multiple_of3A_35] : memref<20000xf32, #tpu.memory_space<hbm>> -> memref<640xf32, #tpu.memory_space<hbm>>
      %dma_wait3A_426 = tpu.memref_slice %arg9[%multiple_of3A_35] : memref<20000xf32, #tpu.memory_space<hbm>> -> memref<640xf32, #tpu.memory_space<hbm>>
      tpu.wait_dma2 semaphore(%run_scoped3A : memref<!tpu.dma_semaphore, #tpu.memory_space<semaphore_mem>>) src(%arg23 : memref<640xf32, #tpu.memory_space<vmem>>) dst(%dma_wait3A_426 : memref<640xf32, #tpu.memory_space<hbm>>)
      tpu.yield
    }) : () -> ()
    return
  }
}

module attributes {stable_mosaic.version = 14 : i64} {
  func.func @body(%arg0: i32, %arg1: memref<1000x128xf32, #tpu.memory_space<vmem>>, %arg2: memref<2x1000x128xf32, #tpu.memory_space<vmem>>, %arg3: memref<2x1000x1xf32, #tpu.memory_space<vmem>>, %arg4: memref<128x128xf32, #tpu.memory_space<vmem>>, %arg5: memref<1x128xf32, #tpu.memory_space<vmem>>, %arg6: memref<128x128xf32, #tpu.memory_space<vmem>>, %arg7: memref<1x128xf32, #tpu.memory_space<vmem>>, %arg8: memref<1000x128xf32, #tpu.memory_space<vmem>>) attributes {dimension_semantics = [#tpu.dimension_semantics<arbitrary>], iteration_bounds = array<i64: 10>, scalar_prefetch = 0 : i64, scratch_operands = 0 : i64, tpu.core_type = #tpu.core_type<tc>, window_params = [{transform_indices = @transform_0, window_bounds = array<i64: 1000, 128>}, {transform_indices = @transform_1, window_bounds = array<i64: 2, 1000, 128>}, {transform_indices = @transform_2, window_bounds = array<i64: 2, 1000, 1>}, {pipeline_mode = #tpu.pipeline_mode<synchronous>, transform_indices = @transform_3, window_bounds = array<i64: 128, 128>}, {pipeline_mode = #tpu.pipeline_mode<synchronous>, transform_indices = @transform_4, window_bounds = array<i64: 1, 128>}, {pipeline_mode = #tpu.pipeline_mode<synchronous>, transform_indices = @transform_5, window_bounds = array<i64: 128, 128>}, {pipeline_mode = #tpu.pipeline_mode<synchronous>, transform_indices = @transform_6, window_bounds = array<i64: 1, 128>}, {transform_indices = @transform_7, window_bounds = array<i64: 1000, 128>}]} {
    %get3A = arith.constant 0 : index
    %get3A_0 = arith.constant 0 : index
    %get3A_1 = vector.load %arg1[%get3A, %get3A_0] : memref<1000x128xf32, #tpu.memory_space<vmem>>, vector<1000x128xf32>
    %get3A_2 = arith.constant 0 : index
    %get3A_3 = arith.constant 0 : index
    %get3A_4 = arith.constant 0 : index
    %get3A_5 = vector.load %arg2[%get3A_2, %get3A_3, %get3A_4] : memref<2x1000x128xf32, #tpu.memory_space<vmem>>, vector<1x1000x128xf32>
    %get3A_6 = vector.shape_cast %get3A_5 : vector<1x1000x128xf32> to vector<1000x128xf32>
    %get3A_7 = arith.constant 1 : index
    %get3A_8 = arith.constant 0 : index
    %get3A_9 = arith.constant 0 : index
    %get3A_10 = vector.load %arg2[%get3A_7, %get3A_8, %get3A_9] : memref<2x1000x128xf32, #tpu.memory_space<vmem>>, vector<1x1000x128xf32>
    %get3A_11 = vector.shape_cast %get3A_10 : vector<1x1000x128xf32> to vector<1000x128xf32>
    %add3A = arith.addf %get3A_6, %get3A_11 : vector<1000x128xf32>
    %get3A_12 = arith.constant 0 : index
    %get3A_13 = arith.constant 0 : index
    %get3A_14 = arith.constant 0 : index
    %get3A_15 = vector.load %arg3[%get3A_12, %get3A_13, %get3A_14] : memref<2x1000x1xf32, #tpu.memory_space<vmem>>, vector<1x1000x1xf32>
    %get3A_16 = vector.shape_cast %get3A_15 : vector<1x1000x1xf32> to vector<1000x1xf32>
    %get3A_17 = arith.constant 1 : index
    %get3A_18 = arith.constant 0 : index
    %get3A_19 = arith.constant 0 : index
    %get3A_20 = vector.load %arg3[%get3A_17, %get3A_18, %get3A_19] : memref<2x1000x1xf32, #tpu.memory_space<vmem>>, vector<1x1000x1xf32>
    %get3A_21 = vector.shape_cast %get3A_20 : vector<1x1000x1xf32> to vector<1000x1xf32>
    %add3A_22 = arith.addf %get3A_16, %get3A_21 : vector<1000x1xf32>
    %add3A_23 = arith.constant 1.000000e+00 : f32
    %add3A_24 = vector.broadcast %add3A_23 : f32 to vector<1000x1xf32>
    %add3A_25 = arith.addf %add3A_22, %add3A_24 : vector<1000x1xf32>
    %add3A_26 = arith.addf %add3A, %get3A_1 : vector<1000x128xf32>
    %div3A = arith.constant 1.000000e+00 : f32
    %div3A_27 = vector.broadcast %div3A : f32 to vector<1000x1xf32>
    %div3A_28 = arith.divf %div3A_27, %add3A_25 : vector<1000x1xf32>
    %mul3A = vector.broadcast %div3A_28 : vector<1000x1xf32> to vector<1000x128xf32>
    %mul3A_29 = arith.mulf %add3A_26, %mul3A : vector<1000x128xf32>
    %get3A_30 = arith.constant 0 : index
    %get3A_31 = arith.constant 0 : index
    %get3A_32 = vector.load %arg4[%get3A_30, %get3A_31] : memref<128x128xf32, #tpu.memory_space<vmem>>, vector<128x128xf32>
    %dot_general3A = arith.constant dense<0.000000e+00> : vector<1000x128xf32>
    %dot_general3A_33 = tpu.matmul %get3A_1, %get3A_32, %dot_general3A {dimension_numbers = #tpu.dot_dimension_numbers<[1], [0], [0], [1], [0, 0, 1, 1], [], []>, transpose_lhs_hint = false} : vector<1000x128xf32>, vector<128x128xf32>, vector<1000x128xf32> -> vector<1000x128xf32>
    %get3A_34 = arith.constant 0 : index
    %get3A_35 = arith.constant 0 : index
    %get3A_36 = vector.load %arg5[%get3A_34, %get3A_35] : memref<1x128xf32, #tpu.memory_space<vmem>>, vector<1x128xf32>
    %add3A_37 = vector.broadcast %get3A_36 : vector<1x128xf32> to vector<1000x128xf32>
    %add3A_38 = arith.addf %dot_general3A_33, %add3A_37 : vector<1000x128xf32>
    %get3A_39 = arith.constant 0 : index
    %get3A_40 = arith.constant 0 : index
    %get3A_41 = vector.load %arg6[%get3A_39, %get3A_40] : memref<128x128xf32, #tpu.memory_space<vmem>>, vector<128x128xf32>
    %dot_general3A_42 = arith.constant dense<0.000000e+00> : vector<1000x128xf32>
    %dot_general3A_43 = tpu.matmul %mul3A_29, %get3A_41, %dot_general3A_42 {dimension_numbers = #tpu.dot_dimension_numbers<[1], [0], [0], [1], [0, 0, 1, 1], [], []>, transpose_lhs_hint = false} : vector<1000x128xf32>, vector<128x128xf32>, vector<1000x128xf32> -> vector<1000x128xf32>
    %add3A_44 = arith.addf %add3A_38, %dot_general3A_43 : vector<1000x128xf32>
    %get3A_45 = arith.constant 0 : index
    %get3A_46 = arith.constant 0 : index
    %get3A_47 = vector.load %arg7[%get3A_45, %get3A_46] : memref<1x128xf32, #tpu.memory_space<vmem>>, vector<1x128xf32>
    %add3A_48 = vector.broadcast %get3A_47 : vector<1x128xf32> to vector<1000x128xf32>
    %add3A_49 = arith.addf %add3A_44, %add3A_48 : vector<1000x128xf32>
    %mul3A_50 = arith.constant 5.000000e-01 : f32
    %mul3A_51 = vector.broadcast %mul3A_50 : f32 to vector<1000x128xf32>
    %mul3A_52 = arith.mulf %mul3A_51, %add3A_49 : vector<1000x128xf32>
    %mul3A_53 = arith.constant 0.707106769 : f32
    %mul3A_54 = vector.broadcast %mul3A_53 : f32 to vector<1000x128xf32>
    %mul3A_55 = arith.mulf %add3A_49, %mul3A_54 : vector<1000x128xf32>
    %erf3A = math.erf %mul3A_55 : vector<1000x128xf32>
    %add3A_56 = arith.constant 1.000000e+00 : f32
    %add3A_57 = vector.broadcast %add3A_56 : f32 to vector<1000x128xf32>
    %add3A_58 = arith.addf %add3A_57, %erf3A : vector<1000x128xf32>
    %mul3A_59 = arith.mulf %mul3A_52, %add3A_58 : vector<1000x128xf32>
    %swap3A = arith.constant 0 : index
    %swap3A_60 = arith.constant 0 : index
    %swap3A_61 = vector.load %arg8[%swap3A, %swap3A_60] : memref<1000x128xf32, #tpu.memory_space<vmem>>, vector<1000x128xf32>
    tpu.vector_store %arg8[%swap3A, %swap3A_60], %mul3A_59 {strides = array<i32>} : memref<1000x128xf32, #tpu.memory_space<vmem>>, vector<1000x128xf32>,
    return
  }
  func.func @transform_0(%arg0: i32) -> (i32, i32) {
    %c0_i32 = arith.constant 0 : i32
    %c0_i32_0 = arith.constant 0 : i32
    return %arg0, %c0_i32 : i32, i32
  }
  func.func @transform_1(%arg0: i32) -> (i32, i32, i32) {
    %c0_i32 = arith.constant 0 : i32
    %c0_i32_0 = arith.constant 0 : i32
    %c0_i32_1 = arith.constant 0 : i32
    return %c0_i32, %arg0, %c0_i32_0 : i32, i32, i32
  }
  func.func @transform_2(%arg0: i32) -> (i32, i32, i32) {
    %c0_i32 = arith.constant 0 : i32
    %c0_i32_0 = arith.constant 0 : i32
    %c0_i32_1 = arith.constant 0 : i32
    return %c0_i32, %arg0, %c0_i32_0 : i32, i32, i32
  }
  func.func @transform_3(%arg0: i32) -> (i32, i32) {
    %c0_i32 = arith.constant 0 : i32
    %c0_i32_0 = arith.constant 0 : i32
    %c0_i32_1 = arith.constant 0 : i32
    return %c0_i32, %c0_i32_0 : i32, i32
  }
  func.func @transform_4(%arg0: i32) -> (i32, i32) {
    %c0_i32 = arith.constant 0 : i32
    %c0_i32_0 = arith.constant 0 : i32
    %c0_i32_1 = arith.constant 0 : i32
    return %c0_i32, %c0_i32_0 : i32, i32
  }
  func.func @transform_5(%arg0: i32) -> (i32, i32) {
    %c0_i32 = arith.constant 0 : i32
    %c0_i32_0 = arith.constant 0 : i32
    %c0_i32_1 = arith.constant 0 : i32
    return %c0_i32, %c0_i32_0 : i32, i32
  }
  func.func @transform_6(%arg0: i32) -> (i32, i32) {
    %c0_i32 = arith.constant 0 : i32
    %c0_i32_0 = arith.constant 0 : i32
    %c0_i32_1 = arith.constant 0 : i32
    return %c0_i32, %c0_i32_0 : i32, i32
  }
  func.func @transform_7(%arg0: i32) -> (i32, i32) {
    %c0_i32 = arith.constant 0 : i32
    %c0_i32_0 = arith.constant 0 : i32
    return %arg0, %c0_i32 : i32, i32
  }
}

</mosaic_0001>

<sc_bundles>
// kernel: kernel.4.cloned.1.call-start
scs
__scs_entry_jumppad:
0x0: {  	(pc) =	sbr.rel $0x88, $3  }
0x1: {  	(tag) =	ssettag $0x0;
	lr =	simm.s32 $0x1  }
0x2: {  	[smem:$0x3F9B] =	sst lr;
	_ =	strace $0xD0000000  }
0x3: {  	_ = 	snop  }
0x4: {  	_ = 	snop  }
0x5: {  	_ = 	snop  }
0x6: {  	_ = 	snop  }
0x7: {  	_ = 	snop  }
__scs_overlays_trampoline_lowered:
0x8: {  	[smem:$0x3FAA] =	sst s0  }
0x9: {  	[smem:$0x3FAB] =	sst s1  }
0xa: {  	[smem:$0x3FAC] =	sst s2  }
0xb: {  	[smem:$0x3FAD] =	sst s3  }
0xc: {  	[smem:$0x3FAE] =	sst s4  }
0xd: {  	[smem:$0x3FAF] =	sst s5  }
0xe: {  	[smem:$0x3FB0] =	sst s6  }
0xf: {  	[smem:$0x3FB1] =	sst s7  }
0x10: {  	[smem:$0x3FB2] =	sst s8  }
0x11: {  	[smem:$0x3FB3] =	sst s9;
	s0 =	simm.s32 @!p0 $0x0  }
0x12: {  	s1 =	sld [smem:$0x3F99];
	s0 =	simm.s32 @p0 $0x1  }
0x13: {  	[smem:$0x3FB4] =	sst s0;
	s0 =	simm.s32 @!p1 $0x0  }
0x14: {  	s2 =	sld [smem:$0x3F98];
	s0 =	simm.s32 @p1 $0x1  }
0x15: {  	[smem:$0x3FB5] =	sst s0;
	s0 =	simm.s32 @!p2 $0x0  }
0x16: {  	s3 =	sld [smem:$0x3FDB];
	s0 =	simm.s32 @p2 $0x1  }
0x17: {  	s4 =	simm.s32 $0x1BF5;
	[smem:$0x3FB7] =	sst s0  }
0x18: {  	s0 =	sld [smem:$0x3F9A];
	_ =	swait.ge [sflag:s4], $0x0  }
0x19: {  	s7 =	sld [smem:$0x3F9B]  }
0x1a: {  	s8 =	sadd.s32 $0xFFFFE003, lr  }
0x1b: {  	s9 =	sadd.s32 $0xFFFFFEF7, lr;
	s5 =	simm.s32 $0xFFFFFFFF;
	p2 =	slt.u32 s8, $0xFFFFF086  }
0x1c: {  	p1 =	slt.u32 s9, $0xF7A;
	s5 =	simm.s32 @!p2 $0x0  }
0x1d: {  	s5 =	simm.s32 @p1 $0x1;
	p0 =	seq.s32 s7, s2  }
0x1e: {  	s7 =	smul.u32 @!p0 $0xF7A, s2;
	p2 =	seq.s32 @!p0 s5, $0x0  }
0x1f: {  	s9 =	smul.u32 $0xF7A, s1;
	s8 =	simm.s32 @!p0 $0x1BF5;
	p2 =	por !p2, p0  }
0x20: {  	[sflag:s8] =	ssyncset.s32 @!p0 $0xFFFFF086;
	s6 =	sadd.s32 @!p0 s3, s7;
	s7 =	simm.s32 @!p0 $0x108  }
0x21: {  	s3 =	sadd.s32 s3, s9;
	s6 =	sadd.s32 @!p0 $0x88, s6;
	s7 =	simm.s32 @p2 $0x1082  }
0x22: {  	[simem:s7], [sflag:s8] =	dma.local @!p0 [hbm:s6], $0xF7A  }
0x23: {  	s9 =	sor.u32 $0xD0000000, s2;
	s6 =	simm.s32 $0x108;
	_ =	swait.ge @!p0 [sflag:s8], $0x0  }
0x24: {  	s3 =	sadd.s32 $0x88, s3;
	s6 =	simm.s32 @!p1 $0x1082;
	[sflag:s4] =	ssyncset.s32 $0xFFFFF086  }
0x25: {  	[simem:s6], [sflag:s4] =	dma.local [hbm:s3], $0xF7A  }
0x26: {  	[smem:$0x3F9B] =	sst s1;
	(tag) =	ssettag s2;
	_ =	strace s9  }
0x27: {  	s1 =	sld [smem:$0x3FAB]  }
0x28: {  	s2 =	sld [smem:$0x3FAC]  }
0x29: {  	s4 =	sld [smem:$0x3FAE]  }
0x2a: {  	p0 =	seq.s32 s5, $0x0;
	s5 =	sld [smem:$0x3FAF]  }
0x2b: {  	s6 =	sld [smem:$0x3FB0]  }
0x2c: {  	s7 =	sld [smem:$0x3FB1]  }
0x2d: {  	s3 =	simm.s32 $0x108;
	s8 =	sld [smem:$0x3FB2]  }
0x2e: {  	s3 =	simm.s32 @!p0 $0x1082;
	s9 =	sld [smem:$0x3FB3]  }
0x2f: {  	lr =	sadd.s32 s0, s3;
	s0 =	sld [smem:$0x3FAA]  }
0x30: {  	s3 =	sld [smem:$0x3FAD]  }
0x31: {  	[smem:$0x3FB6] =	sst s10  }
0x32: {  	s10 =	sld [smem:$0x3FB4];
	_ =	sdelay $0x3  }
0x33: {  	p0 =	seq.s32 s10, $0x1;
	s10 =	sld [smem:$0x3FB6];
	_ =	sdelay $0x3  }
0x34: {  	[smem:$0x3FB6] =	sst s10  }
0x35: {  	s10 =	sld [smem:$0x3FB5];
	_ =	sdelay $0x3  }
0x36: {  	p1 =	seq.s32 s10, $0x1;
	s10 =	sld [smem:$0x3FB6];
	_ =	sdelay $0x3  }
0x37: {  	[smem:$0x3FB6] =	sst s10  }
0x38: {  	s10 =	sld [smem:$0x3FB7]  }
0x39: {  	_ = 	snop;
	(pc) =	sbr.ind lr, $3  }
0x3a: {  	_ = 	snop  }
0x3b: {  	_ = 	snop  }
0x3c: {  	p2 =	seq.s32 s10, $0x1;
	s10 =	sld [smem:$0x3FB6]  }
0x3d: {  	_ =	shalt  }
0x3e: {  	_ =	shalt  }
0x3f: {  	_ =	shalt  }
0x40: {  	_ =	shalt  }
0x41: {  	_ =	shalt  }
0x42: {  	_ =	shalt  }
0x43: {  	_ =	shalt  }
0x44: {  	_ =	shalt  }
0x45: {  	_ =	shalt  }
0x46: {  	_ =	shalt  }
0x47: {  	_ =	shalt  }
0x48: {  	_ =	shalt  }
0x49: {  	_ =	shalt  }
0x4a: {  	_ =	shalt  }
0x4b: {  	_ =	shalt  }
0x4c: {  	_ =	shalt  }
0x4d: {  	_ =	shalt  }
0x4e: {  	_ =	shalt  }
0x4f: {  	_ =	shalt  }
0x50: {  	_ =	shalt  }
0x51: {  	_ =	shalt  }
0x52: {  	_ =	shalt  }
0x53: {  	_ =	shalt  }
0x54: {  	_ =	shalt  }
0x55: {  	_ =	shalt  }
0x56: {  	_ =	shalt  }
0x57: {  	_ =	shalt  }
0x58: {  	_ =	shalt  }
0x59: {  	_ =	shalt  }
0x5a: {  	_ =	shalt  }
0x5b: {  	_ =	shalt  }
0x5c: {  	_ =	shalt  }
0x5d: {  	_ =	shalt  }
0x5e: {  	_ =	shalt  }
0x5f: {  	_ =	shalt  }
0x60: {  	_ =	shalt  }
0x61: {  	_ =	shalt  }
0x62: {  	_ =	shalt  }
0x63: {  	_ =	shalt  }
0x64: {  	_ =	shalt  }
0x65: {  	_ =	shalt  }
0x66: {  	_ =	shalt  }
0x67: {  	_ =	shalt  }
0x68: {  	_ =	shalt  }
0x69: {  	_ =	shalt  }
0x6a: {  	_ =	shalt  }
0x6b: {  	_ =	shalt  }
0x6c: {  	_ =	shalt  }
0x6d: {  	_ =	shalt  }
0x6e: {  	_ =	shalt  }
0x6f: {  	_ =	shalt  }
0x70: {  	_ =	shalt  }
0x71: {  	_ =	shalt  }
0x72: {  	_ =	shalt  }
0x73: {  	_ =	shalt  }
0x74: {  	_ =	shalt  }
0x75: {  	_ =	shalt  }
0x76: {  	_ =	shalt  }
0x77: {  	_ =	shalt  }
0x78: {  	_ =	shalt  }
0x79: {  	_ =	shalt  }
0x7a: {  	_ =	shalt  }
0x7b: {  	_ =	shalt  }
0x7c: {  	_ =	shalt  }
0x7d: {  	_ =	shalt  }
0x7e: {  	_ =	shalt  }
0x7f: {  	_ =	shalt  }
0x80: {  	_ =	shalt  }
0x81: {  	_ =	shalt  }
0x82: {  	_ =	shalt  }
0x83: {  	_ =	shalt  }
0x84: {  	_ =	shalt  }
0x85: {  	_ =	shalt  }
0x86: {  	_ =	shalt  }
0x87: {  	_ =	shalt  }
.Lfunc_end0:
.L_simem_size_0:
called_computation_lowered:
.L_overlay_start_0:
0x88: {  	s2 =	sld [smem:$0x3FD9]  }
0x89: {  	s3 =	sld [smem:$0x3FFE];
	_ =	sdelay $0x1  }
0x8a: {  	s1 =	srdreg.scid  }
0x8b: {  	s0 =	sand.u32 $0x1, s1  }
0x8c: {  	s17 =	sshll.u32 s0, $0xA;
	s2 =	sadd.s32 s3, s2  }
0x8d: {  	s2 =	sadd.s32 s2, s17  }
0x8e: {  	[smem:$0x3FC2] =	sst s2  }
0x8f: {  	_ = 	snop  }
0x90: {  	s2 =	sld [smem:$0x3FC9]  }
0x91: {  	s18 =	sld [smem:$0x3FD0];
	(tm) =	ssettm $0x1  }
0x92: {  	s4 =	sld [smem:$0x3FFB];
	_ =	sdelay $0x3  }
0x93: {  	_ =	strace s4  }
0x94: {  	s4 =	sld [smem:$0x3FFC];
	_ =	sdelay $0x3  }
0x95: {  	_ =	strace s4  }
0x96: {  	s4 =	sld [smem:$0x3FFD];
	_ =	sdelay $0x3  }
0x97: {  	_ =	strace s4  }
0x98: {  	_ =	strace $0x8FFFFFFF  }
0x99: {  	s19 =	sld [smem:$0x3FDB];
	_ =	sdelay $0x1  }
0x9a: {  	s5 =	simm.s32 $_scs_section_size  }
0x9b: {  	s6 =	simm.s32 $_size__tile_overlayer_lowered;
	s7 =	simm.s32 $_tile_overlayer_lowered  }
0x9c: {  	s22 =	simm.s32 $0x1BFF;
	s21 =	sshll.u32 s7, $0x1;
	s4 =	sadd.s32 s5, s19  }
0x9d: {  	s8 =	simm.s32 $0x0;
	s20 =	sshll.u32 s6, $0x1;
	s6 =	sadd.s32 s21, s4  }
0x9e: {  	[timem:s8], [sflag:s22] =	dma.local [hbm:s6], s20  }
0x9f: {  	_ =	swait.ge [sflag:s22], s20  }
0xa0: {  	s5 =	ssub.s32 $0x0, s20;
	[sflag:s22] =	ssyncset.done $0x0  }
0xa1: {  	[sflag:s22] =	ssyncadd.s32 s5;
	_ =	sdelay $0x1  }
0xa2: {  	s23 =	simm.s32 $0x1B8B  }
0xa3: {  	_ =	swait.ge [sflag:s23], $0x1  }
0xa4: {  	[sflag:s23] =	ssyncset.done $0x0  }
0xa5: {  	s25 =	simm.s32 $0x1B8E;
	s24 =	sld [smem:$0x3FFE];
	[sflag:s23] =	ssyncadd.s32 $0xFFFFFFFF  }
0xa6: {  	s26 =	simm.s32 $execute0_lowered;
	[smem:$0x3FD2] =	sst s25  }
0xa7: {  	s6 =	sshll.u32 s26, $0x1;
	_ =	strace $0x80000046;
	[dreg:$0x1] =	wrdreg $0xFFFFFFFF  }
0xa8: {  	s28 =	simm.s32 $_size_execute0_lowered;
	s4 =	sadd.s32 s4, s6;
	[dreg:$0x0] =	wrdreg $0x0  }
0xa9: {  	s6 =	sshll.u32 s28, $0x1;
	[dreg:$0x2] =	wrdreg s4  }
0xaa: {  	[dreg:$0x3] =	wrdreg s6  }
0xab: {  	[dreg:$0x4] =	wrdreg $0xC0  }
0xac: {  	_ =	task [dreg:s8], $0x5FFFF  }
0xad: {  	[dreg:$0x1] =	wrdreg $0xFFFFFFFF  }
0xae: {  	[dreg:$0x0] =	wrdreg $0x60  }
0xaf: {  	[dreg:$0x2] =	wrdreg s24  }
0xb0: {  	[dreg:$0x3] =	wrdreg s2  }
0xb1: {  	[dreg:$0x4] =	wrdreg s18  }
0xb2: {  	[dreg:$0x5] =	wrdreg $0x90800  }
0xb3: {  	[dreg:$0x6] =	wrdreg $0x1C9000  }
0xb4: {  	[dreg:$0x7] =	wrdreg $0x9  }
0xb5: {  	_ =	task.clear_ibuf [dreg:s8], $0x8FFFF;
	_ =	strace $0x90000046  }
0xb6: {  	s29 =	simm.s32 $0x9;
	_ =	strace $0x80000048  }
0xb7: {  	_ =	swait.ge [sflag:s29], $0x1  }
0xb8: {  	[sflag:s29] =	ssyncadd.s32 $0xFFFFFFFF  }
0xb9: {  	_ =	strace $0x90000048  }
0xba: {  	_ =	sfence  }
0xbb: {  	s30 =	sld [smem:$0x0];
	_ =	sdelay $0x2  }
0xbc: {  	s31 =	sshll.u32 s1, $0xD;
	s1 =	sshrl.u32 s1, $0x2  }
0xbd: {  	s3 =	sand.u32 $0x4000, s31;
	s1 =	sadd.s32 s1, s30  }
0xbe: {  	s0 =	sor.u32 s3, s0;
	s1 =	sshll.u32 s1, $0x11  }
0xbf: {  	s0 =	sor.u32 s1, s0  }
0xc0: {  	s0 =	sadd.s32 $0x8F2B, s0  }
0xc1: {  	[sflag:s0] =	ssyncadd.remote.s32 $0x1  }
0xc2: {  	_ =	sfence.sel $0xFFFF  }
0xc3: {  	[dreg:$0x0] =	wrdreg $0xFFFFFFFF;
	(pc) =	sbr.abs _section_cstart, $3  }
0xc4: {  	[dreg:$0x1] =	wrdreg $0xFFFFFFFF  }
0xc5: {  	_ =	task.clear_ibuf [dreg:s8], $0x2FFFF;
	_ =	strace $0x9FFFFFFF  }
0xc6: {  	(tm) =	ssettm $0x7FFFFFFF  }
0xc7: {  	_ =	shalt  }
tec
execute0_lowered:
.L_overlay_start_1:
0x0: {  	(tag) =	ssettag $0x1  }
0x1: {  	s5 =	rddreg [dreg:$0x0]  }
0x2: {  	s1 =	rddreg [dreg:$0x1]  }
0x3: {  	s8 =	rddreg [dreg:$0x2]  }
0x4: {  	s3 =	rddreg [dreg:$0x3]  }
0x5: {  	s9 =	rddreg [dreg:$0x4]  }
0x6: {  	s0 =	srdreg.scid;
	s18 =	stileid.u32  }
0x7: {  	s4 =	simm.s32 $0x0;
	s16 =	simm.s32 $0x880;
	s26 =	simm.s32 $0x900  }
0x8: {  	s19 =	simm.s32 $0xD00;
	s30 =	simm.s32 $0x1;
	s29 =	simm.s32 $0x3  }
0x9: {  	s10 =	sand.u32 $0x1, s0;
	s22 =	smul.u32 $0x278, s18;
	[smem:$0x7FF] =	sst s4  }
0xa: {  	s31 =	sadd.s32 $0x35200, s5;
	s28 =	sadd.s32 $0x15200, s5;
	s7 =	sadd.s32 $0xB400, s5  }
0xb: {  	s17 =	smul.u32 $0x9C40, s18;
	_ =	strace $0x80000047;
	[dreg:$0x7] =	wrdreg s16  }
0xc: {  	s0 =	sadd.s32 $0x1600, s5;
	s2 =	smul.u32 $0x2710, s10;
	[dreg:$0x8] =	wrdreg s26  }
0xd: {  	s12 =	sshll.u32 s10, $0x4;
	s13 =	ssub.s32 $0x2, s10;
	[dreg:$0xb] =	wrdreg s19  }
0xe: {  	s26 =	simm.s32 $0xA80;
	s19 =	smul.u32 $0x2710, s18;
	[smem:$0x7F4] =	sst s7  }
0xf: {  	[smem:$0x7FD] =	sst s28;
	s11 =	smin.u32 s22, $0x2490;
	s12 =	sor.u32 s18, s12  }
0x10: {  	s14 =	sshrl.u32 s13, $0x1;
	s16 =	sshrl.u32 s17, $0x2;
	s17 =	simm.s32 $0xC80  }
0x11: {  	s22 =	simm.s32 $0xD80;
	[dreg:$0xe] =	wrdreg s26;
	s26 =	simm.s32 $0xF80  }
0x12: {  	s6 =	sadd.s32 s2, s11;
	s20 =	smul.u32 $0x2710, s12;
	s23 =	sshll.u32 s12, $0xF  }
0x13: {  	s12 =	sshll.u32 s12, $0xC;
	s15 =	sshll.u32 s11, $0x4;
	[dreg:$0xa] =	wrdreg s17  }
0x14: {  	[dreg:$0xc] =	wrdreg s22;
	s17 =	simm.s32 $0xB80;
	s22 =	simm.s32 $0xE00  }
0x15: {  	[dreg:$0x14] =	wrdreg s26;
	s2 =	sshll.u32 s6, $0x4;
	s6 =	sshrl.u32 s6, $0x3  }
0x16: {  	[dreg:$0x6] =	wrdreg s23;
	s24 =	sadd.s32 s28, s12;
	s25 =	sadd.s32 s31, s12  }
0x17: {  	s8 =	sadd.s32 s8, s15;
	s15 =	simm.s32 $0x980;
	[dreg:$0x10] =	wrdreg s17  }
0x18: {  	s23 =	sshll.u32 s10, $0x13;
	s10 =	smul.u32 $0x27100, s10;
	[dreg:$0x11] =	wrdreg s22  }
0x19: {  	s12 =	sor.u32 $0x80, s12;
	s2 =	sadd.s32 s2, s5;
	[dreg:$0x15] =	wrdreg s24  }
0x1a: {  	s5 =	sadd.s32 s6, s5;
	s6 =	ssub.s32 s13, s14;
	[dreg:$0x16] =	wrdreg s25  }
0x1b: {  	s13 =	sshrl.u32 s20, $0x3;
	s14 =	sshll.u32 s11, $0x7;
	[dreg:$0x18] =	wrdreg s8  }
0x1c: {  	[dreg:$0x9] =	wrdreg s15;
	s15 =	sadd.s32 s16, s9;
	s16 =	sadd.s32 s11, s9  }
0x1d: {  	s24 =	simm.s32 $0xA00;
	s25 =	sshll.u32 s18, $0xF;
	[smem:$0x7F1] =	sst s20  }
0x1e: {  	s11 =	sadd.s32 s31, s12;
	s21 =	sadd.s32 s7, s13;
	[dreg:$0x19] =	wrdreg s15  }
0x1f: {  	[dreg:$0xd] =	wrdreg s24;
	s9 =	sor.u32 s25, s23;
	s15 =	simm.s32 $0xB00  }
0x20: {  	s14 =	sadd.s32 s14, s3;
	s23 =	simm.s32 $0xE80;
	[dreg:$0x1e] =	wrdreg s11  }
0x21: {  	s10 =	sadd.s32 s19, s10;
	s24 =	simm.s32 $0xF00;
	[dreg:$0xf] =	wrdreg s15  }
0x22: {  	s25 =	sshll.u32 s18, $0x6;
	s17 =	sadd.s32 $0x4D8, s13;
	[dreg:$0x1b] =	wrdreg s14  }
0x23: {  	s18 =	sadd.s32 $0x26E8, s20;
	s2 =	sadd.s32 $0x55C00, s2;
	[dreg:$0x12] =	wrdreg s23  }
0x24: {  	s11 =	simm.s32 $0x400;
	s13 =	simm.s32 $0xC00;
	[dreg:$0x13] =	wrdreg s24  }
0x25: {  	s14 =	sor.u32 $0x1C0F, s25;
	s15 =	sadd.s32 s28, s12;
	s19 =	sshrl.u32 s18, $0x3  }
0x26: {  	s20 =	sadd.s32 s0, s17;
	s8 =	sadd.s32 s7, s17;
	[smem:$0x7F6] =	sst s2  }
0x27: {  	s22 =	sor.u32 $0x800, s9;
	s24 =	sadd.s32 $0x55200, s5;
	[dreg:$0x17] =	wrdreg s21  }
0x28: {  	s25 =	smax.u32 s6, $0x1;
	s5 =	sadd.s32 $0x280, s10;
	[dreg:$0x1d] =	wrdreg s15  }
0x29: {  	s6 =	smov.u32 s16;
	s9 =	simm.s32 $0x9;
	[dreg:$0x1f] =	wrdreg s20  }
0x2a: {  	s12 =	simm.s32 $0x800;
	s17 =	simm.s32 $0x28;
	[smem:$0x7F2] =	sst s8  }
0x2b: {  	s18 =	simm.s32 $0x1400;
	s16 =	simm.s32 $0x7;
	[smem:$0x7F7] =	sst s24  }
0x2c: {  	s2 =	simm.s32 $0x0;
	s0 =	sadd.s32 s0, s19;
	[smem:$0x7F8] =	sst s25  }
0x2d: {  	s23 =	sadd.s32 s7, s19;
	[smem:$0x7FB] =	sst s5;
	s8 =	simm.s32 $0x1100  }
0x2e: {  	s15 =	simm.s32 $0xF;
	s5 =	simm.s32 $0xA;
	[dreg:$0x1a] =	wrdreg s6  }
0x2f: {  	s7 =	simm.s32 $0xB;
	s20 =	simm.s32 $0x2800;
	[dreg:$0x1c] =	wrdreg s14  }
0x30: {  	s24 =	simm.s32 $0x5000;
	s25 =	simm.s32 $0x6400;
	[smem:$0x7F3] =	sst s0  }
0x31: {  	s19 =	simm.s32 $0x5;
	[smem:$0x7F5] =	sst s23;
	s0 =	sshrl.u32 s22, $0x3  }
0x32: {  	s22 =	simm.s32 $0x3C00;
	s23 =	simm.s32 $0x6;
	s26 =	sadd.s32 s0, s31  }
0x33: {  	s0 =	sadd.s32 s0, s28;
	s28 =	simm.s32 $0x9;
	[smem:$0x7F9] =	sst s26  }
0x34: {  	[smem:$0x7FA] =	sst s0;
	s26 =	sadd.s32 $0x28, s21;
	s0 =	simm.s32 $0x4  }
0x35: {  	v0 =	vimm.f32 $0.0e+00;
	v1 =	vimm.f32 $1.000000000e+00;
	vm0 =	vcmask $0x3F20;
	s21 =	simm.s32 $0x8;
	[smem:$0x7FC] =	sst s26;
	s26 =	simm.s32 $0x2  }
.LBB2_1:
0x36: {  	[smem:$0x7F0] =	sst s2  }
0x37: {  	s6 =	rddreg [dreg:$0x15]  }
0x38: {  	[tilespmem:s4], [sflag:$0x9] =	stream.linear.gather [hbm4b:s6+s4], $0x400, $0x38;
	[tilespmem:$0x1F010] =	vst v63  }
0x39: {  	s2 =	rddreg [dreg:$0x16]  }
0x3a: {  	[tilespmem:s11], [sflag:$0xA] =	stream.linear.gather [hbm4b:s2+s4], $0x400, $0x38;
	[tilespmem:$0x1F010] =	vst v63  }
0x3b: {  	s10 =	rddreg [dreg:$0x17]  }
0x3c: {  	[tilespmem:s8], [sflag:$0xB] =	stream.linear.gather [hbm4b:s10+s4], $0x140, $0x38;
	[tilespmem:$0x1F010] =	vst v63  }
0x3d: {  	s6 =	simm.s32 $0x40;
	s8 =	simm.s32 $0x0  }
.LBB2_2:
0x3e: {  	p0 =	sne.s32 s6, $0x9C00;
	[tilespmem:s8+$0x6400] =	vst v0;
	s8 =	smov.u32 s6;
	s6 =	sadd.s32 $0x40, s6  }
.Ltmp0:
0x3f: {  	(pc) =	sbr.rel @p0 .LBB2_2-.Ltmp0, $2  }
0x40: {  	_ =	sdelay $0x2  }
0x41: {  	s8 =	sshra.s32 s8, $0x2  }
0x42: {  	s6 =	rddreg [dreg:$0x1b]  }
0x43: {  	s2 =	rddreg [dreg:$0x18];
	s4 =	sshrl.u32 s6, $0x3  }
0x44: {  	[tilespmem:s8+$0x6400] =	vst v0;
	[smem:$0x7EF] =	sst s4  }
0x45: {  	[spmem:s4], [sflag:s14] =	dma.local [hbm:s2], $0x2800  }
0x46: {  	_ =	swait.ge [sflag:s15], $0x2800  }
0x47: {  	[sflag:s15] =	ssyncset.done $0x0  }
0x48: {  	[sflag:s15] =	ssyncadd.s32 $0xFFFFD800  }
0x49: {  	[bflag:$0x0] =	sbarrier.arrive $0xFFFF  }
0x4a: {  	_ =	swait.ge [sflag:s9], $0x400  }
0x4b: {  	[sflag:s9] =	ssyncset.done $0x0  }
0x4c: {  	[sflag:s9] =	ssyncadd.s32 $0xFFFFFC00  }
0x4d: {  	_ =	swait.ge [sflag:s5], $0x400  }
0x4e: {  	[sflag:s5] =	ssyncset.done $0x0  }
0x4f: {  	[sflag:s5] =	ssyncadd.s32 $0xFFFFFC00  }
0x50: {  	_ =	swait.ge [sflag:s7], $0x140  }
0x51: {  	[sflag:s7] =	ssyncset.done $0x0;
	s5 =	rddreg [dreg:$0x1d]  }
0x52: {  	s6 =	simm.s32 $0x0;
	s9 =	sld [smem:$0x7FC];
	[sflag:s7] =	ssyncadd.s32 $0xFFFFFEC0  }
0x53: {  	[tilespmem:s12], [sflag:$0xC] =	stream.linear.gather [hbm4b:s5+s6], $0x400, $0x38;
	[tilespmem:$0x1F010] =	vst v63  }
0x54: {  	s7 =	rddreg [dreg:$0x1e]  }
0x55: {  	[tilespmem:s13], [sflag:$0xD] =	stream.linear.gather [hbm4b:s7+s6], $0x400, $0x38;
	[tilespmem:$0x1F010] =	vst v63  }
0x56: {  	s10 =	simm.s32 $0x1280  }
0x57: {  	[tilespmem:s10], [sflag:$0xE] =	stream.linear.gather [hbm4b:s9+s6], $0x140, $0x38;
	[tilespmem:$0x1F010] =	vst v63  }
0x58: {  	_ = 	snop  }
0x59: {  	[tilespmem:s18], [sflag:$0x1] =	stream.indirect.gather [hbm4b:s1+s17], $0x80, s6, s17, $0xb8;
	[tilespmem:$0x1F010] =	vst v63  }
0x5a: {  	s12 =	simm.s32 $0x80  }
0x5b: {  	[tilespmem:s20], [sflag:$0x2] =	stream.indirect.gather [hbm4b:s1+s17], $0x80, s12, s17, $0xb8;
	[tilespmem:$0x1F010] =	vst v63  }
0x5c: {  	s13 =	simm.s32 $0x100  }
0x5d: {  	[tilespmem:s22], [sflag:$0x3] =	stream.indirect.gather [hbm4b:s1+s17], $0x80, s13, s17, $0xb8;
	[tilespmem:$0x1F010] =	vst v63  }
0x5e: {  	s14 =	simm.s32 $0x180  }
0x5f: {  	[tilespmem:s24], [sflag:$0x4] =	stream.indirect.gather [hbm4b:s1+s17], $0x80, s14, s17, $0xb8;
	[tilespmem:$0x1F010] =	vst v63  }
0x60: {  	v2 =	vld [tilespmem:$0x1100];
	_ =	sdelay $0x7  }
0x61: {  	[tilespmem:v2+s25+$0x0] =	vst.idx.add.f32.msk $0xffff, v1  }
0x62: {  	v2 =	vld [tilespmem:$0x1110];
	_ =	sdelay $0x7  }
0x63: {  	[tilespmem:v2+s25+$0x0] =	vst.idx.add.f32.msk $0xffff, v1  }
0x64: {  	v2 =	vld [tilespmem:$0x1120];
	_ =	sdelay $0x7  }
0x65: {  	[tilespmem:v2+s25+$0x0] =	vst.idx.add.f32.msk $0xffff, v1  }
0x66: {  	v2 =	vld [tilespmem:$0x1130];
	_ =	sdelay $0x7  }
0x67: {  	[tilespmem:v2+s25+$0x0] =	vst.idx.add.f32.msk $0xffff, v1  }
0x68: {  	v2 =	vld [tilespmem:$0x1140];
	_ =	sdelay $0x7  }
0x69: {  	[tilespmem:v2+s25+$0x0] =	vst.idx.add.f32.msk $0xffff, v1  }
0x6a: {  	v2 =	vld [tilespmem:$0x1150];
	_ =	sdelay $0x7  }
0x6b: {  	[tilespmem:v2+s25+$0x0] =	vst.idx.add.f32.msk $0xffff, v1  }
0x6c: {  	v2 =	vld [tilespmem:$0x1160];
	_ =	sdelay $0x7  }
0x6d: {  	[tilespmem:v2+s25+$0x0] =	vst.idx.add.f32.msk $0xffff, v1  }
0x6e: {  	v2 =	vld [tilespmem:$0x1170];
	_ =	sdelay $0x7  }
0x6f: {  	[tilespmem:v2+s25+$0x0] =	vst.idx.add.f32.msk $0xffff, v1  }
0x70: {  	v2 =	vld [tilespmem:$0x1180];
	_ =	sdelay $0x7  }
0x71: {  	[tilespmem:v2+s25+$0x0] =	vst.idx.add.f32.msk $0xffff, v1  }
0x72: {  	v2 =	vld [tilespmem:$0x1190];
	_ =	sdelay $0x7  }
0x73: {  	[tilespmem:v2+s25+$0x0] =	vst.idx.add.f32.msk $0xffff, v1  }
0x74: {  	v2 =	vld [tilespmem:$0x11A0];
	_ =	sdelay $0x7  }
0x75: {  	[tilespmem:v2+s25+$0x0] =	vst.idx.add.f32.msk $0xffff, v1  }
0x76: {  	v2 =	vld [tilespmem:$0x11B0];
	_ =	sdelay $0x7  }
0x77: {  	[tilespmem:v2+s25+$0x0] =	vst.idx.add.f32.msk $0xffff, v1  }
0x78: {  	v2 =	vld [tilespmem:$0x11C0];
	_ =	sdelay $0x7  }
0x79: {  	[tilespmem:v2+s25+$0x0] =	vst.idx.add.f32.msk $0xffff, v1  }
0x7a: {  	v2 =	vld [tilespmem:$0x11D0];
	_ =	sdelay $0x7  }
0x7b: {  	[tilespmem:v2+s25+$0x0] =	vst.idx.add.f32.msk $0xffff, v1  }
0x7c: {  	v2 =	vld [tilespmem:$0x11E0];
	_ =	sdelay $0x7  }
0x7d: {  	[tilespmem:v2+s25+$0x0] =	vst.idx.add.f32.msk $0xffff, v1  }
0x7e: {  	v2 =	vld [tilespmem:$0x11F0];
	_ =	sdelay $0x7  }
0x7f: {  	[tilespmem:v2+s25+$0x0] =	vst.idx.add.f32.msk $0xffff, v1  }
0x80: {  	v2 =	vld [tilespmem:$0x1200];
	_ =	sdelay $0x7  }
0x81: {  	[tilespmem:v2+s25+$0x0] =	vst.idx.add.f32.msk $0xffff, v1  }
0x82: {  	v2 =	vld [tilespmem:$0x1210];
	_ =	sdelay $0x7  }
0x83: {  	[tilespmem:v2+s25+$0x0] =	vst.idx.add.f32.msk $0xffff, v1  }
0x84: {  	v2 =	vld [tilespmem:$0x1220];
	_ =	sdelay $0x7  }
0x85: {  	[tilespmem:v2+s25+$0x0] =	vst.idx.add.f32.msk $0xffff, v1  }
0x86: {  	v2 =	vld [tilespmem:$0x1230];
	_ =	sdelay $0x7  }
0x87: {  	[tilespmem:v2+s25+$0x0] =	vst.idx.add.f32.msk $0xffff, v1  }
0x88: {  	_ =	swait.ge [sflag:s30], $0x1400  }
0x89: {  	[sflag:s30] =	ssyncset.done $0x0  }
0x8a: {  	[sflag:s30] =	ssyncadd.s32 $0xFFFFEC00  }
0x8b: {  	[spmem:s3] =	stream.indirect.scatter.add.f32 [tilespmem:s18], [sflag:$0x5], $0x80, s11, s17, $0xb8;
	[tilespmem:$0x1F010] =	vst v63  }
0x8c: {  	_ =	swait.ge [sflag:s26], $0x1400  }
0x8d: {  	[sflag:s26] =	ssyncset.done $0x0  }
0x8e: {  	s15 =	simm.s32 $0x480;
	[sflag:s26] =	ssyncadd.s32 $0xFFFFEC00  }
0x8f: {  	[spmem:s3] =	stream.indirect.scatter.add.f32 [tilespmem:s20], [sflag:$0x6], $0x80, s15, s17, $0xb8;
	[tilespmem:$0x1F010] =	vst v63  }
0x90: {  	_ =	swait.ge [sflag:s29], $0x1400  }
0x91: {  	[sflag:s29] =	ssyncset.done $0x0  }
0x92: {  	s2 =	simm.s32 $0x500;
	[sflag:s29] =	ssyncadd.s32 $0xFFFFEC00  }
0x93: {  	[spmem:s3] =	stream.indirect.scatter.add.f32 [tilespmem:s22], [sflag:$0x7], $0x80, s2, s17, $0xb8;
	[tilespmem:$0x1F010] =	vst v63  }
0x94: {  	_ =	swait.ge [sflag:s0], $0x1400  }
0x95: {  	[sflag:s0] =	ssyncset.done $0x0  }
0x96: {  	s5 =	simm.s32 $0x580;
	[sflag:s0] =	ssyncadd.s32 $0xFFFFEC00  }
0x97: {  	[spmem:s3] =	stream.indirect.scatter.add.f32 [tilespmem:s24], [sflag:$0x8], $0x80, s5, s17, $0xb8;
	[tilespmem:$0x1F010] =	vst v63  }
0x98: {  	_ =	swait.ge [sflag:s19], $0x1400  }
0x99: {  	[sflag:s19] =	ssyncset.done $0x0  }
0x9a: {  	s7 =	simm.s32 $0x200;
	[sflag:s19] =	ssyncadd.s32 $0xFFFFEC00  }
0x9b: {  	[tilespmem:s18], [sflag:$0x1] =	stream.indirect.gather [hbm4b:s1+s17], $0x80, s7, s17, $0xb8;
	[tilespmem:$0x1F010] =	vst v63  }
0x9c: {  	_ =	swait.ge [sflag:s23], $0x1400  }
0x9d: {  	[sflag:s23] =	ssyncset.done $0x0  }
0x9e: {  	s8 =	simm.s32 $0x280;
	[sflag:s23] =	ssyncadd.s32 $0xFFFFEC00  }
0x9f: {  	[tilespmem:s20], [sflag:$0x2] =	stream.indirect.gather [hbm4b:s1+s17], $0x80, s8, s17, $0xb8;
	[tilespmem:$0x1F010] =	vst v63  }
0xa0: {  	_ =	swait.ge [sflag:s16], $0x1400  }
0xa1: {  	[sflag:s16] =	ssyncset.done $0x0  }
0xa2: {  	s9 =	simm.s32 $0x300;
	[sflag:s16] =	ssyncadd.s32 $0xFFFFEC00  }
0xa3: {  	[tilespmem:s22], [sflag:$0x3] =	stream.indirect.gather [hbm4b:s1+s17], $0x80, s9, s17, $0xb8;
	[tilespmem:$0x1F010] =	vst v63  }
0xa4: {  	_ =	swait.ge [sflag:s21], $0x1400  }
0xa5: {  	[sflag:s21] =	ssyncset.done $0x0  }
0xa6: {  	s10 =	simm.s32 $0x380;
	[sflag:s21] =	ssyncadd.s32 $0xFFFFEC00  }
0xa7: {  	[tilespmem:s24], [sflag:$0x4] =	stream.indirect.gather [hbm4b:s1+s17], $0x80, s10, s17, $0xb8;
	[tilespmem:$0x1F010] =	vst v63  }
0xa8: {  	_ =	swait.ge [sflag:s30], $0x1400  }
0xa9: {  	[sflag:s30] =	ssyncset.done $0x0  }
0xaa: {  	s12 =	simm.s32 $0x600;
	[sflag:s30] =	ssyncadd.s32 $0xFFFFEC00  }
0xab: {  	[spmem:s3] =	stream.indirect.scatter.add.f32 [tilespmem:s18], [sflag:$0x5], $0x80, s12, s17, $0xb8;
	[tilespmem:$0x1F010] =	vst v63  }
0xac: {  	_ =	swait.ge [sflag:s26], $0x1400  }
0xad: {  	[sflag:s26] =	ssyncset.done $0x0  }
0xae: {  	s13 =	simm.s32 $0x680;
	[sflag:s26] =	ssyncadd.s32 $0xFFFFEC00  }
0xaf: {  	[spmem:s3] =	stream.indirect.scatter.add.f32 [tilespmem:s20], [sflag:$0x6], $0x80, s13, s17, $0xb8;
	[tilespmem:$0x1F010] =	vst v63  }
0xb0: {  	_ =	swait.ge [sflag:s29], $0x1400  }
0xb1: {  	[sflag:s29] =	ssyncset.done $0x0  }
0xb2: {  	s14 =	simm.s32 $0x700;
	[sflag:s29] =	ssyncadd.s32 $0xFFFFEC00  }
0xb3: {  	[spmem:s3] =	stream.indirect.scatter.add.f32 [tilespmem:s22], [sflag:$0x7], $0x80, s14, s17, $0xb8;
	[tilespmem:$0x1F010] =	vst v63  }
0xb4: {  	_ =	swait.ge [sflag:s0], $0x1400  }
0xb5: {  	s4 =	simm.s32 $0x0;
	s15 =	simm.s32 $0x780;
	s8 =	sld [smem:$0x7FB]  }
0xb6: {  	s5 =	simm.s32 $0xA;
	[sflag:s0] =	ssyncset.done $0x0;
	s14 =	sld [smem:$0x7FA]  }
0xb7: {  	s7 =	simm.s32 $0xB;
	s13 =	sld [smem:$0x7F9];
	[sflag:s0] =	ssyncadd.s32 $0xFFFFEC00  }
0xb8: {  	[spmem:s3] =	stream.indirect.scatter.add.f32 [tilespmem:s24], [sflag:$0x8], $0x80, s15, s17, $0xb8;
	[tilespmem:$0x1F010] =	vst v63  }
.LBB2_4:
0xb9: {  	s2 =	simm.s32 $0xC  }
0xba: {  	_ =	swait.ge [sflag:s2], $0x400  }
0xbb: {  	[sflag:s2] =	ssyncset.done $0x0  }
0xbc: {  	s9 =	simm.s32 $0xD;
	[sflag:s2] =	ssyncadd.s32 $0xFFFFFC00  }
0xbd: {  	_ =	swait.ge [sflag:s9], $0x400  }
0xbe: {  	[sflag:s9] =	ssyncset.done $0x0  }
0xbf: {  	s2 =	simm.s32 $0xE;
	[sflag:s9] =	ssyncadd.s32 $0xFFFFFC00  }
0xc0: {  	_ =	swait.ge [sflag:s2], $0x140  }
0xc1: {  	[sflag:s2] =	ssyncset.done $0x0  }
0xc2: {  	[sflag:s2] =	ssyncadd.s32 $0xFFFFFEC0  }
0xc3: {  	_ =	swait.ge [sflag:s19], $0x1400  }
0xc4: {  	[sflag:s19] =	ssyncset.done $0x0  }
0xc5: {  	[sflag:s19] =	ssyncadd.s32 $0xFFFFEC00  }
0xc6: {  	_ =	swait.ge [sflag:s23], $0x1400  }
0xc7: {  	[sflag:s23] =	ssyncset.done $0x0  }
0xc8: {  	[sflag:s23] =	ssyncadd.s32 $0xFFFFEC00  }
0xc9: {  	_ =	swait.ge [sflag:s16], $0x1400  }
0xca: {  	[sflag:s16] =	ssyncset.done $0x0  }
0xcb: {  	[sflag:s16] =	ssyncadd.s32 $0xFFFFEC00  }
0xcc: {  	_ =	swait.ge [sflag:s21], $0x1400  }
0xcd: {  	[sflag:s21] =	ssyncset.done $0x0  }
0xce: {  	s12 =	sld [smem:$0x7F4];
	[sflag:s21] =	ssyncadd.s32 $0xFFFFEC00  }
0xcf: {  	[tilespmem:s4], [sflag:$0x9] =	stream.linear.gather [hbm4b:s14+s4], $0x400, $0x38;
	[tilespmem:$0x1F010] =	vst v63  }
0xd0: {  	s10 =	sshrl.u32 s8, $0x3  }
0xd1: {  	[tilespmem:s11], [sflag:$0xA] =	stream.linear.gather [hbm4b:s13+s4], $0x400, $0x38;
	[tilespmem:$0x1F010] =	vst v63  }
0xd2: {  	s15 =	simm.s32 $0x1100;
	s11 =	sadd.s32 s12, s10  }
0xd3: {  	[tilespmem:s15], [sflag:$0xB] =	stream.linear.gather [hbm4b:s11+s4], $0x140, $0x38;
	[tilespmem:$0x1F010] =	vst v63  }
0xd4: {  	s15 =	simm.s32 $0x800  }
0xd5: {  	[tilespmem:s18], [sflag:$0x1] =	stream.indirect.gather [hbm4b:s1+s17], $0x80, s15, s17, $0xb8;
	[tilespmem:$0x1F010] =	vst v63  }
0xd6: {  	s9 =	rddreg [dreg:$0x7]  }
0xd7: {  	[tilespmem:s20], [sflag:$0x2] =	stream.indirect.gather [hbm4b:s1+s17], $0x80, s9, s17, $0xb8;
	[tilespmem:$0x1F010] =	vst v63  }
0xd8: {  	s10 =	smov.u32 s31;
	s31 =	rddreg [dreg:$0x8]  }
0xd9: {  	[tilespmem:s22], [sflag:$0x3] =	stream.indirect.gather [hbm4b:s1+s17], $0x80, s31, s17, $0xb8;
	[tilespmem:$0x1F010] =	vst v63  }
0xda: {  	s2 =	rddreg [dreg:$0x9]  }
0xdb: {  	[tilespmem:s24], [sflag:$0x4] =	stream.indirect.gather [hbm4b:s1+s17], $0x80, s2, s17, $0xb8;
	[tilespmem:$0x1F010] =	vst v63  }
0xdc: {  	v2 =	vld [tilespmem:$0x1280];
	_ =	sdelay $0x7  }
0xdd: {  	[tilespmem:v2+s25+$0x0] =	vst.idx.add.f32.msk $0xffff, v1  }
0xde: {  	v2 =	vld [tilespmem:$0x1290];
	_ =	sdelay $0x7  }
0xdf: {  	[tilespmem:v2+s25+$0x0] =	vst.idx.add.f32.msk $0xffff, v1  }
0xe0: {  	v2 =	vld [tilespmem:$0x12A0];
	_ =	sdelay $0x7  }
0xe1: {  	[tilespmem:v2+s25+$0x0] =	vst.idx.add.f32.msk $0xffff, v1  }
0xe2: {  	v2 =	vld [tilespmem:$0x12B0];
	_ =	sdelay $0x7  }
0xe3: {  	[tilespmem:v2+s25+$0x0] =	vst.idx.add.f32.msk $0xffff, v1  }
0xe4: {  	v2 =	vld [tilespmem:$0x12C0];
	_ =	sdelay $0x7  }
0xe5: {  	[tilespmem:v2+s25+$0x0] =	vst.idx.add.f32.msk $0xffff, v1  }
0xe6: {  	v2 =	vld [tilespmem:$0x12D0];
	_ =	sdelay $0x7  }
0xe7: {  	[tilespmem:v2+s25+$0x0] =	vst.idx.add.f32.msk $0xffff, v1  }
0xe8: {  	v2 =	vld [tilespmem:$0x12E0];
	_ =	sdelay $0x7  }
0xe9: {  	[tilespmem:v2+s25+$0x0] =	vst.idx.add.f32.msk $0xffff, v1  }
0xea: {  	v2 =	vld [tilespmem:$0x12F0];
	_ =	sdelay $0x7  }
0xeb: {  	[tilespmem:v2+s25+$0x0] =	vst.idx.add.f32.msk $0xffff, v1  }
0xec: {  	v2 =	vld [tilespmem:$0x1300];
	_ =	sdelay $0x7  }
0xed: {  	[tilespmem:v2+s25+$0x0] =	vst.idx.add.f32.msk $0xffff, v1  }
0xee: {  	v2 =	vld [tilespmem:$0x1310];
	_ =	sdelay $0x7  }
0xef: {  	[tilespmem:v2+s25+$0x0] =	vst.idx.add.f32.msk $0xffff, v1  }
0xf0: {  	v2 =	vld [tilespmem:$0x1320];
	_ =	sdelay $0x7  }
0xf1: {  	[tilespmem:v2+s25+$0x0] =	vst.idx.add.f32.msk $0xffff, v1  }
0xf2: {  	v2 =	vld [tilespmem:$0x1330];
	_ =	sdelay $0x7  }
0xf3: {  	[tilespmem:v2+s25+$0x0] =	vst.idx.add.f32.msk $0xffff, v1  }
0xf4: {  	v2 =	vld [tilespmem:$0x1340];
	_ =	sdelay $0x7  }
0xf5: {  	[tilespmem:v2+s25+$0x0] =	vst.idx.add.f32.msk $0xffff, v1  }
0xf6: {  	v2 =	vld [tilespmem:$0x1350];
	_ =	sdelay $0x7  }
0xf7: {  	[tilespmem:v2+s25+$0x0] =	vst.idx.add.f32.msk $0xffff, v1  }
0xf8: {  	v2 =	vld [tilespmem:$0x1360];
	_ =	sdelay $0x7  }
0xf9: {  	[tilespmem:v2+s25+$0x0] =	vst.idx.add.f32.msk $0xffff, v1  }
0xfa: {  	v2 =	vld [tilespmem:$0x1370];
	_ =	sdelay $0x7  }
0xfb: {  	[tilespmem:v2+s25+$0x0] =	vst.idx.add.f32.msk $0xffff, v1  }
0xfc: {  	v2 =	vld [tilespmem:$0x1380];
	_ =	sdelay $0x7  }
0xfd: {  	[tilespmem:v2+s25+$0x0] =	vst.idx.add.f32.msk $0xffff, v1  }
0xfe: {  	v2 =	vld [tilespmem:$0x1390];
	_ =	sdelay $0x7  }
0xff: {  	[tilespmem:v2+s25+$0x0] =	vst.idx.add.f32.msk $0xffff, v1  }
0x100: {  	v2 =	vld [tilespmem:$0x13A0];
	_ =	sdelay $0x7  }
0x101: {  	[tilespmem:v2+s25+$0x0] =	vst.idx.add.f32.msk $0xffff, v1  }
0x102: {  	v2 =	vld [tilespmem:$0x13B0];
	_ =	sdelay $0x7  }
0x103: {  	[tilespmem:v2+s25+$0x0] =	vst.idx.add.f32.msk $0xffff, v1  }
0x104: {  	_ =	swait.ge [sflag:s30], $0x1400  }
0x105: {  	[sflag:s30] =	ssyncset.done $0x0  }
0x106: {  	s2 =	simm.s32 $0xC00;
	[sflag:s30] =	ssyncadd.s32 $0xFFFFEC00  }
0x107: {  	[spmem:s3] =	stream.indirect.scatter.add.f32 [tilespmem:s18], [sflag:$0x5], $0x80, s2, s17, $0xb8;
	[tilespmem:$0x1F010] =	vst v63  }
0x108: {  	_ =	swait.ge [sflag:s26], $0x1400  }
0x109: {  	[sflag:s26] =	ssyncset.done $0x0  }
0x10a: {  	s9 =	rddreg [dreg:$0xa];
	[sflag:s26] =	ssyncadd.s32 $0xFFFFEC00  }
0x10b: {  	[spmem:s3] =	stream.indirect.scatter.add.f32 [tilespmem:s20], [sflag:$0x6], $0x80, s9, s17, $0xb8;
	[tilespmem:$0x1F010] =	vst v63  }
0x10c: {  	_ =	swait.ge [sflag:s29], $0x1400  }
0x10d: {  	[sflag:s29] =	ssyncset.done $0x0  }
0x10e: {  	s9 =	rddreg [dreg:$0xb];
	[sflag:s29] =	ssyncadd.s32 $0xFFFFEC00  }
0x10f: {  	[spmem:s3] =	stream.indirect.scatter.add.f32 [tilespmem:s22], [sflag:$0x7], $0x80, s9, s17, $0xb8;
	[tilespmem:$0x1F010] =	vst v63  }
0x110: {  	_ =	swait.ge [sflag:s0], $0x1400  }
0x111: {  	[sflag:s0] =	ssyncset.done $0x0  }
0x112: {  	s9 =	rddreg [dreg:$0xc];
	[sflag:s0] =	ssyncadd.s32 $0xFFFFEC00  }
0x113: {  	[spmem:s3] =	stream.indirect.scatter.add.f32 [tilespmem:s24], [sflag:$0x8], $0x80, s9, s17, $0xb8;
	[tilespmem:$0x1F010] =	vst v63  }
0x114: {  	_ =	swait.ge [sflag:s19], $0x1400  }
0x115: {  	[sflag:s19] =	ssyncset.done $0x0  }
0x116: {  	s9 =	rddreg [dreg:$0xd];
	[sflag:s19] =	ssyncadd.s32 $0xFFFFEC00  }
0x117: {  	[tilespmem:s18], [sflag:$0x1] =	stream.indirect.gather [hbm4b:s1+s17], $0x80, s9, s17, $0xb8;
	[tilespmem:$0x1F010] =	vst v63  }
0x118: {  	_ =	swait.ge [sflag:s23], $0x1400  }
0x119: {  	[sflag:s23] =	ssyncset.done $0x0  }
0x11a: {  	s9 =	rddreg [dreg:$0xe];
	[sflag:s23] =	ssyncadd.s32 $0xFFFFEC00  }
0x11b: {  	[tilespmem:s20], [sflag:$0x2] =	stream.indirect.gather [hbm4b:s1+s17], $0x80, s9, s17, $0xb8;
	[tilespmem:$0x1F010] =	vst v63  }
0x11c: {  	_ =	swait.ge [sflag:s16], $0x1400  }
0x11d: {  	[sflag:s16] =	ssyncset.done $0x0  }
0x11e: {  	s9 =	rddreg [dreg:$0xf];
	[sflag:s16] =	ssyncadd.s32 $0xFFFFEC00  }
0x11f: {  	[tilespmem:s22], [sflag:$0x3] =	stream.indirect.gather [hbm4b:s1+s17], $0x80, s9, s17, $0xb8;
	[tilespmem:$0x1F010] =	vst v63  }
0x120: {  	_ =	swait.ge [sflag:s21], $0x1400  }
0x121: {  	[sflag:s21] =	ssyncset.done $0x0  }
0x122: {  	s9 =	rddreg [dreg:$0x10];
	[sflag:s21] =	ssyncadd.s32 $0xFFFFEC00  }
0x123: {  	[tilespmem:s24], [sflag:$0x4] =	stream.indirect.gather [hbm4b:s1+s17], $0x80, s9, s17, $0xb8;
	[tilespmem:$0x1F010] =	vst v63  }
0x124: {  	_ =	swait.ge [sflag:s30], $0x1400  }
0x125: {  	[sflag:s30] =	ssyncset.done $0x0  }
0x126: {  	s9 =	rddreg [dreg:$0x11];
	[sflag:s30] =	ssyncadd.s32 $0xFFFFEC00  }
0x127: {  	[spmem:s3] =	stream.indirect.scatter.add.f32 [tilespmem:s18], [sflag:$0x5], $0x80, s9, s17, $0xb8;
	[tilespmem:$0x1F010] =	vst v63  }
0x128: {  	_ =	swait.ge [sflag:s26], $0x1400  }
0x129: {  	[sflag:s26] =	ssyncset.done $0x0  }
0x12a: {  	s9 =	rddreg [dreg:$0x12];
	[sflag:s26] =	ssyncadd.s32 $0xFFFFEC00  }
0x12b: {  	[spmem:s3] =	stream.indirect.scatter.add.f32 [tilespmem:s20], [sflag:$0x6], $0x80, s9, s17, $0xb8;
	[tilespmem:$0x1F010] =	vst v63  }
0x12c: {  	_ =	swait.ge [sflag:s29], $0x1400  }
0x12d: {  	[sflag:s29] =	ssyncset.done $0x0  }
0x12e: {  	s9 =	rddreg [dreg:$0x13];
	[sflag:s29] =	ssyncadd.s32 $0xFFFFEC00  }
0x12f: {  	[spmem:s3] =	stream.indirect.scatter.add.f32 [tilespmem:s22], [sflag:$0x7], $0x80, s9, s17, $0xb8;
	[tilespmem:$0x1F010] =	vst v63  }
0x130: {  	_ =	swait.ge [sflag:s0], $0x1400  }
0x131: {  	[sflag:s0] =	ssyncset.done $0x0  }
0x132: {  	s9 =	rddreg [dreg:$0x14];
	[sflag:s0] =	ssyncadd.s32 $0xFFFFEC00  }
0x133: {  	[spmem:s3] =	stream.indirect.scatter.add.f32 [tilespmem:s24], [sflag:$0x8], $0x80, s9, s17, $0xb8;
	[tilespmem:$0x1F010] =	vst v63  }
0x134: {  	_ =	swait.ge [sflag:s28], $0x400  }
0x135: {  	[sflag:s28] =	ssyncset.done $0x0  }
0x136: {  	[sflag:s28] =	ssyncadd.s32 $0xFFFFFC00  }
0x137: {  	_ =	swait.ge [sflag:s5], $0x400  }
0x138: {  	[sflag:s5] =	ssyncset.done $0x0  }
0x139: {  	[sflag:s5] =	ssyncadd.s32 $0xFFFFFC00  }
0x13a: {  	_ =	swait.ge [sflag:s7], $0x140  }
0x13b: {  	[sflag:s7] =	ssyncset.done $0x0  }
0x13c: {  	[sflag:s7] =	ssyncadd.s32 $0xFFFFFEC0  }
0x13d: {  	_ =	swait.ge [sflag:s19], $0x1400  }
0x13e: {  	[sflag:s19] =	ssyncset.done $0x0  }
0x13f: {  	[sflag:s19] =	ssyncadd.s32 $0xFFFFEC00  }
0x140: {  	_ =	swait.ge [sflag:s23], $0x1400  }
0x141: {  	[sflag:s23] =	ssyncset.done $0x0  }
0x142: {  	[sflag:s23] =	ssyncadd.s32 $0xFFFFEC00  }
0x143: {  	_ =	swait.ge [sflag:s16], $0x1400  }
0x144: {  	[sflag:s16] =	ssyncset.done $0x0  }
0x145: {  	s9 =	smin.u32 s6, $0x1B;
	[sflag:s16] =	ssyncadd.s32 $0xFFFFEC00  }
0x146: {  	s11 =	sadd.s32 $0x3, s9;
	_ =	swait.ge [sflag:s21], $0x1400  }
0x147: {  	s9 =	sshll.u32 s11, $0xA;
	s31 =	rddreg [dreg:$0x6]  }
0x148: {  	s9 =	sadd.s32 s31, s9;
	s31 =	sld [smem:$0x7FD];
	_ =	sdelay $0x1  }
0x149: {  	[sflag:s21] =	ssyncset.done $0x0;
	s9 =	sshrl.u32 s9, $0x3  }
0x14a: {  	[sflag:s21] =	ssyncadd.s32 $0xFFFFEC00;
	s31 =	sadd.s32 s31, s9  }
0x14b: {  	[tilespmem:s15], [sflag:$0xC] =	stream.linear.gather [hbm4b:s31+s4], $0x400, $0x38;
	[tilespmem:$0x1F010] =	vst v63  }
0x14c: {  	s15 =	sld [smem:$0x7F1]  }
0x14d: {  	s11 =	smul.u32 $0x140, s11;
	s9 =	sadd.s32 s10, s9  }
0x14e: {  	[tilespmem:s2], [sflag:$0xD] =	stream.linear.gather [hbm4b:s9+s4], $0x400, $0x38;
	[tilespmem:$0x1F010] =	vst v63  }
0x14f: {  	s9 =	sadd.s32 s15, s11  }
0x150: {  	s9 =	sshrl.u32 s9, $0x3  }
0x151: {  	s2 =	simm.s32 $0x1280;
	s9 =	sadd.s32 s12, s9  }
0x152: {  	[tilespmem:s2], [sflag:$0xE] =	stream.linear.gather [hbm4b:s9+s4], $0x140, $0x38;
	[tilespmem:$0x1F010] =	vst v63  }
0x153: {  	_ = 	snop  }
0x154: {  	[tilespmem:s18], [sflag:$0x1] =	stream.indirect.gather [hbm4b:s1+s17], $0x80, s4, s17, $0xb8;
	[tilespmem:$0x1F010] =	vst v63  }
0x155: {  	s12 =	simm.s32 $0x80  }
0x156: {  	[tilespmem:s20], [sflag:$0x2] =	stream.indirect.gather [hbm4b:s1+s17], $0x80, s12, s17, $0xb8;
	[tilespmem:$0x1F010] =	vst v63  }
0x157: {  	s15 =	simm.s32 $0x100  }
0x158: {  	[tilespmem:s22], [sflag:$0x3] =	stream.indirect.gather [hbm4b:s1+s17], $0x80, s15, s17, $0xb8;
	[tilespmem:$0x1F010] =	vst v63  }
0x159: {  	s2 =	simm.s32 $0x180  }
0x15a: {  	[tilespmem:s24], [sflag:$0x4] =	stream.indirect.gather [hbm4b:s1+s17], $0x80, s2, s17, $0xb8;
	[tilespmem:$0x1F010] =	vst v63  }
0x15b: {  	v2 =	vld [tilespmem:$0x1100];
	_ =	sdelay $0x7  }
0x15c: {  	[tilespmem:v2+s25+$0x0] =	vst.idx.add.f32.msk $0xffff, v1  }
0x15d: {  	v2 =	vld [tilespmem:$0x1110];
	_ =	sdelay $0x7  }
0x15e: {  	[tilespmem:v2+s25+$0x0] =	vst.idx.add.f32.msk $0xffff, v1  }
0x15f: {  	v2 =	vld [tilespmem:$0x1120];
	_ =	sdelay $0x7  }
0x160: {  	[tilespmem:v2+s25+$0x0] =	vst.idx.add.f32.msk $0xffff, v1  }
0x161: {  	v2 =	vld [tilespmem:$0x1130];
	_ =	sdelay $0x7  }
0x162: {  	[tilespmem:v2+s25+$0x0] =	vst.idx.add.f32.msk $0xffff, v1  }
0x163: {  	v2 =	vld [tilespmem:$0x1140];
	_ =	sdelay $0x7  }
0x164: {  	[tilespmem:v2+s25+$0x0] =	vst.idx.add.f32.msk $0xffff, v1  }
0x165: {  	v2 =	vld [tilespmem:$0x1150];
	_ =	sdelay $0x7  }
0x166: {  	[tilespmem:v2+s25+$0x0] =	vst.idx.add.f32.msk $0xffff, v1  }
0x167: {  	v2 =	vld [tilespmem:$0x1160];
	_ =	sdelay $0x7  }
0x168: {  	[tilespmem:v2+s25+$0x0] =	vst.idx.add.f32.msk $0xffff, v1  }
0x169: {  	v2 =	vld [tilespmem:$0x1170];
	_ =	sdelay $0x7  }
0x16a: {  	[tilespmem:v2+s25+$0x0] =	vst.idx.add.f32.msk $0xffff, v1  }
0x16b: {  	v2 =	vld [tilespmem:$0x1180];
	_ =	sdelay $0x7  }
0x16c: {  	[tilespmem:v2+s25+$0x0] =	vst.idx.add.f32.msk $0xffff, v1  }
0x16d: {  	v2 =	vld [tilespmem:$0x1190];
	_ =	sdelay $0x7  }
0x16e: {  	[tilespmem:v2+s25+$0x0] =	vst.idx.add.f32.msk $0xffff, v1  }
0x16f: {  	v2 =	vld [tilespmem:$0x11A0];
	_ =	sdelay $0x7  }
0x170: {  	[tilespmem:v2+s25+$0x0] =	vst.idx.add.f32.msk $0xffff, v1  }
0x171: {  	v2 =	vld [tilespmem:$0x11B0];
	_ =	sdelay $0x7  }
0x172: {  	[tilespmem:v2+s25+$0x0] =	vst.idx.add.f32.msk $0xffff, v1  }
0x173: {  	v2 =	vld [tilespmem:$0x11C0];
	_ =	sdelay $0x7  }
0x174: {  	[tilespmem:v2+s25+$0x0] =	vst.idx.add.f32.msk $0xffff, v1  }
0x175: {  	v2 =	vld [tilespmem:$0x11D0];
	_ =	sdelay $0x7  }
0x176: {  	[tilespmem:v2+s25+$0x0] =	vst.idx.add.f32.msk $0xffff, v1  }
0x177: {  	v2 =	vld [tilespmem:$0x11E0];
	_ =	sdelay $0x7  }
0x178: {  	[tilespmem:v2+s25+$0x0] =	vst.idx.add.f32.msk $0xffff, v1  }
0x179: {  	v2 =	vld [tilespmem:$0x11F0];
	_ =	sdelay $0x7  }
0x17a: {  	[tilespmem:v2+s25+$0x0] =	vst.idx.add.f32.msk $0xffff, v1  }
0x17b: {  	v2 =	vld [tilespmem:$0x1200];
	_ =	sdelay $0x7  }
0x17c: {  	[tilespmem:v2+s25+$0x0] =	vst.idx.add.f32.msk $0xffff, v1  }
0x17d: {  	v2 =	vld [tilespmem:$0x1210];
	_ =	sdelay $0x7  }
0x17e: {  	[tilespmem:v2+s25+$0x0] =	vst.idx.add.f32.msk $0xffff, v1  }
0x17f: {  	v2 =	vld [tilespmem:$0x1220];
	_ =	sdelay $0x7  }
0x180: {  	[tilespmem:v2+s25+$0x0] =	vst.idx.add.f32.msk $0xffff, v1  }
0x181: {  	v2 =	vld [tilespmem:$0x1230];
	_ =	sdelay $0x7  }
0x182: {  	[tilespmem:v2+s25+$0x0] =	vst.idx.add.f32.msk $0xffff, v1  }
0x183: {  	_ =	swait.ge [sflag:s30], $0x1400  }
0x184: {  	[sflag:s30] =	ssyncset.done $0x0  }
0x185: {  	s11 =	simm.s32 $0x400;
	[sflag:s30] =	ssyncadd.s32 $0xFFFFEC00  }
0x186: {  	[spmem:s3] =	stream.indirect.scatter.add.f32 [tilespmem:s18], [sflag:$0x5], $0x80, s11, s17, $0xb8;
	[tilespmem:$0x1F010] =	vst v63  }
0x187: {  	_ =	swait.ge [sflag:s26], $0x1400  }
0x188: {  	[sflag:s26] =	ssyncset.done $0x0  }
0x189: {  	s31 =	smov.u32 s10;
	s10 =	simm.s32 $0x480;
	[sflag:s26] =	ssyncadd.s32 $0xFFFFEC00  }
0x18a: {  	[spmem:s3] =	stream.indirect.scatter.add.f32 [tilespmem:s20], [sflag:$0x6], $0x80, s10, s17, $0xb8;
	[tilespmem:$0x1F010] =	vst v63  }
0x18b: {  	_ =	swait.ge [sflag:s29], $0x1400  }
0x18c: {  	[sflag:s29] =	ssyncset.done $0x0  }
0x18d: {  	s12 =	simm.s32 $0x500;
	[sflag:s29] =	ssyncadd.s32 $0xFFFFEC00  }
0x18e: {  	[spmem:s3] =	stream.indirect.scatter.add.f32 [tilespmem:s22], [sflag:$0x7], $0x80, s12, s17, $0xb8;
	[tilespmem:$0x1F010] =	vst v63  }
0x18f: {  	_ =	swait.ge [sflag:s0], $0x1400  }
0x190: {  	[sflag:s0] =	ssyncset.done $0x0  }
0x191: {  	s15 =	simm.s32 $0x580;
	[sflag:s0] =	ssyncadd.s32 $0xFFFFEC00  }
0x192: {  	[spmem:s3] =	stream.indirect.scatter.add.f32 [tilespmem:s24], [sflag:$0x8], $0x80, s15, s17, $0xb8;
	[tilespmem:$0x1F010] =	vst v63  }
0x193: {  	_ =	swait.ge [sflag:s19], $0x1400  }
0x194: {  	[sflag:s19] =	ssyncset.done $0x0  }
0x195: {  	s2 =	simm.s32 $0x200;
	[sflag:s19] =	ssyncadd.s32 $0xFFFFEC00  }
0x196: {  	[tilespmem:s18], [sflag:$0x1] =	stream.indirect.gather [hbm4b:s1+s17], $0x80, s2, s17, $0xb8;
	[tilespmem:$0x1F010] =	vst v63  }
0x197: {  	_ =	swait.ge [sflag:s23], $0x1400  }
0x198: {  	[sflag:s23] =	ssyncset.done $0x0  }
0x199: {  	s10 =	simm.s32 $0x280;
	[sflag:s23] =	ssyncadd.s32 $0xFFFFEC00  }
0x19a: {  	[tilespmem:s20], [sflag:$0x2] =	stream.indirect.gather [hbm4b:s1+s17], $0x80, s10, s17, $0xb8;
	[tilespmem:$0x1F010] =	vst v63  }
0x19b: {  	_ =	swait.ge [sflag:s16], $0x1400  }
0x19c: {  	[sflag:s16] =	ssyncset.done $0x0  }
0x19d: {  	s12 =	simm.s32 $0x300;
	[sflag:s16] =	ssyncadd.s32 $0xFFFFEC00  }
0x19e: {  	[tilespmem:s22], [sflag:$0x3] =	stream.indirect.gather [hbm4b:s1+s17], $0x80, s12, s17, $0xb8;
	[tilespmem:$0x1F010] =	vst v63  }
0x19f: {  	_ =	swait.ge [sflag:s21], $0x1400  }
0x1a0: {  	[sflag:s21] =	ssyncset.done $0x0  }
0x1a1: {  	s15 =	simm.s32 $0x380;
	[sflag:s21] =	ssyncadd.s32 $0xFFFFEC00  }
0x1a2: {  	[tilespmem:s24], [sflag:$0x4] =	stream.indirect.gather [hbm4b:s1+s17], $0x80, s15, s17, $0xb8;
	[tilespmem:$0x1F010] =	vst v63  }
0x1a3: {  	_ =	swait.ge [sflag:s30], $0x1400  }
0x1a4: {  	[sflag:s30] =	ssyncset.done $0x0  }
0x1a5: {  	s2 =	simm.s32 $0x600;
	[sflag:s30] =	ssyncadd.s32 $0xFFFFEC00  }
0x1a6: {  	[spmem:s3] =	stream.indirect.scatter.add.f32 [tilespmem:s18], [sflag:$0x5], $0x80, s2, s17, $0xb8;
	[tilespmem:$0x1F010] =	vst v63  }
0x1a7: {  	_ =	swait.ge [sflag:s26], $0x1400  }
0x1a8: {  	[sflag:s26] =	ssyncset.done $0x0  }
0x1a9: {  	s10 =	simm.s32 $0x680;
	[sflag:s26] =	ssyncadd.s32 $0xFFFFEC00  }
0x1aa: {  	[spmem:s3] =	stream.indirect.scatter.add.f32 [tilespmem:s20], [sflag:$0x6], $0x80, s10, s17, $0xb8;
	[tilespmem:$0x1F010] =	vst v63  }
0x1ab: {  	_ =	swait.ge [sflag:s29], $0x1400  }
0x1ac: {  	[sflag:s29] =	ssyncset.done $0x0  }
0x1ad: {  	p0 =	sne.s32 s6, $0x1C;
	s12 =	simm.s32 $0x700;
	[sflag:s29] =	ssyncadd.s32 $0xFFFFEC00  }
0x1ae: {  	[spmem:s3] =	stream.indirect.scatter.add.f32 [tilespmem:s22], [sflag:$0x7], $0x80, s12, s17, $0xb8;
	[tilespmem:$0x1F010] =	vst v63  }
.Ltmp1:
0x1af: {  	_ = 	snop;
	(pc) =	sbr.rel @p0 .LBB2_4-.Ltmp1, $4  }
0x1b0: {  	s8 =	sadd.s32 $0x280, s8;
	_ =	swait.ge [sflag:s0], $0x1400  }
0x1b1: {  	s14 =	sadd.s32 $0x100, s14;
	s13 =	sadd.s32 $0x100, s13;
	[sflag:s0] =	ssyncset.done $0x0  }
0x1b2: {  	s6 =	sadd.s32 $0x2, s6;
	s15 =	simm.s32 $0x780;
	[sflag:s0] =	ssyncadd.s32 $0xFFFFEC00  }
0x1b3: {  	[spmem:s3] =	stream.indirect.scatter.add.f32 [tilespmem:s24], [sflag:$0x8], $0x80, s15, s17, $0xb8;
	[tilespmem:$0x1F010] =	vst v63  }
0x1b4: {  	_ =	swait.ge [sflag:s19], $0x1400  }
0x1b5: {  	[sflag:s19] =	ssyncset.done $0x0  }
0x1b6: {  	[sflag:s19] =	ssyncadd.s32 $0xFFFFEC00  }
0x1b7: {  	_ =	swait.ge [sflag:s23], $0x1400  }
0x1b8: {  	[sflag:s23] =	ssyncset.done $0x0  }
0x1b9: {  	[sflag:s23] =	ssyncadd.s32 $0xFFFFEC00  }
0x1ba: {  	_ =	swait.ge [sflag:s16], $0x1400  }
0x1bb: {  	[sflag:s16] =	ssyncset.done $0x0  }
0x1bc: {  	[sflag:s16] =	ssyncadd.s32 $0xFFFFEC00  }
0x1bd: {  	_ =	swait.ge [sflag:s21], $0x1400  }
0x1be: {  	[sflag:s21] =	ssyncset.done $0x0  }
0x1bf: {  	s2 =	simm.s32 $0xC;
	[sflag:s21] =	ssyncadd.s32 $0xFFFFEC00  }
0x1c0: {  	_ =	swait.ge [sflag:s2], $0x400  }
0x1c1: {  	[sflag:s2] =	ssyncset.done $0x0  }
0x1c2: {  	s4 =	simm.s32 $0xD;
	[sflag:s2] =	ssyncadd.s32 $0xFFFFFC00  }
0x1c3: {  	_ =	swait.ge [sflag:s4], $0x400  }
0x1c4: {  	[sflag:s4] =	ssyncset.done $0x0  }
0x1c5: {  	s13 =	simm.s32 $0xE;
	[sflag:s4] =	ssyncadd.s32 $0xFFFFFC00  }
0x1c6: {  	_ =	swait.ge [sflag:s13], $0x140  }
0x1c7: {  	s6 =	simm.s32 $0x0;
	s14 =	simm.s32 $0x1000;
	[sflag:s13] =	ssyncset.done $0x0  }
0x1c8: {  	s15 =	simm.s32 $0xF;
	s8 =	rddreg [dreg:$0x1f];
	[sflag:s13] =	ssyncadd.s32 $0xFFFFFEC0  }
0x1c9: {  	[tilespmem:s14], [sflag:$0xF] =	stream.linear.gather [hbm4b:s8+s6], $0x28, $0x38;
	[tilespmem:$0x1F010] =	vst v63  }
0x1ca: {  	_ =	swait.ge [sflag:s15], $0x28  }
0x1cb: {  	s2 =	sld [smem:$0x7F2]  }
0x1cc: {  	[sflag:s15] =	ssyncset.done $0x0  }
0x1cd: {  	s5 =	simm.s32 $0x1080;
	[sflag:s15] =	ssyncadd.s32 $0xFFFFFFD8  }
0x1ce: {  	[tilespmem:s5], [sflag:$0xF] =	stream.linear.gather [hbm4b:s2+s6], $0x28, $0x38;
	[tilespmem:$0x1F010] =	vst v63  }
0x1cf: {  	_ =	swait.ge [sflag:s15], $0x28  }
0x1d0: {  	[sflag:s15] =	ssyncset.done $0x0  }
0x1d1: {  	[sflag:s15] =	ssyncadd.s32 $0xFFFFFFD8  }
0x1d2: {  	[tilespmem:s18], [sflag:$0x1] =	stream.indirect.gather [hbm4b:s1+s17], $0x80, s14, s17, $0xb8;
	[tilespmem:$0x1F010] =	vst v63  }
0x1d3: {  	_ =	swait.ge [sflag:s30], $0x1400  }
0x1d4: {  	[sflag:s30] =	ssyncset.done $0x0  }
0x1d5: {  	[sflag:s30] =	ssyncadd.s32 $0xFFFFEC00  }
0x1d6: {  	v2 =	vld [tilespmem:$0x1080];
	_ =	sdelay $0x7  }
0x1d7: {  	[tilespmem:v2+s25+$0x0] =	vst.idx.add.f32.msk $0xffff, v1  }
0x1d8: {  	v2 =	vld [tilespmem:$0x1090];
	_ =	sdelay $0x7  }
0x1d9: {  	[tilespmem:v2+s25+$0x0] =	vst.idx.add.f32.msk $0xffff, v1  }
0x1da: {  	v2 =	vld [tilespmem:$0x1098];
	_ =	sdelay $0x7  }
0x1db: {  	[tilespmem:v2+s25+$0x0] =	vst.idx.add.f32.msk vm0, v1  }
0x1dc: {  	[spmem:s3] =	stream.indirect.scatter.add.f32 [tilespmem:s18], [sflag:$0xF], $0x80, s5, s17, $0xb8;
	[tilespmem:$0x1F010] =	vst v63  }
0x1dd: {  	_ =	swait.ge [sflag:s15], $0x1400  }
0x1de: {  	s7 =	sld [smem:$0x7F3]  }
0x1df: {  	[sflag:s15] =	ssyncset.done $0x0  }
0x1e0: {  	[sflag:s15] =	ssyncadd.s32 $0xFFFFEC00  }
0x1e1: {  	[tilespmem:s14], [sflag:$0xF] =	stream.linear.gather [hbm4b:s7+s6], $0x28, $0x38;
	[tilespmem:$0x1F010] =	vst v63  }
0x1e2: {  	_ =	swait.ge [sflag:s15], $0x28  }
0x1e3: {  	s9 =	sld [smem:$0x7F5]  }
0x1e4: {  	[sflag:s15] =	ssyncset.done $0x0  }
0x1e5: {  	[sflag:s15] =	ssyncadd.s32 $0xFFFFFFD8  }
0x1e6: {  	[tilespmem:s5], [sflag:$0xF] =	stream.linear.gather [hbm4b:s9+s6], $0x28, $0x38;
	[tilespmem:$0x1F010] =	vst v63  }
0x1e7: {  	_ =	swait.ge [sflag:s15], $0x28  }
0x1e8: {  	[sflag:s15] =	ssyncset.done $0x0  }
0x1e9: {  	[sflag:s15] =	ssyncadd.s32 $0xFFFFFFD8  }
0x1ea: {  	[tilespmem:s18], [sflag:$0x1] =	stream.indirect.gather [hbm4b:s1+s17], $0x80, s14, s17, $0xb8;
	[tilespmem:$0x1F010] =	vst v63  }
0x1eb: {  	_ =	swait.ge [sflag:s30], $0x1400  }
0x1ec: {  	[sflag:s30] =	ssyncset.done $0x0  }
0x1ed: {  	[sflag:s30] =	ssyncadd.s32 $0xFFFFEC00  }
0x1ee: {  	v2 =	vld [tilespmem:$0x1080];
	_ =	sdelay $0x7  }
0x1ef: {  	[tilespmem:v2+s25+$0x0] =	vst.idx.add.f32.msk $0xffff, v1  }
0x1f0: {  	v2 =	vld [tilespmem:$0x1090];
	_ =	sdelay $0x7  }
0x1f1: {  	[tilespmem:v2+s25+$0x0] =	vst.idx.add.f32.msk $0xffff, v1  }
0x1f2: {  	v2 =	vld [tilespmem:$0x1098];
	_ =	sdelay $0x7  }
0x1f3: {  	[tilespmem:v2+s25+$0x0] =	vst.idx.add.f32.msk vm0, v1  }
0x1f4: {  	[spmem:s3] =	stream.indirect.scatter.add.f32 [tilespmem:s18], [sflag:$0xF], $0x80, s5, s17, $0xb8;
	[tilespmem:$0x1F010] =	vst v63  }
0x1f5: {  	_ =	swait.ge [sflag:s15], $0x1400  }
0x1f6: {  	[sflag:s15] =	ssyncset.done $0x0  }
0x1f7: {  	[sflag:s15] =	ssyncadd.s32 $0xFFFFEC00  }
0x1f8: {  	[bflag:$0x0] =	sbarrier.arrive $0xFFFF  }
0x1f9: {  	s10 =	sld [smem:$0x7F6]  }
0x1fa: {  	s12 =	sld [smem:$0x7EF];
	_ =	sdelay $0x1  }
0x1fb: {  	s14 =	rddreg [dreg:$0x1c]  }
0x1fc: {  	[hbm:s10], [sflag:s14] =	dma.local [spmem:s12], $0x2800  }
0x1fd: {  	_ =	swait.ge [sflag:s15], $0x2800  }
0x1fe: {  	[sflag:s15] =	ssyncset.done $0x0  }
0x1ff: {  	s13 =	rddreg [dreg:$0x19];
	[sflag:s15] =	ssyncadd.s32 $0xFFFFD800  }
0x200: {  	[spmem:s13] =	stream.linear.scatter [tilespmem:s25], [sflag:$0xF], $0x2710, $0x38;
	[tilespmem:$0x1F010] =	vst v63  }
0x201: {  	_ =	swait.ge [sflag:s15], $0x2710  }
0x202: {  	[sflag:s15] =	ssyncset.done $0x0  }
0x203: {  	[sflag:s15] =	ssyncadd.s32 $0xFFFFD8F0  }
0x204: {  	[bflag:$0x0] =	sbarrier.arrive $0xFFFF  }
0x205: {  	[tilespmem:$0x8B80] =	vst v0  }
0x206: {  	[tilespmem:$0x8B90] =	vst v0  }
0x207: {  	[tilespmem:$0x8BA0] =	vst v0  }
0x208: {  	[tilespmem:$0x8BB0] =	vst v0  }
0x209: {  	[tilespmem:$0x8BC0] =	vst v0  }
0x20a: {  	[tilespmem:$0x8BD0] =	vst v0  }
0x20b: {  	[tilespmem:$0x8BE0] =	vst v0  }
0x20c: {  	[tilespmem:$0x8BF0] =	vst v0  }
0x20d: {  	[tilespmem:$0x8C00] =	vst v0  }
0x20e: {  	[tilespmem:$0x8C10] =	vst v0  }
0x20f: {  	[tilespmem:$0x8C20] =	vst v0  }
0x210: {  	[tilespmem:$0x8C30] =	vst v0  }
0x211: {  	[tilespmem:$0x8C40] =	vst v0  }
0x212: {  	[tilespmem:$0x8C50] =	vst v0  }
0x213: {  	[tilespmem:$0x8C60] =	vst v0  }
0x214: {  	[tilespmem:$0x8C70] =	vst v0  }
0x215: {  	[tilespmem:$0x8C80] =	vst v0  }
0x216: {  	[tilespmem:$0x8C90] =	vst v0  }
0x217: {  	[tilespmem:$0x8CA0] =	vst v0  }
0x218: {  	[tilespmem:$0x8CB0] =	vst v0  }
0x219: {  	[tilespmem:$0x8CC0] =	vst v0  }
0x21a: {  	[tilespmem:$0x8CD0] =	vst v0  }
0x21b: {  	[tilespmem:$0x8CE0] =	vst v0  }
0x21c: {  	[tilespmem:$0x8CF0] =	vst v0  }
0x21d: {  	[tilespmem:$0x8D00] =	vst v0  }
0x21e: {  	[tilespmem:$0x8D10] =	vst v0  }
0x21f: {  	[tilespmem:$0x8D20] =	vst v0  }
0x220: {  	[tilespmem:$0x8D30] =	vst v0  }
0x221: {  	[tilespmem:$0x8D40] =	vst v0  }
0x222: {  	[tilespmem:$0x8D50] =	vst v0  }
0x223: {  	[tilespmem:$0x8D60] =	vst v0  }
0x224: {  	[tilespmem:$0x8D70] =	vst v0  }
0x225: {  	[tilespmem:$0x8D80] =	vst v0  }
0x226: {  	[tilespmem:$0x8D90] =	vst v0  }
0x227: {  	[tilespmem:$0x8DA0] =	vst v0  }
0x228: {  	[tilespmem:$0x8DB0] =	vst v0  }
0x229: {  	[tilespmem:$0x8DC0] =	vst v0  }
0x22a: {  	[tilespmem:$0x8DD0] =	vst v0  }
0x22b: {  	[tilespmem:$0x8DE0] =	vst v0  }
0x22c: {  	s4 =	simm.s32 $0x0;
	s2 =	simm.s32 $0x8E00;
	[tilespmem:$0x8DF0] =	vst v0;
	s10 =	rddreg [dreg:$0x1a]  }
.LBB2_6:
0x22d: {  	s8 =	smul.u32 $0x9C40, s6;
	_ =	sdelay $0x1  }
0x22e: {  	s8 =	sshra.s32 s8, $0x2  }
0x22f: {  	s8 =	sadd.s32 s8, s10  }
0x230: {  	[tilespmem:s2], [sflag:$0xF] =	stream.linear.gather [spmem:s8], $0x280, $0x38;
	[tilespmem:$0x1F010] =	vst v63  }
0x231: {  	_ =	swait.ge [sflag:s15], $0x280  }
0x232: {  	[sflag:s15] =	ssyncset.done $0x0  }
0x233: {  	s8 =	simm.s32 $0x0;
	[sflag:s15] =	ssyncadd.s32 $0xFFFFFD80  }
0x234: {  	s13 =	simm.s32 $0x40;
	v2 =	vld [tilespmem:s8+$0x8E00]  }
.LBB2_7:
0x235: {  	p0 =	sne.s32 s13, $0x9C0;
	v3 =	vld [tilespmem:s8+$0x8B80];
	_ =	sdelay $0x2  }
.Ltmp2:
0x236: {  	(pc) =	sbr.rel @p0 .LBB2_7-.Ltmp2, $4  }
0x237: {  	_ = 	snop  }
0x238: {  	v3 =	vadd.f32 v2, v3  }
0x239: {  	s9 =	sshra.s32 s13, $0x2  }
0x23a: {  	s13 =	sadd.s32 $0x40, s13;
	v2 =	vld [tilespmem:s9+$0x8E00];
	[tilespmem:s8+$0x8B80] =	vst v3;
	s8 =	smov.u32 s9  }
0x23b: {  	v3 =	vld [tilespmem:s8+$0x8B80]  }
0x23c: {  	s6 =	sadd.s32 $0x1, s6  }
0x23d: {  	p0 =	sne.s32 s6, $0x10  }
.Ltmp3:
0x23e: {  	_ = 	snop;
	(pc) =	sbr.rel @p0 .LBB2_6-.Ltmp3, $3  }
0x23f: {  	_ = 	snop  }
0x240: {  	v2 =	vadd.f32 v2, v3;
	_ =	sdelay $0x1  }
0x241: {  	[tilespmem:s8+$0x8B80] =	vst v2  }
0x242: {  	s6 =	sld [smem:$0x7F7];
	_ =	sdelay $0x1  }
0x243: {  	s2 =	simm.s32 $0x8B80  }
0x244: {  	[hbm4b:s6+s4] =	stream.linear.scatter [tilespmem:s2], [sflag:$0xF], $0x280, $0x38;
	[tilespmem:$0x1F010] =	vst v63  }
0x245: {  	_ =	swait.ge [sflag:s15], $0x280  }
0x246: {  	s12 =	sld [smem:$0x7F0]  }
0x247: {  	s13 =	sld [smem:$0x7F8];
	_ =	sdelay $0x1  }
0x248: {  	s2 =	sadd.s32 $0x1, s12  }
0x249: {  	p0 =	sne.s32 s2, s13  }
.Ltmp4:
0x24a: {  	_ = 	snop;
	(pc) =	sbr.rel @p0 .LBB2_1-.Ltmp4, $4  }
0x24b: {  	_ = 	snop  }
0x24c: {  	s8 =	simm.s32 $0x1100;
	s9 =	simm.s32 $0x9  }
0x24d: {  	s5 =	simm.s32 $0xA;
	s7 =	simm.s32 $0xB;
	[sflag:s15] =	ssyncset.done $0x0  }
0x24e: {  	[sflag:s15] =	ssyncadd.s32 $0xFFFFFD80;
	s12 =	simm.s32 $0x800;
	s13 =	simm.s32 $0xC00  }
0x24f: {  	_ =	sfence.sel $0x180000  }
0x250: {  	[bflag:$0x0] =	sbarrier.arrive $0xFFFF  }
0x251: {  	_ =	strace $0x90000047  }
0x252: {  	s0 =	stileid.u32;
	[bflag:$0x2] =	sbarrier.arrive $0xFFFF  }
0x253: {  	p0 =	sne.s32 s0, $0x0;
	s0 =	rddreg [dreg:$0x5]  }
0x254: {  	s0 =	sadd.s32 @!p0 $0x100000, s0  }
0x255: {  	[sflag:s0] =	ssyncadd.tile.s32 @!p0 $0x1;
	_ =	shalt  }
.Lfunc_end2:
_tile_overlayer_lowered:
.L_overlay_start_2:
0x256: {  	(tag) =	ssettag $0x2  }
0x257: {  	s0 =	rddreg [dreg:$0x0];
	s2 =	stileid.u32  }
0x258: {  	s1 =	rddreg [dreg:$0x1];
	p0 =	sne.s32 s2, $0x0  }
0x259: {  	s3 =	rddreg [dreg:$0x2];
	[bflag:$0x3] =	sbarrier.arrive $0xFFFF;
	s2 =	simm.s32 @!p0 $0x1C0F  }
0x25a: {  	[timem:s3], [sflag:s2] =	dma.local @!p0 [hbm:s0], s1  }
0x25b: {  	s0 =	simm.s32 @!p0 $0xF  }
0x25c: {  	_ =	swait.ge @!p0 [sflag:s0], s1  }
0x25d: {  	s1 =	ssub.s32 @!p0 $0x0, s1;
	[sflag:s0] =	ssyncset.done @!p0 $0x0  }
0x25e: {  	[sflag:s0] =	ssyncadd.s32 @!p0 s1  }
0x25f: {  	[bflag:$0x3] =	sbarrier.arrive $0xFFFF  }
0x260: {  	_ =	shalt  }

</sc_bundles>
